<compile_context>
chip_gen: v7x
topology: tpu7x:2x2x1
jax: 0.10.2.dev20260603
libtpu: 0.0.44.dev20260713+nightly
codegen_flags: <defaults>
</compile_context>

<pallas_src>
import functools
import math

import jax
import jax.numpy as jnp
from jax.experimental import pallas as pl
from jax.experimental.pallas import tpu as pltpu
from jax.experimental.pallas import tpu_sc as plsc

_RATES = [1, 2, 4, 8]
_OUTCH = 128
_K1 = 16
_STEP = 4
_KMAX = 128
_K = 16
_NW = 32
_CHUNK = 128


def _graph_positions(r):
    sn = (_K1 // _STEP) * (r - 1 + _STEP)
    n_iter = math.ceil(sn // (r - 1 + _STEP))
    pos = []
    for i in range(n_iter):
        lo = (i + 1) * (r - 1) + i * _STEP
        hi = sn if i == n_iter - 1 else (i + 1) * (r - 1 + _STEP)
        pos.extend(range(lo, hi))
    return pos


def _ann_positions(r):
    if r == 1:
        return list(range(16))
    return [0] + list(range((r - 1) * 16, r * 16 - 1))



_ROWS = 1024
_LO = 63
_HI = 112
_SKIP = _HI - _LO


def _knn_kernel(xq_ref, xat_ref, out_ref, d2_ref):
    R = xq_ref.shape[1]
    N = xat_ref.shape[2]
    dx = xq_ref[0, :, 0:1] - xat_ref[0, 0:1, :]
    dy = xq_ref[0, :, 1:2] - xat_ref[0, 1:2, :]
    dz = xq_ref[0, :, 2:3] - xat_ref[0, 2:3, :]
    d2_ref[...] = dx * dx + dy * dy + dz * dz
    iota = jax.lax.broadcasted_iota(jnp.int32, (R, N), 1)
    kiota = jax.lax.broadcasted_iota(jnp.int32, (R, _KMAX), 1)

    def body(t, acc):
        d2 = d2_ref[...]
        v = jnp.min(d2, axis=1, keepdims=True)
        ix = jnp.min(jnp.where(d2 == v, iota, N), axis=1, keepdims=True)
        d2_ref[...] = jnp.where(iota == ix, jnp.inf, d2)
        return jnp.where(kiota == t, ix, acc)

    acc = jnp.zeros((R, _KMAX), jnp.int32)
    acc = jax.lax.fori_loop(0, _LO, body, acc)

    def bit_body(b, p):
        t2 = p | (jnp.int32(1) << (30 - b))
        bits = jax.lax.bitcast_convert_type(d2_ref[...], jnp.int32)
        c = jnp.sum((bits < t2).astype(jnp.int32), axis=1, keepdims=True)
        return jnp.where(c >= _SKIP, p, t2)

    V = jax.lax.fori_loop(0, 31, bit_body, jnp.zeros((R, 1), jnp.int32))
    bits = jax.lax.bitcast_convert_type(d2_ref[...], jnp.int32)
    removed = jnp.sum((bits < V).astype(jnp.int32), axis=1, keepdims=True)
    d2_ref[...] = jnp.where(bits < V, jnp.inf, d2_ref[...])

    def mop_cond(st):
        return jnp.any(st[0] < _SKIP)

    def mop(st):
        rem, _ = st
        d2 = d2_ref[...]
        b2 = jax.lax.bitcast_convert_type(d2, jnp.int32)
        ix = jnp.min(jnp.where((b2 == V) & (rem < _SKIP), iota, 1 << 30),
                     axis=1, keepdims=True)
        d2_ref[...] = jnp.where(iota == ix, jnp.inf, d2)
        return rem + (ix < (1 << 30)).astype(jnp.int32), 0

    removed, _ = jax.lax.while_loop(mop_cond, mop, (removed, 0))

    out_ref[0] = jax.lax.fori_loop(_HI, 127, body, acc)


def _knn_top128(xyz):
    B, N, _ = xyz.shape
    xyzT = jnp.transpose(xyz, (0, 2, 1))
    return pl.pallas_call(
        _knn_kernel,
        grid=(B, N // _ROWS),
        in_specs=[
            pl.BlockSpec((1, _ROWS, 3), lambda b, i: (b, i, 0)),
            pl.BlockSpec((1, 3, N), lambda b, i: (b, 0, 0)),
        ],
        out_specs=pl.BlockSpec((1, _ROWS, _KMAX), lambda b, i: (b, i, 0)),
        out_shape=jax.ShapeDtypeStruct((B, N, _KMAX), jnp.int32),
        scratch_shapes=[pltpu.VMEM((_ROWS, N), jnp.float32)],
    )(xyz, xyzT)



def _mm_kernel(x_ref, w_ref, o_ref):
    o_ref[...] = jnp.dot(x_ref[...], w_ref[...],
                         preferred_element_type=jnp.float32)


def _mm(x, w):
    P, C = x.shape
    O = w.shape[1]
    BLK = 1024
    return pl.pallas_call(
        _mm_kernel,
        grid=(P // BLK,),
        in_specs=[
            pl.BlockSpec((BLK, C), lambda i: (i, 0)),
            pl.BlockSpec((C, O), lambda i: (0, 0)),
        ],
        out_specs=pl.BlockSpec((BLK, O), lambda i: (i, 0)),
        out_shape=jax.ShapeDtypeStruct((P, O), jnp.float32),
    )(x, w)


def _mm2_kernel(x_ref, w_ref, o_ref):
    o_ref[0] = jnp.dot(x_ref[0], w_ref[0],
                       preferred_element_type=jnp.float32)


def _mm2(x, w):
    _, P, C = x.shape
    O = w.shape[2]
    BLK = 1024
    return pl.pallas_call(
        _mm2_kernel,
        grid=(2, P // BLK),
        in_specs=[
            pl.BlockSpec((1, BLK, C), lambda j, i: (j, i, 0)),
            pl.BlockSpec((1, C, O), lambda j, i: (j, 0, 0)),
        ],
        out_specs=pl.BlockSpec((1, BLK, O), lambda j, i: (j, i, 0)),
        out_shape=jax.ShapeDtypeStruct((2, P, O), jnp.float32),
    )(x, w)



def _sc_gather(table, idx):
    R = idx.shape[0]
    per_w = R // _NW
    n_chunks = per_w // _CHUNK
    mesh = plsc.VectorSubcoreMesh(core_axis_name="c", subcore_axis_name="s")

    NB = 8

    @functools.partial(
        pl.kernel,
        out_type=jax.ShapeDtypeStruct((R, 32), jnp.float32),
        mesh=mesh,
        compiler_params=pltpu.CompilerParams(use_tc_tiling_on_sc=False),
        scratch_types=[
            pltpu.VMEM((per_w,), jnp.int32),
        ] + [pltpu.VMEM((_CHUNK, 32), jnp.float32)] * NB
          + [pltpu.SemaphoreType.DMA],
    )
    def gather_k(table_hbm, idx_hbm, out_hbm, idx_v, *bufsem):
        bufs, sem = bufsem[:NB], bufsem[NB]
        wid = jax.lax.axis_index("s") * 2 + jax.lax.axis_index("c")
        base = wid * per_w
        pltpu.sync_copy(idx_hbm.at[pl.ds(base, per_w)], idx_v)

        def body(i, carry):
            c = i * NB
            cps = [
                pltpu.async_copy(
                    table_hbm.at[idx_v.at[pl.ds((c + j) * _CHUNK, _CHUNK)]],
                    bufs[j], sem)
                for j in range(NB)
            ]
            for j in range(NB):
                cps[j].wait()
            for j in range(NB):
                pltpu.sync_copy(
                    bufs[j], out_hbm.at[pl.ds(base + (c + j) * _CHUNK, _CHUNK)])
            return carry

        jax.lax.fori_loop(0, n_chunks // NB, body, 0)

    return gather_k(table, idx)



def _reduce_kernel(g_ref, y_ref, m_ref, s_ref, q_ref):
    y = y_ref[...]
    h = g_ref[0] - y
    m, s, q = h, h, h * h
    for k in range(1, _K):
        h = g_ref[k] - y
        m = jnp.maximum(m, h)
        s = s + h
        q = q + h * h
    m_ref[...] = m
    s_ref[...] = s
    q_ref[...] = q


def _nbhd_reduce(g, y):
    P = y.shape[0]
    BLK = 1024
    sds = jax.ShapeDtypeStruct((P, 32), jnp.float32)
    return pl.pallas_call(
        _reduce_kernel,
        grid=(P // BLK,),
        in_specs=[
            pl.BlockSpec((_K, BLK, 32), lambda i: (0, i, 0)),
            pl.BlockSpec((BLK, 32), lambda i: (i, 0)),
        ],
        out_specs=[pl.BlockSpec((BLK, 32), lambda i: (i, 0))] * 3,
        out_shape=[sds, sds, sds],
    )(g, y)



def kernel(xyz, features, params):
    B, N, _ = xyz.shape
    P = B * N
    idx = _knn_top128(xyz)
    bbase = (jnp.arange(B, dtype=jnp.int32) * N)[:, None, None]

    def sel_flat(positions, table_off):
        p = jnp.array(positions, dtype=jnp.int32)
        s = idx[:, :, p] + bbase
        return s.reshape(P, _K).T + table_off

    feat_g = features
    feat_a = features
    graph_list = []
    ann_list = []
    cnt = jnp.float32(P * _K)
    for i, r in enumerate(_RATES):
        x2 = jnp.stack([feat_g.reshape(P, -1), feat_a.reshape(P, -1)])
        w2 = jnp.stack([params['dg_W%d' % i].T, params['ad_W%d' % i].T])
        Y = _mm2(x2, w2).reshape(2 * P, 32)
        IDX = jnp.concatenate(
            [sel_flat(_graph_positions(r), 0),
             sel_flat(_ann_positions(r), P)], axis=1)
        G = _sc_gather(Y, IDX.reshape(-1)).reshape(_K, 2 * P, 32)
        m, s, q = _nbhd_reduce(G, Y)
        outs = []
        for half, (gn, bn) in enumerate(
                [(params['dg_g%d' % i], params['dg_be%d' % i]),
                 (params['ad_g%d' % i], params['ad_be%d' % i])]):
            mh = m[half * P:(half + 1) * P]
            mean = jnp.sum(s[half * P:(half + 1) * P], axis=0) / cnt
            var = jnp.sum(q[half * P:(half + 1) * P], axis=0) / cnt - mean * mean
            f = jax.nn.relu((mh - mean) / jnp.sqrt(var + 1e-5) * gn + bn)
            outs.append(f.reshape(B, N, 32))
        graph_list.append(outs[0])
        ann_list.append(outs[1])
        feat_g = jnp.concatenate([feat_g, outs[0]], axis=-1)
        feat_a = jnp.concatenate([feat_a, outs[1]], axis=-1)

    fusion = jnp.concatenate(graph_list + ann_list, axis=-1)
    z = _mm(fusion.reshape(P, 2 * _OUTCH), params['fuse_W'].T)
    z = z.reshape(B, N, _OUTCH)
    mean = jnp.mean(z, axis=(0, 1))
    var = jnp.var(z, axis=(0, 1))
    h = (z - mean) / jnp.sqrt(var + 1e-5) * params['fuse_g'] + params['fuse_be']
    return jax.nn.relu(h)

# --- scband reference (transcript-rebuilt; emitter-appended) ---
"""Pipeline reference for scband-dagfusion-45612552683645 (READ-ONLY COPY).

The authoritative reference and input builder live on the scoring server;
editing this copy changes nothing except your own understanding.
"""

import math
import jax, jax.numpy as jnp
import numpy as np

RATES = [1, 2, 4, 8]
INCH = 64
OUTCH = 128
K1 = 16
K2 = 16
STEP = 4
B, N = 4, 2048


def _knn_ids(xyz, k):
    # Faithful stand-in for pointnet2_utils.ball_query(16, k, xyz, xyz): with radius 16
    # and unit-cube points every point is in the ball; neighbors are taken nearest-first
    # (distance-sorted), matching the 'xyz_knn_ids' semantics the module relies on.
    d2 = jnp.sum((xyz[:, :, None, :] - xyz[:, None, :, :]) ** 2, axis=-1)  # [B,N,N]
    _, idx = jax.lax.top_k(-d2, k)  # nearest first; self (dist 0) is index 0
    return idx  # [B,N,k] int32


def _group(x_cn, idx):
    # grouping_operation: x_cn [B,C,N], idx [B,N,K] -> [B,C,N,K]
    return jax.vmap(lambda xb, ib: xb[:, ib])(x_cn, idx)


def _graph_sample_num(r):
    s, step = K1, STEP
    return int(s // step) * (r - 1 + step) + math.ceil((s // step - int(s // step)) * (r - 1 + step))


def _graph_select(ids, r):
    step = STEP
    sn = ids.shape[-1]
    n_iter = math.ceil(sn // (r - 1 + step))
    parts = []
    for i in range(n_iter):
        lo = (i + 1) * (r - 1) + i * step
        if i == n_iter - 1:
            parts.append(ids[:, :, lo:])
        else:
            parts.append(ids[:, :, lo:(i + 1) * (r - 1 + step)])
    return jnp.concatenate(parts, axis=-1)


def _annular_select(ids, r):
    s = K2
    if r == 1:
        return ids[:, :, :s]
    return jnp.concatenate([ids[:, :, 0:1], ids[:, :, (r - 1) * s:r * s - 1]], axis=-1)


def _conv_bn_relu_max(gf, f_cn, W, b, g, be):
    # edge features = gathered - center; 1x1 Conv2d; BatchNorm2d (training-mode batch stats);
    # ReLU; max over neighborhood dim
    gf = gf - f_cn[:, :, :, None]
    h = jnp.einsum('oc,bcnk->bonk', W, gf) + b[None, :, None, None]
    mean = jnp.mean(h, axis=(0, 2, 3), keepdims=True)
    var = jnp.var(h, axis=(0, 2, 3), keepdims=True)
    h = (h - mean) / jnp.sqrt(var + 1e-5) * g[None, :, None, None] + be[None, :, None, None]
    h = jax.nn.relu(h)
    out = jnp.max(h, axis=-1)  # [B,O,N]
    return jnp.transpose(out, (0, 2, 1))  # [B,N,O]


def _forward(xyz, features, params):
    # DilatedGraphConv dense branch
    feat_g = features
    graph_list = []
    for i, r in enumerate(RATES):
        ids = _knn_ids(xyz, _graph_sample_num(r))
        sel = _graph_select(ids, r)
        f_cn = jnp.transpose(feat_g, (0, 2, 1))
        gf = _group(f_cn, sel)
        fg = _conv_bn_relu_max(gf, f_cn, params['dg_W%d' % i], params['dg_b%d' % i], params['dg_g%d' % i], params['dg_be%d' % i])
        feat_g = jnp.concatenate([feat_g, fg], axis=-1)
        graph_list.append(fg)
    feat_graph = jnp.concatenate(graph_list, axis=-1)
    # AnnularDilatedConv dense branch
    feat_a = features
    ann_list = []
    for i, r in enumerate(RATES):
        ids = _knn_ids(xyz, K2 * r)
        sel = _annular_select(ids, r)
        f_cn = jnp.transpose(feat_a, (0, 2, 1))
        gf = _group(f_cn, sel)
        fa = _conv_bn_relu_max(gf, f_cn, params['ad_W%d' % i], params['ad_b%d' % i], params['ad_g%d' % i], params['ad_be%d' % i])
        feat_a = jnp.concatenate([feat_a, fa], axis=-1)
        ann_list.append(fa)
    feat_ann = jnp.concatenate(ann_list, axis=-1)
    # fusion: Conv1d(256->128) + BatchNorm1d + ReLU
    fusion = jnp.concatenate([feat_graph, feat_ann], axis=-1)  # [B,N,256]
    h = jnp.einsum('oc,bnc->bon', params['fuse_W'], fusion) + params['fuse_b'][None, :, None]
    mean = jnp.mean(h, axis=(0, 2), keepdims=True)
    var = jnp.var(h, axis=(0, 2), keepdims=True)
    h = (h - mean) / jnp.sqrt(var + 1e-5) * params['fuse_g'][None, :, None] + params['fuse_be'][None, :, None]
    h = jax.nn.relu(h)
    return jnp.transpose(h, (0, 2, 1))  # [B,N,128]


def setup_inputs(seed: int = 0):
    key = jax.random.key(seed)
    kx, kf, kp = jax.random.split(key, 3)
    xyz = jax.random.uniform(kx, (B, N, 3), dtype=jnp.float32)
    features = jax.random.normal(kf, (B, N, INCH), dtype=jnp.float32)
    params = {}
    oc = OUTCH // 4
    k = kp
    for i in range(len(RATES)):
        cin = INCH + i * oc
        k, k1, k2 = jax.random.split(k, 3)
        params['dg_W%d' % i] = jax.random.normal(k1, (oc, cin), dtype=jnp.float32) / np.sqrt(cin)
        params['dg_b%d' % i] = jnp.zeros((oc,), jnp.float32)
        params['dg_g%d' % i] = jnp.ones((oc,), jnp.float32)
        params['dg_be%d' % i] = jnp.zeros((oc,), jnp.float32)
        params['ad_W%d' % i] = jax.random.normal(k2, (oc, cin), dtype=jnp.float32) / np.sqrt(cin)
        params['ad_b%d' % i] = jnp.zeros((oc,), jnp.float32)
        params['ad_g%d' % i] = jnp.ones((oc,), jnp.float32)
        params['ad_be%d' % i] = jnp.zeros((oc,), jnp.float32)
    k, kw = jax.random.split(k)
    params['fuse_W'] = jax.random.normal(kw, (OUTCH, OUTCH * 2), dtype=jnp.float32) / np.sqrt(OUTCH * 2)
    params['fuse_b'] = jnp.zeros((OUTCH,), jnp.float32)
    params['fuse_g'] = jnp.ones((OUTCH,), jnp.float32)
    params['fuse_be'] = jnp.zeros((OUTCH,), jnp.float32)
    return {'xyz': xyz, 'features': features, 'params': params}


def reference(xyz, features, params):
    return _forward(xyz, features, params)

if __name__ == "__main__":
    import jax
    _d = setup_inputs()
    print(jax.jit(kernel)(*tuple(_d.values())))

</pallas_src>

<mosaic_0001>
#map = affine_map<(d0, d1) -> (0, 0)>
#map1 = affine_map<(d0, d1) -> (0)>
module attributes {stable_mosaic.version = 14 : i64} {
  func.func @gather_k(%arg0: i32, %arg1: i32, %arg2: memref<16384x32xf32, #tpu.memory_space<hbm>>, %arg3: memref<262144xi32, #tpu.memory_space<hbm>>, %arg4: memref<262144x32xf32, #tpu.memory_space<hbm>>, %arg5: memref<8192xi32, #tpu.memory_space<vmem>>, %arg6: memref<128x32xf32, #tpu.memory_space<vmem>>, %arg7: memref<128x32xf32, #tpu.memory_space<vmem>>, %arg8: memref<128x32xf32, #tpu.memory_space<vmem>>, %arg9: memref<128x32xf32, #tpu.memory_space<vmem>>, %arg10: memref<128x32xf32, #tpu.memory_space<vmem>>, %arg11: memref<128x32xf32, #tpu.memory_space<vmem>>, %arg12: memref<128x32xf32, #tpu.memory_space<vmem>>, %arg13: memref<128x32xf32, #tpu.memory_space<vmem>>, %arg14: memref<!tpu.dma_semaphore, #tpu.memory_space<semaphore_mem>>) attributes {dimension_semantics = [#tpu.dimension_semantics<core_parallel>, #tpu.dimension_semantics<subcore_parallel>], iteration_bounds = array<i64: 2, 16>, scalar_prefetch = 0 : i64, scratch_operands = 10 : i64, tpu.core_type = #tpu.core_type<sc_vector_subcore>, window_params = [{transform_indices = #map}, {transform_indices = #map1}, {transform_indices = #map}]} {
    %mul3A = arith.constant 2 : i32
    %mul3A_0 = arith.muli %arg1, %mul3A : i32
    %add3A = arith.addi %mul3A_0, %arg0 : i32
    %mul3A_1 = arith.constant 8192 : i32
    %mul3A_2 = arith.muli %add3A, %mul3A_1 : i32
    "tpu.region"() ({
      %run_scoped3A = tpu.sem_alloc : memref<!tpu.dma_semaphore, #tpu.memory_space<semaphore_mem>>
      %dma_start3A = tpu.memref_slice %arg3[%mul3A_2] : memref<262144xi32, #tpu.memory_space<hbm>> -> memref<8192xi32, #tpu.memory_space<hbm>>
      %dma_start3A_8 = tpu.memref_slice %arg3[%mul3A_2] : memref<262144xi32, #tpu.memory_space<hbm>> -> memref<8192xi32, #tpu.memory_space<hbm>>
      tpu.enqueue_dma source(%dma_start3A_8 : memref<8192xi32, #tpu.memory_space<hbm>>) target(%arg5 : memref<8192xi32, #tpu.memory_space<vmem>>) target_semaphore(%run_scoped3A : memref<!tpu.dma_semaphore, #tpu.memory_space<semaphore_mem>>)
      %dma_wait3A = tpu.memref_slice %arg3[%mul3A_2] : memref<262144xi32, #tpu.memory_space<hbm>> -> memref<8192xi32, #tpu.memory_space<hbm>>
      %dma_wait3A_9 = tpu.memref_slice %arg3[%mul3A_2] : memref<262144xi32, #tpu.memory_space<hbm>> -> memref<8192xi32, #tpu.memory_space<hbm>>
      tpu.wait_dma2 semaphore(%run_scoped3A : memref<!tpu.dma_semaphore, #tpu.memory_space<semaphore_mem>>) src(%dma_wait3A_9 : memref<8192xi32, #tpu.memory_space<hbm>>) dst(%arg5 : memref<8192xi32, #tpu.memory_space<vmem>>)
      tpu.yield
    }) : () -> ()
    %scan3A = arith.constant 0 : i32
    %scan3A_3 = arith.constant 0 : i32
    %scan3A_4 = arith.constant 8 : i32
    %scan3A_5 = arith.addi %scan3A_3, %scan3A_4 : i32
    %scan3A_6 = arith.constant 1 : i32
    scf.for %scan3A_8 = %scan3A_3 to %scan3A_5 step %scan3A_6  : i32 {
      %mul3A_9 = arith.constant 8 : i32
      %mul3A_10 = arith.muli %scan3A_8, %mul3A_9 : i32
      %add3A_11 = arith.constant 0 : i32
      %add3A_12 = arith.addi %mul3A_10, %add3A_11 : i32
      %mul3A_13 = arith.constant 128 : i32
      %mul3A_14 = arith.muli %add3A_12, %mul3A_13 : i32
      %dma_start3A = tpu.memref_slice %arg5[%mul3A_14] : memref<8192xi32, #tpu.memory_space<vmem>> -> memref<128xi32, #tpu.memory_space<vmem>>
      %dma_start3A_15 = arith.constant 0 : i32
      %dma_start3A_16 = arith.constant 0 : i32
      %dma_start3A_17 = tpu.memref_slice %arg2[%dma_start3A_15, %dma_start3A_16] : memref<16384x32xf32, #tpu.memory_space<hbm>> -> memref<16384x32xf32, #tpu.memory_space<hbm>>
      tpu.enqueue_indirect_dma source(%dma_start3A_17 : memref<16384x32xf32, #tpu.memory_space<hbm>>) target(%arg6 : memref<128x32xf32, #tpu.memory_space<vmem>>) offsets(%dma_start3A : memref<128xi32, #tpu.memory_space<vmem>>) semaphore(%arg14 : memref<!tpu.dma_semaphore, #tpu.memory_space<semaphore_mem>>)
      %add3A_18 = arith.constant 1 : i32
      %add3A_19 = arith.addi %mul3A_10, %add3A_18 : i32
      %mul3A_20 = arith.constant 128 : i32
      %mul3A_21 = arith.muli %add3A_19, %mul3A_20 : i32
      %dma_start3A_22 = tpu.memref_slice %arg5[%mul3A_21] : memref<8192xi32, #tpu.memory_space<vmem>> -> memref<128xi32, #tpu.memory_space<vmem>>
      %dma_start3A_23 = arith.constant 0 : i32
      %dma_start3A_24 = arith.constant 0 : i32
      %dma_start3A_25 = tpu.memref_slice %arg2[%dma_start3A_23, %dma_start3A_24] : memref<16384x32xf32, #tpu.memory_space<hbm>> -> memref<16384x32xf32, #tpu.memory_space<hbm>>
      tpu.enqueue_indirect_dma source(%dma_start3A_25 : memref<16384x32xf32, #tpu.memory_space<hbm>>) target(%arg7 : memref<128x32xf32, #tpu.memory_space<vmem>>) offsets(%dma_start3A_22 : memref<128xi32, #tpu.memory_space<vmem>>) semaphore(%arg14 : memref<!tpu.dma_semaphore, #tpu.memory_space<semaphore_mem>>)
      %add3A_26 = arith.constant 2 : i32
      %add3A_27 = arith.addi %mul3A_10, %add3A_26 : i32
      %mul3A_28 = arith.constant 128 : i32
      %mul3A_29 = arith.muli %add3A_27, %mul3A_28 : i32
      %dma_start3A_30 = tpu.memref_slice %arg5[%mul3A_29] : memref<8192xi32, #tpu.memory_space<vmem>> -> memref<128xi32, #tpu.memory_space<vmem>>
      %dma_start3A_31 = arith.constant 0 : i32
      %dma_start3A_32 = arith.constant 0 : i32
      %dma_start3A_33 = tpu.memref_slice %arg2[%dma_start3A_31, %dma_start3A_32] : memref<16384x32xf32, #tpu.memory_space<hbm>> -> memref<16384x32xf32, #tpu.memory_space<hbm>>
      tpu.enqueue_indirect_dma source(%dma_start3A_33 : memref<16384x32xf32, #tpu.memory_space<hbm>>) target(%arg8 : memref<128x32xf32, #tpu.memory_space<vmem>>) offsets(%dma_start3A_30 : memref<128xi32, #tpu.memory_space<vmem>>) semaphore(%arg14 : memref<!tpu.dma_semaphore, #tpu.memory_space<semaphore_mem>>)
      %add3A_34 = arith.constant 3 : i32
      %add3A_35 = arith.addi %mul3A_10, %add3A_34 : i32
      %mul3A_36 = arith.constant 128 : i32
      %mul3A_37 = arith.muli %add3A_35, %mul3A_36 : i32
      %dma_start3A_38 = tpu.memref_slice %arg5[%mul3A_37] : memref<8192xi32, #tpu.memory_space<vmem>> -> memref<128xi32, #tpu.memory_space<vmem>>
      %dma_start3A_39 = arith.constant 0 : i32
      %dma_start3A_40 = arith.constant 0 : i32
      %dma_start3A_41 = tpu.memref_slice %arg2[%dma_start3A_39, %dma_start3A_40] : memref<16384x32xf32, #tpu.memory_space<hbm>> -> memref<16384x32xf32, #tpu.memory_space<hbm>>
      tpu.enqueue_indirect_dma source(%dma_start3A_41 : memref<16384x32xf32, #tpu.memory_space<hbm>>) target(%arg9 : memref<128x32xf32, #tpu.memory_space<vmem>>) offsets(%dma_start3A_38 : memref<128xi32, #tpu.memory_space<vmem>>) semaphore(%arg14 : memref<!tpu.dma_semaphore, #tpu.memory_space<semaphore_mem>>)
      %add3A_42 = arith.constant 4 : i32
      %add3A_43 = arith.addi %mul3A_10, %add3A_42 : i32
      %mul3A_44 = arith.constant 128 : i32
      %mul3A_45 = arith.muli %add3A_43, %mul3A_44 : i32
      %dma_start3A_46 = tpu.memref_slice %arg5[%mul3A_45] : memref<8192xi32, #tpu.memory_space<vmem>> -> memref<128xi32, #tpu.memory_space<vmem>>
      %dma_start3A_47 = arith.constant 0 : i32
      %dma_start3A_48 = arith.constant 0 : i32
      %dma_start3A_49 = tpu.memref_slice %arg2[%dma_start3A_47, %dma_start3A_48] : memref<16384x32xf32, #tpu.memory_space<hbm>> -> memref<16384x32xf32, #tpu.memory_space<hbm>>
      tpu.enqueue_indirect_dma source(%dma_start3A_49 : memref<16384x32xf32, #tpu.memory_space<hbm>>) target(%arg10 : memref<128x32xf32, #tpu.memory_space<vmem>>) offsets(%dma_start3A_46 : memref<128xi32, #tpu.memory_space<vmem>>) semaphore(%arg14 : memref<!tpu.dma_semaphore, #tpu.memory_space<semaphore_mem>>)
      %add3A_50 = arith.constant 5 : i32
      %add3A_51 = arith.addi %mul3A_10, %add3A_50 : i32
      %mul3A_52 = arith.constant 128 : i32
      %mul3A_53 = arith.muli %add3A_51, %mul3A_52 : i32
      %dma_start3A_54 = tpu.memref_slice %arg5[%mul3A_53] : memref<8192xi32, #tpu.memory_space<vmem>> -> memref<128xi32, #tpu.memory_space<vmem>>
      %dma_start3A_55 = arith.constant 0 : i32
      %dma_start3A_56 = arith.constant 0 : i32
      %dma_start3A_57 = tpu.memref_slice %arg2[%dma_start3A_55, %dma_start3A_56] : memref<16384x32xf32, #tpu.memory_space<hbm>> -> memref<16384x32xf32, #tpu.memory_space<hbm>>
      tpu.enqueue_indirect_dma source(%dma_start3A_57 : memref<16384x32xf32, #tpu.memory_space<hbm>>) target(%arg11 : memref<128x32xf32, #tpu.memory_space<vmem>>) offsets(%dma_start3A_54 : memref<128xi32, #tpu.memory_space<vmem>>) semaphore(%arg14 : memref<!tpu.dma_semaphore, #tpu.memory_space<semaphore_mem>>)
      %add3A_58 = arith.constant 6 : i32
      %add3A_59 = arith.addi %mul3A_10, %add3A_58 : i32
      %mul3A_60 = arith.constant 128 : i32
      %mul3A_61 = arith.muli %add3A_59, %mul3A_60 : i32
      %dma_start3A_62 = tpu.memref_slice %arg5[%mul3A_61] : memref<8192xi32, #tpu.memory_space<vmem>> -> memref<128xi32, #tpu.memory_space<vmem>>
      %dma_start3A_63 = arith.constant 0 : i32
      %dma_start3A_64 = arith.constant 0 : i32
      %dma_start3A_65 = tpu.memref_slice %arg2[%dma_start3A_63, %dma_start3A_64] : memref<16384x32xf32, #tpu.memory_space<hbm>> -> memref<16384x32xf32, #tpu.memory_space<hbm>>
      tpu.enqueue_indirect_dma source(%dma_start3A_65 : memref<16384x32xf32, #tpu.memory_space<hbm>>) target(%arg12 : memref<128x32xf32, #tpu.memory_space<vmem>>) offsets(%dma_start3A_62 : memref<128xi32, #tpu.memory_space<vmem>>) semaphore(%arg14 : memref<!tpu.dma_semaphore, #tpu.memory_space<semaphore_mem>>)
      %add3A_66 = arith.constant 7 : i32
      %add3A_67 = arith.addi %mul3A_10, %add3A_66 : i32
      %mul3A_68 = arith.constant 128 : i32
      %mul3A_69 = arith.muli %add3A_67, %mul3A_68 : i32
      %dma_start3A_70 = tpu.memref_slice %arg5[%mul3A_69] : memref<8192xi32, #tpu.memory_space<vmem>> -> memref<128xi32, #tpu.memory_space<vmem>>
      %dma_start3A_71 = arith.constant 0 : i32
      %dma_start3A_72 = arith.constant 0 : i32
      %dma_start3A_73 = tpu.memref_slice %arg2[%dma_start3A_71, %dma_start3A_72] : memref<16384x32xf32, #tpu.memory_space<hbm>> -> memref<16384x32xf32, #tpu.memory_space<hbm>>
      tpu.enqueue_indirect_dma source(%dma_start3A_73 : memref<16384x32xf32, #tpu.memory_space<hbm>>) target(%arg13 : memref<128x32xf32, #tpu.memory_space<vmem>>) offsets(%dma_start3A_70 : memref<128xi32, #tpu.memory_space<vmem>>) semaphore(%arg14 : memref<!tpu.dma_semaphore, #tpu.memory_space<semaphore_mem>>)
      %dma_wait3A = tpu.memref_slice %arg5[%mul3A_14] : memref<8192xi32, #tpu.memory_space<vmem>> -> memref<128xi32, #tpu.memory_space<vmem>>
      %dma_wait3A_74 = arith.constant 0 : i32
      %dma_wait3A_75 = arith.constant 0 : i32
      %dma_wait3A_76 = tpu.memref_slice %arg2[%dma_wait3A_74, %dma_wait3A_75] : memref<16384x32xf32, #tpu.memory_space<hbm>> -> memref<16384x32xf32, #tpu.memory_space<hbm>>
      tpu.wait_indirect_dma semaphore(%arg14 : memref<!tpu.dma_semaphore, #tpu.memory_space<semaphore_mem>>) src(%dma_wait3A_76 : memref<16384x32xf32, #tpu.memory_space<hbm>>) dst(%arg6 : memref<128x32xf32, #tpu.memory_space<vmem>>)
      %dma_wait3A_77 = tpu.memref_slice %arg5[%mul3A_21] : memref<8192xi32, #tpu.memory_space<vmem>> -> memref<128xi32, #tpu.memory_space<vmem>>
      %dma_wait3A_78 = arith.constant 0 : i32
      %dma_wait3A_79 = arith.constant 0 : i32
      %dma_wait3A_80 = tpu.memref_slice %arg2[%dma_wait3A_78, %dma_wait3A_79] : memref<16384x32xf32, #tpu.memory_space<hbm>> -> memref<16384x32xf32, #tpu.memory_space<hbm>>
      tpu.wait_indirect_dma semaphore(%arg14 : memref<!tpu.dma_semaphore, #tpu.memory_space<semaphore_mem>>) src(%dma_wait3A_80 : memref<16384x32xf32, #tpu.memory_space<hbm>>) dst(%arg7 : memref<128x32xf32, #tpu.memory_space<vmem>>)
      %dma_wait3A_81 = tpu.memref_slice %arg5[%mul3A_29] : memref<8192xi32, #tpu.memory_space<vmem>> -> memref<128xi32, #tpu.memory_space<vmem>>
      %dma_wait3A_82 = arith.constant 0 : i32
      %dma_wait3A_83 = arith.constant 0 : i32
      %dma_wait3A_84 = tpu.memref_slice %arg2[%dma_wait3A_82, %dma_wait3A_83] : memref<16384x32xf32, #tpu.memory_space<hbm>> -> memref<16384x32xf32, #tpu.memory_space<hbm>>
      tpu.wait_indirect_dma semaphore(%arg14 : memref<!tpu.dma_semaphore, #tpu.memory_space<semaphore_mem>>) src(%dma_wait3A_84 : memref<16384x32xf32, #tpu.memory_space<hbm>>) dst(%arg8 : memref<128x32xf32, #tpu.memory_space<vmem>>)
      %dma_wait3A_85 = tpu.memref_slice %arg5[%mul3A_37] : memref<8192xi32, #tpu.memory_space<vmem>> -> memref<128xi32, #tpu.memory_space<vmem>>
      %dma_wait3A_86 = arith.constant 0 : i32
      %dma_wait3A_87 = arith.constant 0 : i32
      %dma_wait3A_88 = tpu.memref_slice %arg2[%dma_wait3A_86, %dma_wait3A_87] : memref<16384x32xf32, #tpu.memory_space<hbm>> -> memref<16384x32xf32, #tpu.memory_space<hbm>>
      tpu.wait_indirect_dma semaphore(%arg14 : memref<!tpu.dma_semaphore, #tpu.memory_space<semaphore_mem>>) src(%dma_wait3A_88 : memref<16384x32xf32, #tpu.memory_space<hbm>>) dst(%arg9 : memref<128x32xf32, #tpu.memory_space<vmem>>)
      %dma_wait3A_89 = tpu.memref_slice %arg5[%mul3A_45] : memref<8192xi32, #tpu.memory_space<vmem>> -> memref<128xi32, #tpu.memory_space<vmem>>
      %dma_wait3A_90 = arith.constant 0 : i32
      %dma_wait3A_91 = arith.constant 0 : i32
      %dma_wait3A_92 = tpu.memref_slice %arg2[%dma_wait3A_90, %dma_wait3A_91] : memref<16384x32xf32, #tpu.memory_space<hbm>> -> memref<16384x32xf32, #tpu.memory_space<hbm>>
      tpu.wait_indirect_dma semaphore(%arg14 : memref<!tpu.dma_semaphore, #tpu.memory_space<semaphore_mem>>) src(%dma_wait3A_92 : memref<16384x32xf32, #tpu.memory_space<hbm>>) dst(%arg10 : memref<128x32xf32, #tpu.memory_space<vmem>>)
      %dma_wait3A_93 = tpu.memref_slice %arg5[%mul3A_53] : memref<8192xi32, #tpu.memory_space<vmem>> -> memref<128xi32, #tpu.memory_space<vmem>>
      %dma_wait3A_94 = arith.constant 0 : i32
      %dma_wait3A_95 = arith.constant 0 : i32
      %dma_wait3A_96 = tpu.memref_slice %arg2[%dma_wait3A_94, %dma_wait3A_95] : memref<16384x32xf32, #tpu.memory_space<hbm>> -> memref<16384x32xf32, #tpu.memory_space<hbm>>
      tpu.wait_indirect_dma semaphore(%arg14 : memref<!tpu.dma_semaphore, #tpu.memory_space<semaphore_mem>>) src(%dma_wait3A_96 : memref<16384x32xf32, #tpu.memory_space<hbm>>) dst(%arg11 : memref<128x32xf32, #tpu.memory_space<vmem>>)
      %dma_wait3A_97 = tpu.memref_slice %arg5[%mul3A_61] : memref<8192xi32, #tpu.memory_space<vmem>> -> memref<128xi32, #tpu.memory_space<vmem>>
      %dma_wait3A_98 = arith.constant 0 : i32
      %dma_wait3A_99 = arith.constant 0 : i32
      %dma_wait3A_100 = tpu.memref_slice %arg2[%dma_wait3A_98, %dma_wait3A_99] : memref<16384x32xf32, #tpu.memory_space<hbm>> -> memref<16384x32xf32, #tpu.memory_space<hbm>>
      tpu.wait_indirect_dma semaphore(%arg14 : memref<!tpu.dma_semaphore, #tpu.memory_space<semaphore_mem>>) src(%dma_wait3A_100 : memref<16384x32xf32, #tpu.memory_space<hbm>>) dst(%arg12 : memref<128x32xf32, #tpu.memory_space<vmem>>)
      %dma_wait3A_101 = tpu.memref_slice %arg5[%mul3A_69] : memref<8192xi32, #tpu.memory_space<vmem>> -> memref<128xi32, #tpu.memory_space<vmem>>
      %dma_wait3A_102 = arith.constant 0 : i32
      %dma_wait3A_103 = arith.constant 0 : i32
      %dma_wait3A_104 = tpu.memref_slice %arg2[%dma_wait3A_102, %dma_wait3A_103] : memref<16384x32xf32, #tpu.memory_space<hbm>> -> memref<16384x32xf32, #tpu.memory_space<hbm>>
      tpu.wait_indirect_dma semaphore(%arg14 : memref<!tpu.dma_semaphore, #tpu.memory_space<semaphore_mem>>) src(%dma_wait3A_104 : memref<16384x32xf32, #tpu.memory_space<hbm>>) dst(%arg13 : memref<128x32xf32, #tpu.memory_space<vmem>>)
      %add3A_105 = arith.constant 0 : i32
      %add3A_106 = arith.addi %mul3A_10, %add3A_105 : i32
      %mul3A_107 = arith.constant 128 : i32
      %mul3A_108 = arith.muli %add3A_106, %mul3A_107 : i32
      %add3A_109 = arith.addi %mul3A_2, %mul3A_108 : i32
      "tpu.region"() ({
        %run_scoped3A = tpu.sem_alloc : memref<!tpu.dma_semaphore, #tpu.memory_space<semaphore_mem>>
        %dma_start3A_145 = arith.constant 0 : i32
        %dma_start3A_146 = tpu.memref_slice %arg4[%add3A_109, %dma_start3A_145] : memref<262144x32xf32, #tpu.memory_space<hbm>> -> memref<128x32xf32, #tpu.memory_space<hbm>>
        %dma_start3A_147 = arith.constant 0 : i32
        %dma_start3A_148 = tpu.memref_slice %arg4[%add3A_109, %dma_start3A_147] : memref<262144x32xf32, #tpu.memory_space<hbm>> -> memref<128x32xf32, #tpu.memory_space<hbm>>
        tpu.enqueue_dma source(%arg6 : memref<128x32xf32, #tpu.memory_space<vmem>>) target(%dma_start3A_148 : memref<128x32xf32, #tpu.memory_space<hbm>>) target_semaphore(%run_scoped3A : memref<!tpu.dma_semaphore, #tpu.memory_space<semaphore_mem>>)
        %dma_wait3A_149 = arith.constant 0 : i32
        %dma_wait3A_150 = tpu.memref_slice %arg4[%add3A_109, %dma_wait3A_149] : memref<262144x32xf32, #tpu.memory_space<hbm>> -> memref<128x32xf32, #tpu.memory_space<hbm>>
        %dma_wait3A_151 = arith.constant 0 : i32
        %dma_wait3A_152 = tpu.memref_slice %arg4[%add3A_109, %dma_wait3A_151] : memref<262144x32xf32, #tpu.memory_space<hbm>> -> memref<128x32xf32, #tpu.memory_space<hbm>>
        tpu.wait_dma2 semaphore(%run_scoped3A : memref<!tpu.dma_semaphore, #tpu.memory_space<semaphore_mem>>) src(%arg6 : memref<128x32xf32, #tpu.memory_space<vmem>>) dst(%dma_wait3A_152 : memref<128x32xf32, #tpu.memory_space<hbm>>)
        tpu.yield
      }) : () -> ()
      %add3A_110 = arith.constant 1 : i32
      %add3A_111 = arith.addi %mul3A_10, %add3A_110 : i32
      %mul3A_112 = arith.constant 128 : i32
      %mul3A_113 = arith.muli %add3A_111, %mul3A_112 : i32
      %add3A_114 = arith.addi %mul3A_2, %mul3A_113 : i32
      "tpu.region"() ({
        %run_scoped3A = tpu.sem_alloc : memref<!tpu.dma_semaphore, #tpu.memory_space<semaphore_mem>>
        %dma_start3A_145 = arith.constant 0 : i32
        %dma_start3A_146 = tpu.memref_slice %arg4[%add3A_114, %dma_start3A_145] : memref<262144x32xf32, #tpu.memory_space<hbm>> -> memref<128x32xf32, #tpu.memory_space<hbm>>
        %dma_start3A_147 = arith.constant 0 : i32
        %dma_start3A_148 = tpu.memref_slice %arg4[%add3A_114, %dma_start3A_147] : memref<262144x32xf32, #tpu.memory_space<hbm>> -> memref<128x32xf32, #tpu.memory_space<hbm>>
        tpu.enqueue_dma source(%arg7 : memref<128x32xf32, #tpu.memory_space<vmem>>) target(%dma_start3A_148 : memref<128x32xf32, #tpu.memory_space<hbm>>) target_semaphore(%run_scoped3A : memref<!tpu.dma_semaphore, #tpu.memory_space<semaphore_mem>>)
        %dma_wait3A_149 = arith.constant 0 : i32
        %dma_wait3A_150 = tpu.memref_slice %arg4[%add3A_114, %dma_wait3A_149] : memref<262144x32xf32, #tpu.memory_space<hbm>> -> memref<128x32xf32, #tpu.memory_space<hbm>>
        %dma_wait3A_151 = arith.constant 0 : i32
        %dma_wait3A_152 = tpu.memref_slice %arg4[%add3A_114, %dma_wait3A_151] : memref<262144x32xf32, #tpu.memory_space<hbm>> -> memref<128x32xf32, #tpu.memory_space<hbm>>
        tpu.wait_dma2 semaphore(%run_scoped3A : memref<!tpu.dma_semaphore, #tpu.memory_space<semaphore_mem>>) src(%arg7 : memref<128x32xf32, #tpu.memory_space<vmem>>) dst(%dma_wait3A_152 : memref<128x32xf32, #tpu.memory_space<hbm>>)
        tpu.yield
      }) : () -> ()
      %add3A_115 = arith.constant 2 : i32
      %add3A_116 = arith.addi %mul3A_10, %add3A_115 : i32
      %mul3A_117 = arith.constant 128 : i32
      %mul3A_118 = arith.muli %add3A_116, %mul3A_117 : i32
      %add3A_119 = arith.addi %mul3A_2, %mul3A_118 : i32
      "tpu.region"() ({
        %run_scoped3A = tpu.sem_alloc : memref<!tpu.dma_semaphore, #tpu.memory_space<semaphore_mem>>
        %dma_start3A_145 = arith.constant 0 : i32
        %dma_start3A_146 = tpu.memref_slice %arg4[%add3A_119, %dma_start3A_145] : memref<262144x32xf32, #tpu.memory_space<hbm>> -> memref<128x32xf32, #tpu.memory_space<hbm>>
        %dma_start3A_147 = arith.constant 0 : i32
        %dma_start3A_148 = tpu.memref_slice %arg4[%add3A_119, %dma_start3A_147] : memref<262144x32xf32, #tpu.memory_space<hbm>> -> memref<128x32xf32, #tpu.memory_space<hbm>>
        tpu.enqueue_dma source(%arg8 : memref<128x32xf32, #tpu.memory_space<vmem>>) target(%dma_start3A_148 : memref<128x32xf32, #tpu.memory_space<hbm>>) target_semaphore(%run_scoped3A : memref<!tpu.dma_semaphore, #tpu.memory_space<semaphore_mem>>)
        %dma_wait3A_149 = arith.constant 0 : i32
        %dma_wait3A_150 = tpu.memref_slice %arg4[%add3A_119, %dma_wait3A_149] : memref<262144x32xf32, #tpu.memory_space<hbm>> -> memref<128x32xf32, #tpu.memory_space<hbm>>
        %dma_wait3A_151 = arith.constant 0 : i32
        %dma_wait3A_152 = tpu.memref_slice %arg4[%add3A_119, %dma_wait3A_151] : memref<262144x32xf32, #tpu.memory_space<hbm>> -> memref<128x32xf32, #tpu.memory_space<hbm>>
        tpu.wait_dma2 semaphore(%run_scoped3A : memref<!tpu.dma_semaphore, #tpu.memory_space<semaphore_mem>>) src(%arg8 : memref<128x32xf32, #tpu.memory_space<vmem>>) dst(%dma_wait3A_152 : memref<128x32xf32, #tpu.memory_space<hbm>>)
        tpu.yield
      }) : () -> ()
      %add3A_120 = arith.constant 3 : i32
      %add3A_121 = arith.addi %mul3A_10, %add3A_120 : i32
      %mul3A_122 = arith.constant 128 : i32
      %mul3A_123 = arith.muli %add3A_121, %mul3A_122 : i32
      %add3A_124 = arith.addi %mul3A_2, %mul3A_123 : i32
      "tpu.region"() ({
        %run_scoped3A = tpu.sem_alloc : memref<!tpu.dma_semaphore, #tpu.memory_space<semaphore_mem>>
        %dma_start3A_145 = arith.constant 0 : i32
        %dma_start3A_146 = tpu.memref_slice %arg4[%add3A_124, %dma_start3A_145] : memref<262144x32xf32, #tpu.memory_space<hbm>> -> memref<128x32xf32, #tpu.memory_space<hbm>>
        %dma_start3A_147 = arith.constant 0 : i32
        %dma_start3A_148 = tpu.memref_slice %arg4[%add3A_124, %dma_start3A_147] : memref<262144x32xf32, #tpu.memory_space<hbm>> -> memref<128x32xf32, #tpu.memory_space<hbm>>
        tpu.enqueue_dma source(%arg9 : memref<128x32xf32, #tpu.memory_space<vmem>>) target(%dma_start3A_148 : memref<128x32xf32, #tpu.memory_space<hbm>>) target_semaphore(%run_scoped3A : memref<!tpu.dma_semaphore, #tpu.memory_space<semaphore_mem>>)
        %dma_wait3A_149 = arith.constant 0 : i32
        %dma_wait3A_150 = tpu.memref_slice %arg4[%add3A_124, %dma_wait3A_149] : memref<262144x32xf32, #tpu.memory_space<hbm>> -> memref<128x32xf32, #tpu.memory_space<hbm>>
        %dma_wait3A_151 = arith.constant 0 : i32
        %dma_wait3A_152 = tpu.memref_slice %arg4[%add3A_124, %dma_wait3A_151] : memref<262144x32xf32, #tpu.memory_space<hbm>> -> memref<128x32xf32, #tpu.memory_space<hbm>>
        tpu.wait_dma2 semaphore(%run_scoped3A : memref<!tpu.dma_semaphore, #tpu.memory_space<semaphore_mem>>) src(%arg9 : memref<128x32xf32, #tpu.memory_space<vmem>>) dst(%dma_wait3A_152 : memref<128x32xf32, #tpu.memory_space<hbm>>)
        tpu.yield
      }) : () -> ()
      %add3A_125 = arith.constant 4 : i32
      %add3A_126 = arith.addi %mul3A_10, %add3A_125 : i32
      %mul3A_127 = arith.constant 128 : i32
      %mul3A_128 = arith.muli %add3A_126, %mul3A_127 : i32
      %add3A_129 = arith.addi %mul3A_2, %mul3A_128 : i32
      "tpu.region"() ({
        %run_scoped3A = tpu.sem_alloc : memref<!tpu.dma_semaphore, #tpu.memory_space<semaphore_mem>>
        %dma_start3A_145 = arith.constant 0 : i32
        %dma_start3A_146 = tpu.memref_slice %arg4[%add3A_129, %dma_start3A_145] : memref<262144x32xf32, #tpu.memory_space<hbm>> -> memref<128x32xf32, #tpu.memory_space<hbm>>
        %dma_start3A_147 = arith.constant 0 : i32
        %dma_start3A_148 = tpu.memref_slice %arg4[%add3A_129, %dma_start3A_147] : memref<262144x32xf32, #tpu.memory_space<hbm>> -> memref<128x32xf32, #tpu.memory_space<hbm>>
        tpu.enqueue_dma source(%arg10 : memref<128x32xf32, #tpu.memory_space<vmem>>) target(%dma_start3A_148 : memref<128x32xf32, #tpu.memory_space<hbm>>) target_semaphore(%run_scoped3A : memref<!tpu.dma_semaphore, #tpu.memory_space<semaphore_mem>>)
        %dma_wait3A_149 = arith.constant 0 : i32
        %dma_wait3A_150 = tpu.memref_slice %arg4[%add3A_129, %dma_wait3A_149] : memref<262144x32xf32, #tpu.memory_space<hbm>> -> memref<128x32xf32, #tpu.memory_space<hbm>>
        %dma_wait3A_151 = arith.constant 0 : i32
        %dma_wait3A_152 = tpu.memref_slice %arg4[%add3A_129, %dma_wait3A_151] : memref<262144x32xf32, #tpu.memory_space<hbm>> -> memref<128x32xf32, #tpu.memory_space<hbm>>
        tpu.wait_dma2 semaphore(%run_scoped3A : memref<!tpu.dma_semaphore, #tpu.memory_space<semaphore_mem>>) src(%arg10 : memref<128x32xf32, #tpu.memory_space<vmem>>) dst(%dma_wait3A_152 : memref<128x32xf32, #tpu.memory_space<hbm>>)
        tpu.yield
      }) : () -> ()
      %add3A_130 = arith.constant 5 : i32
      %add3A_131 = arith.addi %mul3A_10, %add3A_130 : i32
      %mul3A_132 = arith.constant 128 : i32
      %mul3A_133 = arith.muli %add3A_131, %mul3A_132 : i32
      %add3A_134 = arith.addi %mul3A_2, %mul3A_133 : i32
      "tpu.region"() ({
        %run_scoped3A = tpu.sem_alloc : memref<!tpu.dma_semaphore, #tpu.memory_space<semaphore_mem>>
        %dma_start3A_145 = arith.constant 0 : i32
        %dma_start3A_146 = tpu.memref_slice %arg4[%add3A_134, %dma_start3A_145] : memref<262144x32xf32, #tpu.memory_space<hbm>> -> memref<128x32xf32, #tpu.memory_space<hbm>>
        %dma_start3A_147 = arith.constant 0 : i32
        %dma_start3A_148 = tpu.memref_slice %arg4[%add3A_134, %dma_start3A_147] : memref<262144x32xf32, #tpu.memory_space<hbm>> -> memref<128x32xf32, #tpu.memory_space<hbm>>
        tpu.enqueue_dma source(%arg11 : memref<128x32xf32, #tpu.memory_space<vmem>>) target(%dma_start3A_148 : memref<128x32xf32, #tpu.memory_space<hbm>>) target_semaphore(%run_scoped3A : memref<!tpu.dma_semaphore, #tpu.memory_space<semaphore_mem>>)
        %dma_wait3A_149 = arith.constant 0 : i32
        %dma_wait3A_150 = tpu.memref_slice %arg4[%add3A_134, %dma_wait3A_149] : memref<262144x32xf32, #tpu.memory_space<hbm>> -> memref<128x32xf32, #tpu.memory_space<hbm>>
        %dma_wait3A_151 = arith.constant 0 : i32
        %dma_wait3A_152 = tpu.memref_slice %arg4[%add3A_134, %dma_wait3A_151] : memref<262144x32xf32, #tpu.memory_space<hbm>> -> memref<128x32xf32, #tpu.memory_space<hbm>>
        tpu.wait_dma2 semaphore(%run_scoped3A : memref<!tpu.dma_semaphore, #tpu.memory_space<semaphore_mem>>) src(%arg11 : memref<128x32xf32, #tpu.memory_space<vmem>>) dst(%dma_wait3A_152 : memref<128x32xf32, #tpu.memory_space<hbm>>)
        tpu.yield
      }) : () -> ()
      %add3A_135 = arith.constant 6 : i32
      %add3A_136 = arith.addi %mul3A_10, %add3A_135 : i32
      %mul3A_137 = arith.constant 128 : i32
      %mul3A_138 = arith.muli %add3A_136, %mul3A_137 : i32
      %add3A_139 = arith.addi %mul3A_2, %mul3A_138 : i32
      "tpu.region"() ({
        %run_scoped3A = tpu.sem_alloc : memref<!tpu.dma_semaphore, #tpu.memory_space<semaphore_mem>>
        %dma_start3A_145 = arith.constant 0 : i32
        %dma_start3A_146 = tpu.memref_slice %arg4[%add3A_139, %dma_start3A_145] : memref<262144x32xf32, #tpu.memory_space<hbm>> -> memref<128x32xf32, #tpu.memory_space<hbm>>
        %dma_start3A_147 = arith.constant 0 : i32
        %dma_start3A_148 = tpu.memref_slice %arg4[%add3A_139, %dma_start3A_147] : memref<262144x32xf32, #tpu.memory_space<hbm>> -> memref<128x32xf32, #tpu.memory_space<hbm>>
        tpu.enqueue_dma source(%arg12 : memref<128x32xf32, #tpu.memory_space<vmem>>) target(%dma_start3A_148 : memref<128x32xf32, #tpu.memory_space<hbm>>) target_semaphore(%run_scoped3A : memref<!tpu.dma_semaphore, #tpu.memory_space<semaphore_mem>>)
        %dma_wait3A_149 = arith.constant 0 : i32
        %dma_wait3A_150 = tpu.memref_slice %arg4[%add3A_139, %dma_wait3A_149] : memref<262144x32xf32, #tpu.memory_space<hbm>> -> memref<128x32xf32, #tpu.memory_space<hbm>>
        %dma_wait3A_151 = arith.constant 0 : i32
        %dma_wait3A_152 = tpu.memref_slice %arg4[%add3A_139, %dma_wait3A_151] : memref<262144x32xf32, #tpu.memory_space<hbm>> -> memref<128x32xf32, #tpu.memory_space<hbm>>
        tpu.wait_dma2 semaphore(%run_scoped3A : memref<!tpu.dma_semaphore, #tpu.memory_space<semaphore_mem>>) src(%arg12 : memref<128x32xf32, #tpu.memory_space<vmem>>) dst(%dma_wait3A_152 : memref<128x32xf32, #tpu.memory_space<hbm>>)
        tpu.yield
      }) : () -> ()
      %add3A_140 = arith.constant 7 : i32
      %add3A_141 = arith.addi %mul3A_10, %add3A_140 : i32
      %mul3A_142 = arith.constant 128 : i32
      %mul3A_143 = arith.muli %add3A_141, %mul3A_142 : i32
      %add3A_144 = arith.addi %mul3A_2, %mul3A_143 : i32
      "tpu.region"() ({
        %run_scoped3A = tpu.sem_alloc : memref<!tpu.dma_semaphore, #tpu.memory_space<semaphore_mem>>
        %dma_start3A_145 = arith.constant 0 : i32
        %dma_start3A_146 = tpu.memref_slice %arg4[%add3A_144, %dma_start3A_145] : memref<262144x32xf32, #tpu.memory_space<hbm>> -> memref<128x32xf32, #tpu.memory_space<hbm>>
        %dma_start3A_147 = arith.constant 0 : i32
        %dma_start3A_148 = tpu.memref_slice %arg4[%add3A_144, %dma_start3A_147] : memref<262144x32xf32, #tpu.memory_space<hbm>> -> memref<128x32xf32, #tpu.memory_space<hbm>>
        tpu.enqueue_dma source(%arg13 : memref<128x32xf32, #tpu.memory_space<vmem>>) target(%dma_start3A_148 : memref<128x32xf32, #tpu.memory_space<hbm>>) target_semaphore(%run_scoped3A : memref<!tpu.dma_semaphore, #tpu.memory_space<semaphore_mem>>)
        %dma_wait3A_149 = arith.constant 0 : i32
        %dma_wait3A_150 = tpu.memref_slice %arg4[%add3A_144, %dma_wait3A_149] : memref<262144x32xf32, #tpu.memory_space<hbm>> -> memref<128x32xf32, #tpu.memory_space<hbm>>
        %dma_wait3A_151 = arith.constant 0 : i32
        %dma_wait3A_152 = tpu.memref_slice %arg4[%add3A_144, %dma_wait3A_151] : memref<262144x32xf32, #tpu.memory_space<hbm>> -> memref<128x32xf32, #tpu.memory_space<hbm>>
        tpu.wait_dma2 semaphore(%run_scoped3A : memref<!tpu.dma_semaphore, #tpu.memory_space<semaphore_mem>>) src(%arg13 : memref<128x32xf32, #tpu.memory_space<vmem>>) dst(%dma_wait3A_152 : memref<128x32xf32, #tpu.memory_space<hbm>>)
        tpu.yield
      }) : () -> ()
    }
    %scan3A_7 = arith.constant 8 : i32
    return
  }
}

#map = affine_map<(d0, d1) -> (0, 0)>
#map1 = affine_map<(d0, d1) -> (0)>
module attributes {stable_mosaic.version = 14 : i64} {
  func.func @gather_k(%arg0: i32, %arg1: i32, %arg2: memref<16384x32xf32, #tpu.memory_space<hbm>>, %arg3: memref<262144xi32, #tpu.memory_space<hbm>>, %arg4: memref<262144x32xf32, #tpu.memory_space<hbm>>, %arg5: memref<8192xi32, #tpu.memory_space<vmem>>, %arg6: memref<128x32xf32, #tpu.memory_space<vmem>>, %arg7: memref<128x32xf32, #tpu.memory_space<vmem>>, %arg8: memref<128x32xf32, #tpu.memory_space<vmem>>, %arg9: memref<128x32xf32, #tpu.memory_space<vmem>>, %arg10: memref<128x32xf32, #tpu.memory_space<vmem>>, %arg11: memref<128x32xf32, #tpu.memory_space<vmem>>, %arg12: memref<128x32xf32, #tpu.memory_space<vmem>>, %arg13: memref<128x32xf32, #tpu.memory_space<vmem>>, %arg14: memref<!tpu.dma_semaphore, #tpu.memory_space<semaphore_mem>>) attributes {dimension_semantics = [#tpu.dimension_semantics<core_parallel>, #tpu.dimension_semantics<subcore_parallel>], iteration_bounds = array<i64: 2, 16>, scalar_prefetch = 0 : i64, scratch_operands = 10 : i64, tpu.core_type = #tpu.core_type<sc_vector_subcore>, window_params = [{transform_indices = #map}, {transform_indices = #map1}, {transform_indices = #map}]} {
    %mul3A = arith.constant 2 : i32
    %mul3A_0 = arith.muli %arg1, %mul3A : i32
    %add3A = arith.addi %mul3A_0, %arg0 : i32
    %mul3A_1 = arith.constant 8192 : i32
    %mul3A_2 = arith.muli %add3A, %mul3A_1 : i32
    "tpu.region"() ({
      %run_scoped3A = tpu.sem_alloc : memref<!tpu.dma_semaphore, #tpu.memory_space<semaphore_mem>>
      %dma_start3A = tpu.memref_slice %arg3[%mul3A_2] : memref<262144xi32, #tpu.memory_space<hbm>> -> memref<8192xi32, #tpu.memory_space<hbm>>
      %dma_start3A_8 = tpu.memref_slice %arg3[%mul3A_2] : memref<262144xi32, #tpu.memory_space<hbm>> -> memref<8192xi32, #tpu.memory_space<hbm>>
      tpu.enqueue_dma source(%dma_start3A_8 : memref<8192xi32, #tpu.memory_space<hbm>>) target(%arg5 : memref<8192xi32, #tpu.memory_space<vmem>>) target_semaphore(%run_scoped3A : memref<!tpu.dma_semaphore, #tpu.memory_space<semaphore_mem>>)
      %dma_wait3A = tpu.memref_slice %arg3[%mul3A_2] : memref<262144xi32, #tpu.memory_space<hbm>> -> memref<8192xi32, #tpu.memory_space<hbm>>
      %dma_wait3A_9 = tpu.memref_slice %arg3[%mul3A_2] : memref<262144xi32, #tpu.memory_space<hbm>> -> memref<8192xi32, #tpu.memory_space<hbm>>
      tpu.wait_dma2 semaphore(%run_scoped3A : memref<!tpu.dma_semaphore, #tpu.memory_space<semaphore_mem>>) src(%dma_wait3A_9 : memref<8192xi32, #tpu.memory_space<hbm>>) dst(%arg5 : memref<8192xi32, #tpu.memory_space<vmem>>)
      tpu.yield
    }) : () -> ()
    %scan3A = arith.constant 0 : i32
    %scan3A_3 = arith.constant 0 : i32
    %scan3A_4 = arith.constant 8 : i32
    %scan3A_5 = arith.addi %scan3A_3, %scan3A_4 : i32
    %scan3A_6 = arith.constant 1 : i32
    scf.for %scan3A_8 = %scan3A_3 to %scan3A_5 step %scan3A_6  : i32 {
      %mul3A_9 = arith.constant 8 : i32
      %mul3A_10 = arith.muli %scan3A_8, %mul3A_9 : i32
      %add3A_11 = arith.constant 0 : i32
      %add3A_12 = arith.addi %mul3A_10, %add3A_11 : i32
      %mul3A_13 = arith.constant 128 : i32
      %mul3A_14 = arith.muli %add3A_12, %mul3A_13 : i32
      %dma_start3A = tpu.memref_slice %arg5[%mul3A_14] : memref<8192xi32, #tpu.memory_space<vmem>> -> memref<128xi32, #tpu.memory_space<vmem>>
      %dma_start3A_15 = arith.constant 0 : i32
      %dma_start3A_16 = arith.constant 0 : i32
      %dma_start3A_17 = tpu.memref_slice %arg2[%dma_start3A_15, %dma_start3A_16] : memref<16384x32xf32, #tpu.memory_space<hbm>> -> memref<16384x32xf32, #tpu.memory_space<hbm>>
      tpu.enqueue_indirect_dma source(%dma_start3A_17 : memref<16384x32xf32, #tpu.memory_space<hbm>>) target(%arg6 : memref<128x32xf32, #tpu.memory_space<vmem>>) offsets(%dma_start3A : memref<128xi32, #tpu.memory_space<vmem>>) semaphore(%arg14 : memref<!tpu.dma_semaphore, #tpu.memory_space<semaphore_mem>>)
      %add3A_18 = arith.constant 1 : i32
      %add3A_19 = arith.addi %mul3A_10, %add3A_18 : i32
      %mul3A_20 = arith.constant 128 : i32
      %mul3A_21 = arith.muli %add3A_19, %mul3A_20 : i32
      %dma_start3A_22 = tpu.memref_slice %arg5[%mul3A_21] : memref<8192xi32, #tpu.memory_space<vmem>> -> memref<128xi32, #tpu.memory_space<vmem>>
      %dma_start3A_23 = arith.constant 0 : i32
      %dma_start3A_24 = arith.constant 0 : i32
      %dma_start3A_25 = tpu.memref_slice %arg2[%dma_start3A_23, %dma_start3A_24] : memref<16384x32xf32, #tpu.memory_space<hbm>> -> memref<16384x32xf32, #tpu.memory_space<hbm>>
      tpu.enqueue_indirect_dma source(%dma_start3A_25 : memref<16384x32xf32, #tpu.memory_space<hbm>>) target(%arg7 : memref<128x32xf32, #tpu.memory_space<vmem>>) offsets(%dma_start3A_22 : memref<128xi32, #tpu.memory_space<vmem>>) semaphore(%arg14 : memref<!tpu.dma_semaphore, #tpu.memory_space<semaphore_mem>>)
      %add3A_26 = arith.constant 2 : i32
      %add3A_27 = arith.addi %mul3A_10, %add3A_26 : i32
      %mul3A_28 = arith.constant 128 : i32
      %mul3A_29 = arith.muli %add3A_27, %mul3A_28 : i32
      %dma_start3A_30 = tpu.memref_slice %arg5[%mul3A_29] : memref<8192xi32, #tpu.memory_space<vmem>> -> memref<128xi32, #tpu.memory_space<vmem>>
      %dma_start3A_31 = arith.constant 0 : i32
      %dma_start3A_32 = arith.constant 0 : i32
      %dma_start3A_33 = tpu.memref_slice %arg2[%dma_start3A_31, %dma_start3A_32] : memref<16384x32xf32, #tpu.memory_space<hbm>> -> memref<16384x32xf32, #tpu.memory_space<hbm>>
      tpu.enqueue_indirect_dma source(%dma_start3A_33 : memref<16384x32xf32, #tpu.memory_space<hbm>>) target(%arg8 : memref<128x32xf32, #tpu.memory_space<vmem>>) offsets(%dma_start3A_30 : memref<128xi32, #tpu.memory_space<vmem>>) semaphore(%arg14 : memref<!tpu.dma_semaphore, #tpu.memory_space<semaphore_mem>>)
      %add3A_34 = arith.constant 3 : i32
      %add3A_35 = arith.addi %mul3A_10, %add3A_34 : i32
      %mul3A_36 = arith.constant 128 : i32
      %mul3A_37 = arith.muli %add3A_35, %mul3A_36 : i32
      %dma_start3A_38 = tpu.memref_slice %arg5[%mul3A_37] : memref<8192xi32, #tpu.memory_space<vmem>> -> memref<128xi32, #tpu.memory_space<vmem>>
      %dma_start3A_39 = arith.constant 0 : i32
      %dma_start3A_40 = arith.constant 0 : i32
      %dma_start3A_41 = tpu.memref_slice %arg2[%dma_start3A_39, %dma_start3A_40] : memref<16384x32xf32, #tpu.memory_space<hbm>> -> memref<16384x32xf32, #tpu.memory_space<hbm>>
      tpu.enqueue_indirect_dma source(%dma_start3A_41 : memref<16384x32xf32, #tpu.memory_space<hbm>>) target(%arg9 : memref<128x32xf32, #tpu.memory_space<vmem>>) offsets(%dma_start3A_38 : memref<128xi32, #tpu.memory_space<vmem>>) semaphore(%arg14 : memref<!tpu.dma_semaphore, #tpu.memory_space<semaphore_mem>>)
      %add3A_42 = arith.constant 4 : i32
      %add3A_43 = arith.addi %mul3A_10, %add3A_42 : i32
      %mul3A_44 = arith.constant 128 : i32
      %mul3A_45 = arith.muli %add3A_43, %mul3A_44 : i32
      %dma_start3A_46 = tpu.memref_slice %arg5[%mul3A_45] : memref<8192xi32, #tpu.memory_space<vmem>> -> memref<128xi32, #tpu.memory_space<vmem>>
      %dma_start3A_47 = arith.constant 0 : i32
      %dma_start3A_48 = arith.constant 0 : i32
      %dma_start3A_49 = tpu.memref_slice %arg2[%dma_start3A_47, %dma_start3A_48] : memref<16384x32xf32, #tpu.memory_space<hbm>> -> memref<16384x32xf32, #tpu.memory_space<hbm>>
      tpu.enqueue_indirect_dma source(%dma_start3A_49 : memref<16384x32xf32, #tpu.memory_space<hbm>>) target(%arg10 : memref<128x32xf32, #tpu.memory_space<vmem>>) offsets(%dma_start3A_46 : memref<128xi32, #tpu.memory_space<vmem>>) semaphore(%arg14 : memref<!tpu.dma_semaphore, #tpu.memory_space<semaphore_mem>>)
      %add3A_50 = arith.constant 5 : i32
      %add3A_51 = arith.addi %mul3A_10, %add3A_50 : i32
      %mul3A_52 = arith.constant 128 : i32
      %mul3A_53 = arith.muli %add3A_51, %mul3A_52 : i32
      %dma_start3A_54 = tpu.memref_slice %arg5[%mul3A_53] : memref<8192xi32, #tpu.memory_space<vmem>> -> memref<128xi32, #tpu.memory_space<vmem>>
      %dma_start3A_55 = arith.constant 0 : i32
      %dma_start3A_56 = arith.constant 0 : i32
      %dma_start3A_57 = tpu.memref_slice %arg2[%dma_start3A_55, %dma_start3A_56] : memref<16384x32xf32, #tpu.memory_space<hbm>> -> memref<16384x32xf32, #tpu.memory_space<hbm>>
      tpu.enqueue_indirect_dma source(%dma_start3A_57 : memref<16384x32xf32, #tpu.memory_space<hbm>>) target(%arg11 : memref<128x32xf32, #tpu.memory_space<vmem>>) offsets(%dma_start3A_54 : memref<128xi32, #tpu.memory_space<vmem>>) semaphore(%arg14 : memref<!tpu.dma_semaphore, #tpu.memory_space<semaphore_mem>>)
      %add3A_58 = arith.constant 6 : i32
      %add3A_59 = arith.addi %mul3A_10, %add3A_58 : i32
      %mul3A_60 = arith.constant 128 : i32
      %mul3A_61 = arith.muli %add3A_59, %mul3A_60 : i32
      %dma_start3A_62 = tpu.memref_slice %arg5[%mul3A_61] : memref<8192xi32, #tpu.memory_space<vmem>> -> memref<128xi32, #tpu.memory_space<vmem>>
      %dma_start3A_63 = arith.constant 0 : i32
      %dma_start3A_64 = arith.constant 0 : i32
      %dma_start3A_65 = tpu.memref_slice %arg2[%dma_start3A_63, %dma_start3A_64] : memref<16384x32xf32, #tpu.memory_space<hbm>> -> memref<16384x32xf32, #tpu.memory_space<hbm>>
      tpu.enqueue_indirect_dma source(%dma_start3A_65 : memref<16384x32xf32, #tpu.memory_space<hbm>>) target(%arg12 : memref<128x32xf32, #tpu.memory_space<vmem>>) offsets(%dma_start3A_62 : memref<128xi32, #tpu.memory_space<vmem>>) semaphore(%arg14 : memref<!tpu.dma_semaphore, #tpu.memory_space<semaphore_mem>>)
      %add3A_66 = arith.constant 7 : i32
      %add3A_67 = arith.addi %mul3A_10, %add3A_66 : i32
      %mul3A_68 = arith.constant 128 : i32
      %mul3A_69 = arith.muli %add3A_67, %mul3A_68 : i32
      %dma_start3A_70 = tpu.memref_slice %arg5[%mul3A_69] : memref<8192xi32, #tpu.memory_space<vmem>> -> memref<128xi32, #tpu.memory_space<vmem>>
      %dma_start3A_71 = arith.constant 0 : i32
      %dma_start3A_72 = arith.constant 0 : i32
      %dma_start3A_73 = tpu.memref_slice %arg2[%dma_start3A_71, %dma_start3A_72] : memref<16384x32xf32, #tpu.memory_space<hbm>> -> memref<16384x32xf32, #tpu.memory_space<hbm>>
      tpu.enqueue_indirect_dma source(%dma_start3A_73 : memref<16384x32xf32, #tpu.memory_space<hbm>>) target(%arg13 : memref<128x32xf32, #tpu.memory_space<vmem>>) offsets(%dma_start3A_70 : memref<128xi32, #tpu.memory_space<vmem>>) semaphore(%arg14 : memref<!tpu.dma_semaphore, #tpu.memory_space<semaphore_mem>>)
      %dma_wait3A = tpu.memref_slice %arg5[%mul3A_14] : memref<8192xi32, #tpu.memory_space<vmem>> -> memref<128xi32, #tpu.memory_space<vmem>>
      %dma_wait3A_74 = arith.constant 0 : i32
      %dma_wait3A_75 = arith.constant 0 : i32
      %dma_wait3A_76 = tpu.memref_slice %arg2[%dma_wait3A_74, %dma_wait3A_75] : memref<16384x32xf32, #tpu.memory_space<hbm>> -> memref<16384x32xf32, #tpu.memory_space<hbm>>
      tpu.wait_indirect_dma semaphore(%arg14 : memref<!tpu.dma_semaphore, #tpu.memory_space<semaphore_mem>>) src(%dma_wait3A_76 : memref<16384x32xf32, #tpu.memory_space<hbm>>) dst(%arg6 : memref<128x32xf32, #tpu.memory_space<vmem>>)
      %dma_wait3A_77 = tpu.memref_slice %arg5[%mul3A_21] : memref<8192xi32, #tpu.memory_space<vmem>> -> memref<128xi32, #tpu.memory_space<vmem>>
      %dma_wait3A_78 = arith.constant 0 : i32
      %dma_wait3A_79 = arith.constant 0 : i32
      %dma_wait3A_80 = tpu.memref_slice %arg2[%dma_wait3A_78, %dma_wait3A_79] : memref<16384x32xf32, #tpu.memory_space<hbm>> -> memref<16384x32xf32, #tpu.memory_space<hbm>>
      tpu.wait_indirect_dma semaphore(%arg14 : memref<!tpu.dma_semaphore, #tpu.memory_space<semaphore_mem>>) src(%dma_wait3A_80 : memref<16384x32xf32, #tpu.memory_space<hbm>>) dst(%arg7 : memref<128x32xf32, #tpu.memory_space<vmem>>)
      %dma_wait3A_81 = tpu.memref_slice %arg5[%mul3A_29] : memref<8192xi32, #tpu.memory_space<vmem>> -> memref<128xi32, #tpu.memory_space<vmem>>
      %dma_wait3A_82 = arith.constant 0 : i32
      %dma_wait3A_83 = arith.constant 0 : i32
      %dma_wait3A_84 = tpu.memref_slice %arg2[%dma_wait3A_82, %dma_wait3A_83] : memref<16384x32xf32, #tpu.memory_space<hbm>> -> memref<16384x32xf32, #tpu.memory_space<hbm>>
      tpu.wait_indirect_dma semaphore(%arg14 : memref<!tpu.dma_semaphore, #tpu.memory_space<semaphore_mem>>) src(%dma_wait3A_84 : memref<16384x32xf32, #tpu.memory_space<hbm>>) dst(%arg8 : memref<128x32xf32, #tpu.memory_space<vmem>>)
      %dma_wait3A_85 = tpu.memref_slice %arg5[%mul3A_37] : memref<8192xi32, #tpu.memory_space<vmem>> -> memref<128xi32, #tpu.memory_space<vmem>>
      %dma_wait3A_86 = arith.constant 0 : i32
      %dma_wait3A_87 = arith.constant 0 : i32
      %dma_wait3A_88 = tpu.memref_slice %arg2[%dma_wait3A_86, %dma_wait3A_87] : memref<16384x32xf32, #tpu.memory_space<hbm>> -> memref<16384x32xf32, #tpu.memory_space<hbm>>
      tpu.wait_indirect_dma semaphore(%arg14 : memref<!tpu.dma_semaphore, #tpu.memory_space<semaphore_mem>>) src(%dma_wait3A_88 : memref<16384x32xf32, #tpu.memory_space<hbm>>) dst(%arg9 : memref<128x32xf32, #tpu.memory_space<vmem>>)
      %dma_wait3A_89 = tpu.memref_slice %arg5[%mul3A_45] : memref<8192xi32, #tpu.memory_space<vmem>> -> memref<128xi32, #tpu.memory_space<vmem>>
      %dma_wait3A_90 = arith.constant 0 : i32
      %dma_wait3A_91 = arith.constant 0 : i32
      %dma_wait3A_92 = tpu.memref_slice %arg2[%dma_wait3A_90, %dma_wait3A_91] : memref<16384x32xf32, #tpu.memory_space<hbm>> -> memref<16384x32xf32, #tpu.memory_space<hbm>>
      tpu.wait_indirect_dma semaphore(%arg14 : memref<!tpu.dma_semaphore, #tpu.memory_space<semaphore_mem>>) src(%dma_wait3A_92 : memref<16384x32xf32, #tpu.memory_space<hbm>>) dst(%arg10 : memref<128x32xf32, #tpu.memory_space<vmem>>)
      %dma_wait3A_93 = tpu.memref_slice %arg5[%mul3A_53] : memref<8192xi32, #tpu.memory_space<vmem>> -> memref<128xi32, #tpu.memory_space<vmem>>
      %dma_wait3A_94 = arith.constant 0 : i32
      %dma_wait3A_95 = arith.constant 0 : i32
      %dma_wait3A_96 = tpu.memref_slice %arg2[%dma_wait3A_94, %dma_wait3A_95] : memref<16384x32xf32, #tpu.memory_space<hbm>> -> memref<16384x32xf32, #tpu.memory_space<hbm>>
      tpu.wait_indirect_dma semaphore(%arg14 : memref<!tpu.dma_semaphore, #tpu.memory_space<semaphore_mem>>) src(%dma_wait3A_96 : memref<16384x32xf32, #tpu.memory_space<hbm>>) dst(%arg11 : memref<128x32xf32, #tpu.memory_space<vmem>>)
      %dma_wait3A_97 = tpu.memref_slice %arg5[%mul3A_61] : memref<8192xi32, #tpu.memory_space<vmem>> -> memref<128xi32, #tpu.memory_space<vmem>>
      %dma_wait3A_98 = arith.constant 0 : i32
      %dma_wait3A_99 = arith.constant 0 : i32
      %dma_wait3A_100 = tpu.memref_slice %arg2[%dma_wait3A_98, %dma_wait3A_99] : memref<16384x32xf32, #tpu.memory_space<hbm>> -> memref<16384x32xf32, #tpu.memory_space<hbm>>
      tpu.wait_indirect_dma semaphore(%arg14 : memref<!tpu.dma_semaphore, #tpu.memory_space<semaphore_mem>>) src(%dma_wait3A_100 : memref<16384x32xf32, #tpu.memory_space<hbm>>) dst(%arg12 : memref<128x32xf32, #tpu.memory_space<vmem>>)
      %dma_wait3A_101 = tpu.memref_slice %arg5[%mul3A_69] : memref<8192xi32, #tpu.memory_space<vmem>> -> memref<128xi32, #tpu.memory_space<vmem>>
      %dma_wait3A_102 = arith.constant 0 : i32
      %dma_wait3A_103 = arith.constant 0 : i32
      %dma_wait3A_104 = tpu.memref_slice %arg2[%dma_wait3A_102, %dma_wait3A_103] : memref<16384x32xf32, #tpu.memory_space<hbm>> -> memref<16384x32xf32, #tpu.memory_space<hbm>>
      tpu.wait_indirect_dma semaphore(%arg14 : memref<!tpu.dma_semaphore, #tpu.memory_space<semaphore_mem>>) src(%dma_wait3A_104 : memref<16384x32xf32, #tpu.memory_space<hbm>>) dst(%arg13 : memref<128x32xf32, #tpu.memory_space<vmem>>)
      %add3A_105 = arith.constant 0 : i32
      %add3A_106 = arith.addi %mul3A_10, %add3A_105 : i32
      %mul3A_107 = arith.constant 128 : i32
      %mul3A_108 = arith.muli %add3A_106, %mul3A_107 : i32
      %add3A_109 = arith.addi %mul3A_2, %mul3A_108 : i32
      "tpu.region"() ({
        %run_scoped3A = tpu.sem_alloc : memref<!tpu.dma_semaphore, #tpu.memory_space<semaphore_mem>>
        %dma_start3A_145 = arith.constant 0 : i32
        %dma_start3A_146 = tpu.memref_slice %arg4[%add3A_109, %dma_start3A_145] : memref<262144x32xf32, #tpu.memory_space<hbm>> -> memref<128x32xf32, #tpu.memory_space<hbm>>
        %dma_start3A_147 = arith.constant 0 : i32
        %dma_start3A_148 = tpu.memref_slice %arg4[%add3A_109, %dma_start3A_147] : memref<262144x32xf32, #tpu.memory_space<hbm>> -> memref<128x32xf32, #tpu.memory_space<hbm>>
        tpu.enqueue_dma source(%arg6 : memref<128x32xf32, #tpu.memory_space<vmem>>) target(%dma_start3A_148 : memref<128x32xf32, #tpu.memory_space<hbm>>) target_semaphore(%run_scoped3A : memref<!tpu.dma_semaphore, #tpu.memory_space<semaphore_mem>>)
        %dma_wait3A_149 = arith.constant 0 : i32
        %dma_wait3A_150 = tpu.memref_slice %arg4[%add3A_109, %dma_wait3A_149] : memref<262144x32xf32, #tpu.memory_space<hbm>> -> memref<128x32xf32, #tpu.memory_space<hbm>>
        %dma_wait3A_151 = arith.constant 0 : i32
        %dma_wait3A_152 = tpu.memref_slice %arg4[%add3A_109, %dma_wait3A_151] : memref<262144x32xf32, #tpu.memory_space<hbm>> -> memref<128x32xf32, #tpu.memory_space<hbm>>
        tpu.wait_dma2 semaphore(%run_scoped3A : memref<!tpu.dma_semaphore, #tpu.memory_space<semaphore_mem>>) src(%arg6 : memref<128x32xf32, #tpu.memory_space<vmem>>) dst(%dma_wait3A_152 : memref<128x32xf32, #tpu.memory_space<hbm>>)
        tpu.yield
      }) : () -> ()
      %add3A_110 = arith.constant 1 : i32
      %add3A_111 = arith.addi %mul3A_10, %add3A_110 : i32
      %mul3A_112 = arith.constant 128 : i32
      %mul3A_113 = arith.muli %add3A_111, %mul3A_112 : i32
      %add3A_114 = arith.addi %mul3A_2, %mul3A_113 : i32
      "tpu.region"() ({
        %run_scoped3A = tpu.sem_alloc : memref<!tpu.dma_semaphore, #tpu.memory_space<semaphore_mem>>
        %dma_start3A_145 = arith.constant 0 : i32
        %dma_start3A_146 = tpu.memref_slice %arg4[%add3A_114, %dma_start3A_145] : memref<262144x32xf32, #tpu.memory_space<hbm>> -> memref<128x32xf32, #tpu.memory_space<hbm>>
        %dma_start3A_147 = arith.constant 0 : i32
        %dma_start3A_148 = tpu.memref_slice %arg4[%add3A_114, %dma_start3A_147] : memref<262144x32xf32, #tpu.memory_space<hbm>> -> memref<128x32xf32, #tpu.memory_space<hbm>>
        tpu.enqueue_dma source(%arg7 : memref<128x32xf32, #tpu.memory_space<vmem>>) target(%dma_start3A_148 : memref<128x32xf32, #tpu.memory_space<hbm>>) target_semaphore(%run_scoped3A : memref<!tpu.dma_semaphore, #tpu.memory_space<semaphore_mem>>)
        %dma_wait3A_149 = arith.constant 0 : i32
        %dma_wait3A_150 = tpu.memref_slice %arg4[%add3A_114, %dma_wait3A_149] : memref<262144x32xf32, #tpu.memory_space<hbm>> -> memref<128x32xf32, #tpu.memory_space<hbm>>
        %dma_wait3A_151 = arith.constant 0 : i32
        %dma_wait3A_152 = tpu.memref_slice %arg4[%add3A_114, %dma_wait3A_151] : memref<262144x32xf32, #tpu.memory_space<hbm>> -> memref<128x32xf32, #tpu.memory_space<hbm>>
        tpu.wait_dma2 semaphore(%run_scoped3A : memref<!tpu.dma_semaphore, #tpu.memory_space<semaphore_mem>>) src(%arg7 : memref<128x32xf32, #tpu.memory_space<vmem>>) dst(%dma_wait3A_152 : memref<128x32xf32, #tpu.memory_space<hbm>>)
        tpu.yield
      }) : () -> ()
      %add3A_115 = arith.constant 2 : i32
      %add3A_116 = arith.addi %mul3A_10, %add3A_115 : i32
      %mul3A_117 = arith.constant 128 : i32
      %mul3A_118 = arith.muli %add3A_116, %mul3A_117 : i32
      %add3A_119 = arith.addi %mul3A_2, %mul3A_118 : i32
      "tpu.region"() ({
        %run_scoped3A = tpu.sem_alloc : memref<!tpu.dma_semaphore, #tpu.memory_space<semaphore_mem>>
        %dma_start3A_145 = arith.constant 0 : i32
        %dma_start3A_146 = tpu.memref_slice %arg4[%add3A_119, %dma_start3A_145] : memref<262144x32xf32, #tpu.memory_space<hbm>> -> memref<128x32xf32, #tpu.memory_space<hbm>>
        %dma_start3A_147 = arith.constant 0 : i32
        %dma_start3A_148 = tpu.memref_slice %arg4[%add3A_119, %dma_start3A_147] : memref<262144x32xf32, #tpu.memory_space<hbm>> -> memref<128x32xf32, #tpu.memory_space<hbm>>
        tpu.enqueue_dma source(%arg8 : memref<128x32xf32, #tpu.memory_space<vmem>>) target(%dma_start3A_148 : memref<128x32xf32, #tpu.memory_space<hbm>>) target_semaphore(%run_scoped3A : memref<!tpu.dma_semaphore, #tpu.memory_space<semaphore_mem>>)
        %dma_wait3A_149 = arith.constant 0 : i32
        %dma_wait3A_150 = tpu.memref_slice %arg4[%add3A_119, %dma_wait3A_149] : memref<262144x32xf32, #tpu.memory_space<hbm>> -> memref<128x32xf32, #tpu.memory_space<hbm>>
        %dma_wait3A_151 = arith.constant 0 : i32
        %dma_wait3A_152 = tpu.memref_slice %arg4[%add3A_119, %dma_wait3A_151] : memref<262144x32xf32, #tpu.memory_space<hbm>> -> memref<128x32xf32, #tpu.memory_space<hbm>>
        tpu.wait_dma2 semaphore(%run_scoped3A : memref<!tpu.dma_semaphore, #tpu.memory_space<semaphore_mem>>) src(%arg8 : memref<128x32xf32, #tpu.memory_space<vmem>>) dst(%dma_wait3A_152 : memref<128x32xf32, #tpu.memory_space<hbm>>)
        tpu.yield
      }) : () -> ()
      %add3A_120 = arith.constant 3 : i32
      %add3A_121 = arith.addi %mul3A_10, %add3A_120 : i32
      %mul3A_122 = arith.constant 128 : i32
      %mul3A_123 = arith.muli %add3A_121, %mul3A_122 : i32
      %add3A_124 = arith.addi %mul3A_2, %mul3A_123 : i32
      "tpu.region"() ({
        %run_scoped3A = tpu.sem_alloc : memref<!tpu.dma_semaphore, #tpu.memory_space<semaphore_mem>>
        %dma_start3A_145 = arith.constant 0 : i32
        %dma_start3A_146 = tpu.memref_slice %arg4[%add3A_124, %dma_start3A_145] : memref<262144x32xf32, #tpu.memory_space<hbm>> -> memref<128x32xf32, #tpu.memory_space<hbm>>
        %dma_start3A_147 = arith.constant 0 : i32
        %dma_start3A_148 = tpu.memref_slice %arg4[%add3A_124, %dma_start3A_147] : memref<262144x32xf32, #tpu.memory_space<hbm>> -> memref<128x32xf32, #tpu.memory_space<hbm>>
        tpu.enqueue_dma source(%arg9 : memref<128x32xf32, #tpu.memory_space<vmem>>) target(%dma_start3A_148 : memref<128x32xf32, #tpu.memory_space<hbm>>) target_semaphore(%run_scoped3A : memref<!tpu.dma_semaphore, #tpu.memory_space<semaphore_mem>>)
        %dma_wait3A_149 = arith.constant 0 : i32
        %dma_wait3A_150 = tpu.memref_slice %arg4[%add3A_124, %dma_wait3A_149] : memref<262144x32xf32, #tpu.memory_space<hbm>> -> memref<128x32xf32, #tpu.memory_space<hbm>>
        %dma_wait3A_151 = arith.constant 0 : i32
        %dma_wait3A_152 = tpu.memref_slice %arg4[%add3A_124, %dma_wait3A_151] : memref<262144x32xf32, #tpu.memory_space<hbm>> -> memref<128x32xf32, #tpu.memory_space<hbm>>
        tpu.wait_dma2 semaphore(%run_scoped3A : memref<!tpu.dma_semaphore, #tpu.memory_space<semaphore_mem>>) src(%arg9 : memref<128x32xf32, #tpu.memory_space<vmem>>) dst(%dma_wait3A_152 : memref<128x32xf32, #tpu.memory_space<hbm>>)
        tpu.yield
      }) : () -> ()
      %add3A_125 = arith.constant 4 : i32
      %add3A_126 = arith.addi %mul3A_10, %add3A_125 : i32
      %mul3A_127 = arith.constant 128 : i32
      %mul3A_128 = arith.muli %add3A_126, %mul3A_127 : i32
      %add3A_129 = arith.addi %mul3A_2, %mul3A_128 : i32
      "tpu.region"() ({
        %run_scoped3A = tpu.sem_alloc : memref<!tpu.dma_semaphore, #tpu.memory_space<semaphore_mem>>
        %dma_start3A_145 = arith.constant 0 : i32
        %dma_start3A_146 = tpu.memref_slice %arg4[%add3A_129, %dma_start3A_145] : memref<262144x32xf32, #tpu.memory_space<hbm>> -> memref<128x32xf32, #tpu.memory_space<hbm>>
        %dma_start3A_147 = arith.constant 0 : i32
        %dma_start3A_148 = tpu.memref_slice %arg4[%add3A_129, %dma_start3A_147] : memref<262144x32xf32, #tpu.memory_space<hbm>> -> memref<128x32xf32, #tpu.memory_space<hbm>>
        tpu.enqueue_dma source(%arg10 : memref<128x32xf32, #tpu.memory_space<vmem>>) target(%dma_start3A_148 : memref<128x32xf32, #tpu.memory_space<hbm>>) target_semaphore(%run_scoped3A : memref<!tpu.dma_semaphore, #tpu.memory_space<semaphore_mem>>)
        %dma_wait3A_149 = arith.constant 0 : i32
        %dma_wait3A_150 = tpu.memref_slice %arg4[%add3A_129, %dma_wait3A_149] : memref<262144x32xf32, #tpu.memory_space<hbm>> -> memref<128x32xf32, #tpu.memory_space<hbm>>
        %dma_wait3A_151 = arith.constant 0 : i32
        %dma_wait3A_152 = tpu.memref_slice %arg4[%add3A_129, %dma_wait3A_151] : memref<262144x32xf32, #tpu.memory_space<hbm>> -> memref<128x32xf32, #tpu.memory_space<hbm>>
        tpu.wait_dma2 semaphore(%run_scoped3A : memref<!tpu.dma_semaphore, #tpu.memory_space<semaphore_mem>>) src(%arg10 : memref<128x32xf32, #tpu.memory_space<vmem>>) dst(%dma_wait3A_152 : memref<128x32xf32, #tpu.memory_space<hbm>>)
        tpu.yield
      }) : () -> ()
      %add3A_130 = arith.constant 5 : i32
      %add3A_131 = arith.addi %mul3A_10, %add3A_130 : i32
      %mul3A_132 = arith.constant 128 : i32
      %mul3A_133 = arith.muli %add3A_131, %mul3A_132 : i32
      %add3A_134 = arith.addi %mul3A_2, %mul3A_133 : i32
      "tpu.region"() ({
        %run_scoped3A = tpu.sem_alloc : memref<!tpu.dma_semaphore, #tpu.memory_space<semaphore_mem>>
        %dma_start3A_145 = arith.constant 0 : i32
        %dma_start3A_146 = tpu.memref_slice %arg4[%add3A_134, %dma_start3A_145] : memref<262144x32xf32, #tpu.memory_space<hbm>> -> memref<128x32xf32, #tpu.memory_space<hbm>>
        %dma_start3A_147 = arith.constant 0 : i32
        %dma_start3A_148 = tpu.memref_slice %arg4[%add3A_134, %dma_start3A_147] : memref<262144x32xf32, #tpu.memory_space<hbm>> -> memref<128x32xf32, #tpu.memory_space<hbm>>
        tpu.enqueue_dma source(%arg11 : memref<128x32xf32, #tpu.memory_space<vmem>>) target(%dma_start3A_148 : memref<128x32xf32, #tpu.memory_space<hbm>>) target_semaphore(%run_scoped3A : memref<!tpu.dma_semaphore, #tpu.memory_space<semaphore_mem>>)
        %dma_wait3A_149 = arith.constant 0 : i32
        %dma_wait3A_150 = tpu.memref_slice %arg4[%add3A_134, %dma_wait3A_149] : memref<262144x32xf32, #tpu.memory_space<hbm>> -> memref<128x32xf32, #tpu.memory_space<hbm>>
        %dma_wait3A_151 = arith.constant 0 : i32
        %dma_wait3A_152 = tpu.memref_slice %arg4[%add3A_134, %dma_wait3A_151] : memref<262144x32xf32, #tpu.memory_space<hbm>> -> memref<128x32xf32, #tpu.memory_space<hbm>>
        tpu.wait_dma2 semaphore(%run_scoped3A : memref<!tpu.dma_semaphore, #tpu.memory_space<semaphore_mem>>) src(%arg11 : memref<128x32xf32, #tpu.memory_space<vmem>>) dst(%dma_wait3A_152 : memref<128x32xf32, #tpu.memory_space<hbm>>)
        tpu.yield
      }) : () -> ()
      %add3A_135 = arith.constant 6 : i32
      %add3A_136 = arith.addi %mul3A_10, %add3A_135 : i32
      %mul3A_137 = arith.constant 128 : i32
      %mul3A_138 = arith.muli %add3A_136, %mul3A_137 : i32
      %add3A_139 = arith.addi %mul3A_2, %mul3A_138 : i32
      "tpu.region"() ({
        %run_scoped3A = tpu.sem_alloc : memref<!tpu.dma_semaphore, #tpu.memory_space<semaphore_mem>>
        %dma_start3A_145 = arith.constant 0 : i32
        %dma_start3A_146 = tpu.memref_slice %arg4[%add3A_139, %dma_start3A_145] : memref<262144x32xf32, #tpu.memory_space<hbm>> -> memref<128x32xf32, #tpu.memory_space<hbm>>
        %dma_start3A_147 = arith.constant 0 : i32
        %dma_start3A_148 = tpu.memref_slice %arg4[%add3A_139, %dma_start3A_147] : memref<262144x32xf32, #tpu.memory_space<hbm>> -> memref<128x32xf32, #tpu.memory_space<hbm>>
        tpu.enqueue_dma source(%arg12 : memref<128x32xf32, #tpu.memory_space<vmem>>) target(%dma_start3A_148 : memref<128x32xf32, #tpu.memory_space<hbm>>) target_semaphore(%run_scoped3A : memref<!tpu.dma_semaphore, #tpu.memory_space<semaphore_mem>>)
        %dma_wait3A_149 = arith.constant 0 : i32
        %dma_wait3A_150 = tpu.memref_slice %arg4[%add3A_139, %dma_wait3A_149] : memref<262144x32xf32, #tpu.memory_space<hbm>> -> memref<128x32xf32, #tpu.memory_space<hbm>>
        %dma_wait3A_151 = arith.constant 0 : i32
        %dma_wait3A_152 = tpu.memref_slice %arg4[%add3A_139, %dma_wait3A_151] : memref<262144x32xf32, #tpu.memory_space<hbm>> -> memref<128x32xf32, #tpu.memory_space<hbm>>
        tpu.wait_dma2 semaphore(%run_scoped3A : memref<!tpu.dma_semaphore, #tpu.memory_space<semaphore_mem>>) src(%arg12 : memref<128x32xf32, #tpu.memory_space<vmem>>) dst(%dma_wait3A_152 : memref<128x32xf32, #tpu.memory_space<hbm>>)
        tpu.yield
      }) : () -> ()
      %add3A_140 = arith.constant 7 : i32
      %add3A_141 = arith.addi %mul3A_10, %add3A_140 : i32
      %mul3A_142 = arith.constant 128 : i32
      %mul3A_143 = arith.muli %add3A_141, %mul3A_142 : i32
      %add3A_144 = arith.addi %mul3A_2, %mul3A_143 : i32
      "tpu.region"() ({
        %run_scoped3A = tpu.sem_alloc : memref<!tpu.dma_semaphore, #tpu.memory_space<semaphore_mem>>
        %dma_start3A_145 = arith.constant 0 : i32
        %dma_start3A_146 = tpu.memref_slice %arg4[%add3A_144, %dma_start3A_145] : memref<262144x32xf32, #tpu.memory_space<hbm>> -> memref<128x32xf32, #tpu.memory_space<hbm>>
        %dma_start3A_147 = arith.constant 0 : i32
        %dma_start3A_148 = tpu.memref_slice %arg4[%add3A_144, %dma_start3A_147] : memref<262144x32xf32, #tpu.memory_space<hbm>> -> memref<128x32xf32, #tpu.memory_space<hbm>>
        tpu.enqueue_dma source(%arg13 : memref<128x32xf32, #tpu.memory_space<vmem>>) target(%dma_start3A_148 : memref<128x32xf32, #tpu.memory_space<hbm>>) target_semaphore(%run_scoped3A : memref<!tpu.dma_semaphore, #tpu.memory_space<semaphore_mem>>)
        %dma_wait3A_149 = arith.constant 0 : i32
        %dma_wait3A_150 = tpu.memref_slice %arg4[%add3A_144, %dma_wait3A_149] : memref<262144x32xf32, #tpu.memory_space<hbm>> -> memref<128x32xf32, #tpu.memory_space<hbm>>
        %dma_wait3A_151 = arith.constant 0 : i32
        %dma_wait3A_152 = tpu.memref_slice %arg4[%add3A_144, %dma_wait3A_151] : memref<262144x32xf32, #tpu.memory_space<hbm>> -> memref<128x32xf32, #tpu.memory_space<hbm>>
        tpu.wait_dma2 semaphore(%run_scoped3A : memref<!tpu.dma_semaphore, #tpu.memory_space<semaphore_mem>>) src(%arg13 : memref<128x32xf32, #tpu.memory_space<vmem>>) dst(%dma_wait3A_152 : memref<128x32xf32, #tpu.memory_space<hbm>>)
        tpu.yield
      }) : () -> ()
    }
    %scan3A_7 = arith.constant 8 : i32
    return
  }
}

#map = affine_map<(d0, d1) -> (0, 0)>
#map1 = affine_map<(d0, d1) -> (0)>
module attributes {stable_mosaic.version = 14 : i64} {
  func.func @gather_k(%arg0: i32, %arg1: i32, %arg2: memref<16384x32xf32, #tpu.memory_space<hbm>>, %arg3: memref<262144xi32, #tpu.memory_space<hbm>>, %arg4: memref<262144x32xf32, #tpu.memory_space<hbm>>, %arg5: memref<8192xi32, #tpu.memory_space<vmem>>, %arg6: memref<128x32xf32, #tpu.memory_space<vmem>>, %arg7: memref<128x32xf32, #tpu.memory_space<vmem>>, %arg8: memref<128x32xf32, #tpu.memory_space<vmem>>, %arg9: memref<128x32xf32, #tpu.memory_space<vmem>>, %arg10: memref<128x32xf32, #tpu.memory_space<vmem>>, %arg11: memref<128x32xf32, #tpu.memory_space<vmem>>, %arg12: memref<128x32xf32, #tpu.memory_space<vmem>>, %arg13: memref<128x32xf32, #tpu.memory_space<vmem>>, %arg14: memref<!tpu.dma_semaphore, #tpu.memory_space<semaphore_mem>>) attributes {dimension_semantics = [#tpu.dimension_semantics<core_parallel>, #tpu.dimension_semantics<subcore_parallel>], iteration_bounds = array<i64: 2, 16>, scalar_prefetch = 0 : i64, scratch_operands = 10 : i64, tpu.core_type = #tpu.core_type<sc_vector_subcore>, window_params = [{transform_indices = #map}, {transform_indices = #map1}, {transform_indices = #map}]} {
    %mul3A = arith.constant 2 : i32
    %mul3A_0 = arith.muli %arg1, %mul3A : i32
    %add3A = arith.addi %mul3A_0, %arg0 : i32
    %mul3A_1 = arith.constant 8192 : i32
    %mul3A_2 = arith.muli %add3A, %mul3A_1 : i32
    "tpu.region"() ({
      %run_scoped3A = tpu.sem_alloc : memref<!tpu.dma_semaphore, #tpu.memory_space<semaphore_mem>>
      %dma_start3A = tpu.memref_slice %arg3[%mul3A_2] : memref<262144xi32, #tpu.memory_space<hbm>> -> memref<8192xi32, #tpu.memory_space<hbm>>
      %dma_start3A_8 = tpu.memref_slice %arg3[%mul3A_2] : memref<262144xi32, #tpu.memory_space<hbm>> -> memref<8192xi32, #tpu.memory_space<hbm>>
      tpu.enqueue_dma source(%dma_start3A_8 : memref<8192xi32, #tpu.memory_space<hbm>>) target(%arg5 : memref<8192xi32, #tpu.memory_space<vmem>>) target_semaphore(%run_scoped3A : memref<!tpu.dma_semaphore, #tpu.memory_space<semaphore_mem>>)
      %dma_wait3A = tpu.memref_slice %arg3[%mul3A_2] : memref<262144xi32, #tpu.memory_space<hbm>> -> memref<8192xi32, #tpu.memory_space<hbm>>
      %dma_wait3A_9 = tpu.memref_slice %arg3[%mul3A_2] : memref<262144xi32, #tpu.memory_space<hbm>> -> memref<8192xi32, #tpu.memory_space<hbm>>
      tpu.wait_dma2 semaphore(%run_scoped3A : memref<!tpu.dma_semaphore, #tpu.memory_space<semaphore_mem>>) src(%dma_wait3A_9 : memref<8192xi32, #tpu.memory_space<hbm>>) dst(%arg5 : memref<8192xi32, #tpu.memory_space<vmem>>)
      tpu.yield
    }) : () -> ()
    %scan3A = arith.constant 0 : i32
    %scan3A_3 = arith.constant 0 : i32
    %scan3A_4 = arith.constant 8 : i32
    %scan3A_5 = arith.addi %scan3A_3, %scan3A_4 : i32
    %scan3A_6 = arith.constant 1 : i32
    scf.for %scan3A_8 = %scan3A_3 to %scan3A_5 step %scan3A_6  : i32 {
      %mul3A_9 = arith.constant 8 : i32
      %mul3A_10 = arith.muli %scan3A_8, %mul3A_9 : i32
      %add3A_11 = arith.constant 0 : i32
      %add3A_12 = arith.addi %mul3A_10, %add3A_11 : i32
      %mul3A_13 = arith.constant 128 : i32
      %mul3A_14 = arith.muli %add3A_12, %mul3A_13 : i32
      %dma_start3A = tpu.memref_slice %arg5[%mul3A_14] : memref<8192xi32, #tpu.memory_space<vmem>> -> memref<128xi32, #tpu.memory_space<vmem>>
      %dma_start3A_15 = arith.constant 0 : i32
      %dma_start3A_16 = arith.constant 0 : i32
      %dma_start3A_17 = tpu.memref_slice %arg2[%dma_start3A_15, %dma_start3A_16] : memref<16384x32xf32, #tpu.memory_space<hbm>> -> memref<16384x32xf32, #tpu.memory_space<hbm>>
      tpu.enqueue_indirect_dma source(%dma_start3A_17 : memref<16384x32xf32, #tpu.memory_space<hbm>>) target(%arg6 : memref<128x32xf32, #tpu.memory_space<vmem>>) offsets(%dma_start3A : memref<128xi32, #tpu.memory_space<vmem>>) semaphore(%arg14 : memref<!tpu.dma_semaphore, #tpu.memory_space<semaphore_mem>>)
      %add3A_18 = arith.constant 1 : i32
      %add3A_19 = arith.addi %mul3A_10, %add3A_18 : i32
      %mul3A_20 = arith.constant 128 : i32
      %mul3A_21 = arith.muli %add3A_19, %mul3A_20 : i32
      %dma_start3A_22 = tpu.memref_slice %arg5[%mul3A_21] : memref<8192xi32, #tpu.memory_space<vmem>> -> memref<128xi32, #tpu.memory_space<vmem>>
      %dma_start3A_23 = arith.constant 0 : i32
      %dma_start3A_24 = arith.constant 0 : i32
      %dma_start3A_25 = tpu.memref_slice %arg2[%dma_start3A_23, %dma_start3A_24] : memref<16384x32xf32, #tpu.memory_space<hbm>> -> memref<16384x32xf32, #tpu.memory_space<hbm>>
      tpu.enqueue_indirect_dma source(%dma_start3A_25 : memref<16384x32xf32, #tpu.memory_space<hbm>>) target(%arg7 : memref<128x32xf32, #tpu.memory_space<vmem>>) offsets(%dma_start3A_22 : memref<128xi32, #tpu.memory_space<vmem>>) semaphore(%arg14 : memref<!tpu.dma_semaphore, #tpu.memory_space<semaphore_mem>>)
      %add3A_26 = arith.constant 2 : i32
      %add3A_27 = arith.addi %mul3A_10, %add3A_26 : i32
      %mul3A_28 = arith.constant 128 : i32
      %mul3A_29 = arith.muli %add3A_27, %mul3A_28 : i32
      %dma_start3A_30 = tpu.memref_slice %arg5[%mul3A_29] : memref<8192xi32, #tpu.memory_space<vmem>> -> memref<128xi32, #tpu.memory_space<vmem>>
      %dma_start3A_31 = arith.constant 0 : i32
      %dma_start3A_32 = arith.constant 0 : i32
      %dma_start3A_33 = tpu.memref_slice %arg2[%dma_start3A_31, %dma_start3A_32] : memref<16384x32xf32, #tpu.memory_space<hbm>> -> memref<16384x32xf32, #tpu.memory_space<hbm>>
      tpu.enqueue_indirect_dma source(%dma_start3A_33 : memref<16384x32xf32, #tpu.memory_space<hbm>>) target(%arg8 : memref<128x32xf32, #tpu.memory_space<vmem>>) offsets(%dma_start3A_30 : memref<128xi32, #tpu.memory_space<vmem>>) semaphore(%arg14 : memref<!tpu.dma_semaphore, #tpu.memory_space<semaphore_mem>>)
      %add3A_34 = arith.constant 3 : i32
      %add3A_35 = arith.addi %mul3A_10, %add3A_34 : i32
      %mul3A_36 = arith.constant 128 : i32
      %mul3A_37 = arith.muli %add3A_35, %mul3A_36 : i32
      %dma_start3A_38 = tpu.memref_slice %arg5[%mul3A_37] : memref<8192xi32, #tpu.memory_space<vmem>> -> memref<128xi32, #tpu.memory_space<vmem>>
      %dma_start3A_39 = arith.constant 0 : i32
      %dma_start3A_40 = arith.constant 0 : i32
      %dma_start3A_41 = tpu.memref_slice %arg2[%dma_start3A_39, %dma_start3A_40] : memref<16384x32xf32, #tpu.memory_space<hbm>> -> memref<16384x32xf32, #tpu.memory_space<hbm>>
      tpu.enqueue_indirect_dma source(%dma_start3A_41 : memref<16384x32xf32, #tpu.memory_space<hbm>>) target(%arg9 : memref<128x32xf32, #tpu.memory_space<vmem>>) offsets(%dma_start3A_38 : memref<128xi32, #tpu.memory_space<vmem>>) semaphore(%arg14 : memref<!tpu.dma_semaphore, #tpu.memory_space<semaphore_mem>>)
      %add3A_42 = arith.constant 4 : i32
      %add3A_43 = arith.addi %mul3A_10, %add3A_42 : i32
      %mul3A_44 = arith.constant 128 : i32
      %mul3A_45 = arith.muli %add3A_43, %mul3A_44 : i32
      %dma_start3A_46 = tpu.memref_slice %arg5[%mul3A_45] : memref<8192xi32, #tpu.memory_space<vmem>> -> memref<128xi32, #tpu.memory_space<vmem>>
      %dma_start3A_47 = arith.constant 0 : i32
      %dma_start3A_48 = arith.constant 0 : i32
      %dma_start3A_49 = tpu.memref_slice %arg2[%dma_start3A_47, %dma_start3A_48] : memref<16384x32xf32, #tpu.memory_space<hbm>> -> memref<16384x32xf32, #tpu.memory_space<hbm>>
      tpu.enqueue_indirect_dma source(%dma_start3A_49 : memref<16384x32xf32, #tpu.memory_space<hbm>>) target(%arg10 : memref<128x32xf32, #tpu.memory_space<vmem>>) offsets(%dma_start3A_46 : memref<128xi32, #tpu.memory_space<vmem>>) semaphore(%arg14 : memref<!tpu.dma_semaphore, #tpu.memory_space<semaphore_mem>>)
      %add3A_50 = arith.constant 5 : i32
      %add3A_51 = arith.addi %mul3A_10, %add3A_50 : i32
      %mul3A_52 = arith.constant 128 : i32
      %mul3A_53 = arith.muli %add3A_51, %mul3A_52 : i32
      %dma_start3A_54 = tpu.memref_slice %arg5[%mul3A_53] : memref<8192xi32, #tpu.memory_space<vmem>> -> memref<128xi32, #tpu.memory_space<vmem>>
      %dma_start3A_55 = arith.constant 0 : i32
      %dma_start3A_56 = arith.constant 0 : i32
      %dma_start3A_57 = tpu.memref_slice %arg2[%dma_start3A_55, %dma_start3A_56] : memref<16384x32xf32, #tpu.memory_space<hbm>> -> memref<16384x32xf32, #tpu.memory_space<hbm>>
      tpu.enqueue_indirect_dma source(%dma_start3A_57 : memref<16384x32xf32, #tpu.memory_space<hbm>>) target(%arg11 : memref<128x32xf32, #tpu.memory_space<vmem>>) offsets(%dma_start3A_54 : memref<128xi32, #tpu.memory_space<vmem>>) semaphore(%arg14 : memref<!tpu.dma_semaphore, #tpu.memory_space<semaphore_mem>>)
      %add3A_58 = arith.constant 6 : i32
      %add3A_59 = arith.addi %mul3A_10, %add3A_58 : i32
      %mul3A_60 = arith.constant 128 : i32
      %mul3A_61 = arith.muli %add3A_59, %mul3A_60 : i32
      %dma_start3A_62 = tpu.memref_slice %arg5[%mul3A_61] : memref<8192xi32, #tpu.memory_space<vmem>> -> memref<128xi32, #tpu.memory_space<vmem>>
      %dma_start3A_63 = arith.constant 0 : i32
      %dma_start3A_64 = arith.constant 0 : i32
      %dma_start3A_65 = tpu.memref_slice %arg2[%dma_start3A_63, %dma_start3A_64] : memref<16384x32xf32, #tpu.memory_space<hbm>> -> memref<16384x32xf32, #tpu.memory_space<hbm>>
      tpu.enqueue_indirect_dma source(%dma_start3A_65 : memref<16384x32xf32, #tpu.memory_space<hbm>>) target(%arg12 : memref<128x32xf32, #tpu.memory_space<vmem>>) offsets(%dma_start3A_62 : memref<128xi32, #tpu.memory_space<vmem>>) semaphore(%arg14 : memref<!tpu.dma_semaphore, #tpu.memory_space<semaphore_mem>>)
      %add3A_66 = arith.constant 7 : i32
      %add3A_67 = arith.addi %mul3A_10, %add3A_66 : i32
      %mul3A_68 = arith.constant 128 : i32
      %mul3A_69 = arith.muli %add3A_67, %mul3A_68 : i32
      %dma_start3A_70 = tpu.memref_slice %arg5[%mul3A_69] : memref<8192xi32, #tpu.memory_space<vmem>> -> memref<128xi32, #tpu.memory_space<vmem>>
      %dma_start3A_71 = arith.constant 0 : i32
      %dma_start3A_72 = arith.constant 0 : i32
      %dma_start3A_73 = tpu.memref_slice %arg2[%dma_start3A_71, %dma_start3A_72] : memref<16384x32xf32, #tpu.memory_space<hbm>> -> memref<16384x32xf32, #tpu.memory_space<hbm>>
      tpu.enqueue_indirect_dma source(%dma_start3A_73 : memref<16384x32xf32, #tpu.memory_space<hbm>>) target(%arg13 : memref<128x32xf32, #tpu.memory_space<vmem>>) offsets(%dma_start3A_70 : memref<128xi32, #tpu.memory_space<vmem>>) semaphore(%arg14 : memref<!tpu.dma_semaphore, #tpu.memory_space<semaphore_mem>>)
      %dma_wait3A = tpu.memref_slice %arg5[%mul3A_14] : memref<8192xi32, #tpu.memory_space<vmem>> -> memref<128xi32, #tpu.memory_space<vmem>>
      %dma_wait3A_74 = arith.constant 0 : i32
      %dma_wait3A_75 = arith.constant 0 : i32
      %dma_wait3A_76 = tpu.memref_slice %arg2[%dma_wait3A_74, %dma_wait3A_75] : memref<16384x32xf32, #tpu.memory_space<hbm>> -> memref<16384x32xf32, #tpu.memory_space<hbm>>
      tpu.wait_indirect_dma semaphore(%arg14 : memref<!tpu.dma_semaphore, #tpu.memory_space<semaphore_mem>>) src(%dma_wait3A_76 : memref<16384x32xf32, #tpu.memory_space<hbm>>) dst(%arg6 : memref<128x32xf32, #tpu.memory_space<vmem>>)
      %dma_wait3A_77 = tpu.memref_slice %arg5[%mul3A_21] : memref<8192xi32, #tpu.memory_space<vmem>> -> memref<128xi32, #tpu.memory_space<vmem>>
      %dma_wait3A_78 = arith.constant 0 : i32
      %dma_wait3A_79 = arith.constant 0 : i32
      %dma_wait3A_80 = tpu.memref_slice %arg2[%dma_wait3A_78, %dma_wait3A_79] : memref<16384x32xf32, #tpu.memory_space<hbm>> -> memref<16384x32xf32, #tpu.memory_space<hbm>>
      tpu.wait_indirect_dma semaphore(%arg14 : memref<!tpu.dma_semaphore, #tpu.memory_space<semaphore_mem>>) src(%dma_wait3A_80 : memref<16384x32xf32, #tpu.memory_space<hbm>>) dst(%arg7 : memref<128x32xf32, #tpu.memory_space<vmem>>)
      %dma_wait3A_81 = tpu.memref_slice %arg5[%mul3A_29] : memref<8192xi32, #tpu.memory_space<vmem>> -> memref<128xi32, #tpu.memory_space<vmem>>
      %dma_wait3A_82 = arith.constant 0 : i32
      %dma_wait3A_83 = arith.constant 0 : i32
      %dma_wait3A_84 = tpu.memref_slice %arg2[%dma_wait3A_82, %dma_wait3A_83] : memref<16384x32xf32, #tpu.memory_space<hbm>> -> memref<16384x32xf32, #tpu.memory_space<hbm>>
      tpu.wait_indirect_dma semaphore(%arg14 : memref<!tpu.dma_semaphore, #tpu.memory_space<semaphore_mem>>) src(%dma_wait3A_84 : memref<16384x32xf32, #tpu.memory_space<hbm>>) dst(%arg8 : memref<128x32xf32, #tpu.memory_space<vmem>>)
      %dma_wait3A_85 = tpu.memref_slice %arg5[%mul3A_37] : memref<8192xi32, #tpu.memory_space<vmem>> -> memref<128xi32, #tpu.memory_space<vmem>>
      %dma_wait3A_86 = arith.constant 0 : i32
      %dma_wait3A_87 = arith.constant 0 : i32
      %dma_wait3A_88 = tpu.memref_slice %arg2[%dma_wait3A_86, %dma_wait3A_87] : memref<16384x32xf32, #tpu.memory_space<hbm>> -> memref<16384x32xf32, #tpu.memory_space<hbm>>
      tpu.wait_indirect_dma semaphore(%arg14 : memref<!tpu.dma_semaphore, #tpu.memory_space<semaphore_mem>>) src(%dma_wait3A_88 : memref<16384x32xf32, #tpu.memory_space<hbm>>) dst(%arg9 : memref<128x32xf32, #tpu.memory_space<vmem>>)
      %dma_wait3A_89 = tpu.memref_slice %arg5[%mul3A_45] : memref<8192xi32, #tpu.memory_space<vmem>> -> memref<128xi32, #tpu.memory_space<vmem>>
      %dma_wait3A_90 = arith.constant 0 : i32
      %dma_wait3A_91 = arith.constant 0 : i32
      %dma_wait3A_92 = tpu.memref_slice %arg2[%dma_wait3A_90, %dma_wait3A_91] : memref<16384x32xf32, #tpu.memory_space<hbm>> -> memref<16384x32xf32, #tpu.memory_space<hbm>>
      tpu.wait_indirect_dma semaphore(%arg14 : memref<!tpu.dma_semaphore, #tpu.memory_space<semaphore_mem>>) src(%dma_wait3A_92 : memref<16384x32xf32, #tpu.memory_space<hbm>>) dst(%arg10 : memref<128x32xf32, #tpu.memory_space<vmem>>)
      %dma_wait3A_93 = tpu.memref_slice %arg5[%mul3A_53] : memref<8192xi32, #tpu.memory_space<vmem>> -> memref<128xi32, #tpu.memory_space<vmem>>
      %dma_wait3A_94 = arith.constant 0 : i32
      %dma_wait3A_95 = arith.constant 0 : i32
      %dma_wait3A_96 = tpu.memref_slice %arg2[%dma_wait3A_94, %dma_wait3A_95] : memref<16384x32xf32, #tpu.memory_space<hbm>> -> memref<16384x32xf32, #tpu.memory_space<hbm>>
      tpu.wait_indirect_dma semaphore(%arg14 : memref<!tpu.dma_semaphore, #tpu.memory_space<semaphore_mem>>) src(%dma_wait3A_96 : memref<16384x32xf32, #tpu.memory_space<hbm>>) dst(%arg11 : memref<128x32xf32, #tpu.memory_space<vmem>>)
      %dma_wait3A_97 = tpu.memref_slice %arg5[%mul3A_61] : memref<8192xi32, #tpu.memory_space<vmem>> -> memref<128xi32, #tpu.memory_space<vmem>>
      %dma_wait3A_98 = arith.constant 0 : i32
      %dma_wait3A_99 = arith.constant 0 : i32
      %dma_wait3A_100 = tpu.memref_slice %arg2[%dma_wait3A_98, %dma_wait3A_99] : memref<16384x32xf32, #tpu.memory_space<hbm>> -> memref<16384x32xf32, #tpu.memory_space<hbm>>
      tpu.wait_indirect_dma semaphore(%arg14 : memref<!tpu.dma_semaphore, #tpu.memory_space<semaphore_mem>>) src(%dma_wait3A_100 : memref<16384x32xf32, #tpu.memory_space<hbm>>) dst(%arg12 : memref<128x32xf32, #tpu.memory_space<vmem>>)
      %dma_wait3A_101 = tpu.memref_slice %arg5[%mul3A_69] : memref<8192xi32, #tpu.memory_space<vmem>> -> memref<128xi32, #tpu.memory_space<vmem>>
      %dma_wait3A_102 = arith.constant 0 : i32
      %dma_wait3A_103 = arith.constant 0 : i32
      %dma_wait3A_104 = tpu.memref_slice %arg2[%dma_wait3A_102, %dma_wait3A_103] : memref<16384x32xf32, #tpu.memory_space<hbm>> -> memref<16384x32xf32, #tpu.memory_space<hbm>>
      tpu.wait_indirect_dma semaphore(%arg14 : memref<!tpu.dma_semaphore, #tpu.memory_space<semaphore_mem>>) src(%dma_wait3A_104 : memref<16384x32xf32, #tpu.memory_space<hbm>>) dst(%arg13 : memref<128x32xf32, #tpu.memory_space<vmem>>)
      %add3A_105 = arith.constant 0 : i32
      %add3A_106 = arith.addi %mul3A_10, %add3A_105 : i32
      %mul3A_107 = arith.constant 128 : i32
      %mul3A_108 = arith.muli %add3A_106, %mul3A_107 : i32
      %add3A_109 = arith.addi %mul3A_2, %mul3A_108 : i32
      "tpu.region"() ({
        %run_scoped3A = tpu.sem_alloc : memref<!tpu.dma_semaphore, #tpu.memory_space<semaphore_mem>>
        %dma_start3A_145 = arith.constant 0 : i32
        %dma_start3A_146 = tpu.memref_slice %arg4[%add3A_109, %dma_start3A_145] : memref<262144x32xf32, #tpu.memory_space<hbm>> -> memref<128x32xf32, #tpu.memory_space<hbm>>
        %dma_start3A_147 = arith.constant 0 : i32
        %dma_start3A_148 = tpu.memref_slice %arg4[%add3A_109, %dma_start3A_147] : memref<262144x32xf32, #tpu.memory_space<hbm>> -> memref<128x32xf32, #tpu.memory_space<hbm>>
        tpu.enqueue_dma source(%arg6 : memref<128x32xf32, #tpu.memory_space<vmem>>) target(%dma_start3A_148 : memref<128x32xf32, #tpu.memory_space<hbm>>) target_semaphore(%run_scoped3A : memref<!tpu.dma_semaphore, #tpu.memory_space<semaphore_mem>>)
        %dma_wait3A_149 = arith.constant 0 : i32
        %dma_wait3A_150 = tpu.memref_slice %arg4[%add3A_109, %dma_wait3A_149] : memref<262144x32xf32, #tpu.memory_space<hbm>> -> memref<128x32xf32, #tpu.memory_space<hbm>>
        %dma_wait3A_151 = arith.constant 0 : i32
        %dma_wait3A_152 = tpu.memref_slice %arg4[%add3A_109, %dma_wait3A_151] : memref<262144x32xf32, #tpu.memory_space<hbm>> -> memref<128x32xf32, #tpu.memory_space<hbm>>
        tpu.wait_dma2 semaphore(%run_scoped3A : memref<!tpu.dma_semaphore, #tpu.memory_space<semaphore_mem>>) src(%arg6 : memref<128x32xf32, #tpu.memory_space<vmem>>) dst(%dma_wait3A_152 : memref<128x32xf32, #tpu.memory_space<hbm>>)
        tpu.yield
      }) : () -> ()
      %add3A_110 = arith.constant 1 : i32
      %add3A_111 = arith.addi %mul3A_10, %add3A_110 : i32
      %mul3A_112 = arith.constant 128 : i32
      %mul3A_113 = arith.muli %add3A_111, %mul3A_112 : i32
      %add3A_114 = arith.addi %mul3A_2, %mul3A_113 : i32
      "tpu.region"() ({
        %run_scoped3A = tpu.sem_alloc : memref<!tpu.dma_semaphore, #tpu.memory_space<semaphore_mem>>
        %dma_start3A_145 = arith.constant 0 : i32
        %dma_start3A_146 = tpu.memref_slice %arg4[%add3A_114, %dma_start3A_145] : memref<262144x32xf32, #tpu.memory_space<hbm>> -> memref<128x32xf32, #tpu.memory_space<hbm>>
        %dma_start3A_147 = arith.constant 0 : i32
        %dma_start3A_148 = tpu.memref_slice %arg4[%add3A_114, %dma_start3A_147] : memref<262144x32xf32, #tpu.memory_space<hbm>> -> memref<128x32xf32, #tpu.memory_space<hbm>>
        tpu.enqueue_dma source(%arg7 : memref<128x32xf32, #tpu.memory_space<vmem>>) target(%dma_start3A_148 : memref<128x32xf32, #tpu.memory_space<hbm>>) target_semaphore(%run_scoped3A : memref<!tpu.dma_semaphore, #tpu.memory_space<semaphore_mem>>)
        %dma_wait3A_149 = arith.constant 0 : i32
        %dma_wait3A_150 = tpu.memref_slice %arg4[%add3A_114, %dma_wait3A_149] : memref<262144x32xf32, #tpu.memory_space<hbm>> -> memref<128x32xf32, #tpu.memory_space<hbm>>
        %dma_wait3A_151 = arith.constant 0 : i32
        %dma_wait3A_152 = tpu.memref_slice %arg4[%add3A_114, %dma_wait3A_151] : memref<262144x32xf32, #tpu.memory_space<hbm>> -> memref<128x32xf32, #tpu.memory_space<hbm>>
        tpu.wait_dma2 semaphore(%run_scoped3A : memref<!tpu.dma_semaphore, #tpu.memory_space<semaphore_mem>>) src(%arg7 : memref<128x32xf32, #tpu.memory_space<vmem>>) dst(%dma_wait3A_152 : memref<128x32xf32, #tpu.memory_space<hbm>>)
        tpu.yield
      }) : () -> ()
      %add3A_115 = arith.constant 2 : i32
      %add3A_116 = arith.addi %mul3A_10, %add3A_115 : i32
      %mul3A_117 = arith.constant 128 : i32
      %mul3A_118 = arith.muli %add3A_116, %mul3A_117 : i32
      %add3A_119 = arith.addi %mul3A_2, %mul3A_118 : i32
      "tpu.region"() ({
        %run_scoped3A = tpu.sem_alloc : memref<!tpu.dma_semaphore, #tpu.memory_space<semaphore_mem>>
        %dma_start3A_145 = arith.constant 0 : i32
        %dma_start3A_146 = tpu.memref_slice %arg4[%add3A_119, %dma_start3A_145] : memref<262144x32xf32, #tpu.memory_space<hbm>> -> memref<128x32xf32, #tpu.memory_space<hbm>>
        %dma_start3A_147 = arith.constant 0 : i32
        %dma_start3A_148 = tpu.memref_slice %arg4[%add3A_119, %dma_start3A_147] : memref<262144x32xf32, #tpu.memory_space<hbm>> -> memref<128x32xf32, #tpu.memory_space<hbm>>
        tpu.enqueue_dma source(%arg8 : memref<128x32xf32, #tpu.memory_space<vmem>>) target(%dma_start3A_148 : memref<128x32xf32, #tpu.memory_space<hbm>>) target_semaphore(%run_scoped3A : memref<!tpu.dma_semaphore, #tpu.memory_space<semaphore_mem>>)
        %dma_wait3A_149 = arith.constant 0 : i32
        %dma_wait3A_150 = tpu.memref_slice %arg4[%add3A_119, %dma_wait3A_149] : memref<262144x32xf32, #tpu.memory_space<hbm>> -> memref<128x32xf32, #tpu.memory_space<hbm>>
        %dma_wait3A_151 = arith.constant 0 : i32
        %dma_wait3A_152 = tpu.memref_slice %arg4[%add3A_119, %dma_wait3A_151] : memref<262144x32xf32, #tpu.memory_space<hbm>> -> memref<128x32xf32, #tpu.memory_space<hbm>>
        tpu.wait_dma2 semaphore(%run_scoped3A : memref<!tpu.dma_semaphore, #tpu.memory_space<semaphore_mem>>) src(%arg8 : memref<128x32xf32, #tpu.memory_space<vmem>>) dst(%dma_wait3A_152 : memref<128x32xf32, #tpu.memory_space<hbm>>)
        tpu.yield
      }) : () -> ()
      %add3A_120 = arith.constant 3 : i32
      %add3A_121 = arith.addi %mul3A_10, %add3A_120 : i32
      %mul3A_122 = arith.constant 128 : i32
      %mul3A_123 = arith.muli %add3A_121, %mul3A_122 : i32
      %add3A_124 = arith.addi %mul3A_2, %mul3A_123 : i32
      "tpu.region"() ({
        %run_scoped3A = tpu.sem_alloc : memref<!tpu.dma_semaphore, #tpu.memory_space<semaphore_mem>>
        %dma_start3A_145 = arith.constant 0 : i32
        %dma_start3A_146 = tpu.memref_slice %arg4[%add3A_124, %dma_start3A_145] : memref<262144x32xf32, #tpu.memory_space<hbm>> -> memref<128x32xf32, #tpu.memory_space<hbm>>
        %dma_start3A_147 = arith.constant 0 : i32
        %dma_start3A_148 = tpu.memref_slice %arg4[%add3A_124, %dma_start3A_147] : memref<262144x32xf32, #tpu.memory_space<hbm>> -> memref<128x32xf32, #tpu.memory_space<hbm>>
        tpu.enqueue_dma source(%arg9 : memref<128x32xf32, #tpu.memory_space<vmem>>) target(%dma_start3A_148 : memref<128x32xf32, #tpu.memory_space<hbm>>) target_semaphore(%run_scoped3A : memref<!tpu.dma_semaphore, #tpu.memory_space<semaphore_mem>>)
        %dma_wait3A_149 = arith.constant 0 : i32
        %dma_wait3A_150 = tpu.memref_slice %arg4[%add3A_124, %dma_wait3A_149] : memref<262144x32xf32, #tpu.memory_space<hbm>> -> memref<128x32xf32, #tpu.memory_space<hbm>>
        %dma_wait3A_151 = arith.constant 0 : i32
        %dma_wait3A_152 = tpu.memref_slice %arg4[%add3A_124, %dma_wait3A_151] : memref<262144x32xf32, #tpu.memory_space<hbm>> -> memref<128x32xf32, #tpu.memory_space<hbm>>
        tpu.wait_dma2 semaphore(%run_scoped3A : memref<!tpu.dma_semaphore, #tpu.memory_space<semaphore_mem>>) src(%arg9 : memref<128x32xf32, #tpu.memory_space<vmem>>) dst(%dma_wait3A_152 : memref<128x32xf32, #tpu.memory_space<hbm>>)
        tpu.yield
      }) : () -> ()
      %add3A_125 = arith.constant 4 : i32
      %add3A_126 = arith.addi %mul3A_10, %add3A_125 : i32
      %mul3A_127 = arith.constant 128 : i32
      %mul3A_128 = arith.muli %add3A_126, %mul3A_127 : i32
      %add3A_129 = arith.addi %mul3A_2, %mul3A_128 : i32
      "tpu.region"() ({
        %run_scoped3A = tpu.sem_alloc : memref<!tpu.dma_semaphore, #tpu.memory_space<semaphore_mem>>
        %dma_start3A_145 = arith.constant 0 : i32
        %dma_start3A_146 = tpu.memref_slice %arg4[%add3A_129, %dma_start3A_145] : memref<262144x32xf32, #tpu.memory_space<hbm>> -> memref<128x32xf32, #tpu.memory_space<hbm>>
        %dma_start3A_147 = arith.constant 0 : i32
        %dma_start3A_148 = tpu.memref_slice %arg4[%add3A_129, %dma_start3A_147] : memref<262144x32xf32, #tpu.memory_space<hbm>> -> memref<128x32xf32, #tpu.memory_space<hbm>>
        tpu.enqueue_dma source(%arg10 : memref<128x32xf32, #tpu.memory_space<vmem>>) target(%dma_start3A_148 : memref<128x32xf32, #tpu.memory_space<hbm>>) target_semaphore(%run_scoped3A : memref<!tpu.dma_semaphore, #tpu.memory_space<semaphore_mem>>)
        %dma_wait3A_149 = arith.constant 0 : i32
        %dma_wait3A_150 = tpu.memref_slice %arg4[%add3A_129, %dma_wait3A_149] : memref<262144x32xf32, #tpu.memory_space<hbm>> -> memref<128x32xf32, #tpu.memory_space<hbm>>
        %dma_wait3A_151 = arith.constant 0 : i32
        %dma_wait3A_152 = tpu.memref_slice %arg4[%add3A_129, %dma_wait3A_151] : memref<262144x32xf32, #tpu.memory_space<hbm>> -> memref<128x32xf32, #tpu.memory_space<hbm>>
        tpu.wait_dma2 semaphore(%run_scoped3A : memref<!tpu.dma_semaphore, #tpu.memory_space<semaphore_mem>>) src(%arg10 : memref<128x32xf32, #tpu.memory_space<vmem>>) dst(%dma_wait3A_152 : memref<128x32xf32, #tpu.memory_space<hbm>>)
        tpu.yield
      }) : () -> ()
      %add3A_130 = arith.constant 5 : i32
      %add3A_131 = arith.addi %mul3A_10, %add3A_130 : i32
      %mul3A_132 = arith.constant 128 : i32
      %mul3A_133 = arith.muli %add3A_131, %mul3A_132 : i32
      %add3A_134 = arith.addi %mul3A_2, %mul3A_133 : i32
      "tpu.region"() ({
        %run_scoped3A = tpu.sem_alloc : memref<!tpu.dma_semaphore, #tpu.memory_space<semaphore_mem>>
        %dma_start3A_145 = arith.constant 0 : i32
        %dma_start3A_146 = tpu.memref_slice %arg4[%add3A_134, %dma_start3A_145] : memref<262144x32xf32, #tpu.memory_space<hbm>> -> memref<128x32xf32, #tpu.memory_space<hbm>>
        %dma_start3A_147 = arith.constant 0 : i32
        %dma_start3A_148 = tpu.memref_slice %arg4[%add3A_134, %dma_start3A_147] : memref<262144x32xf32, #tpu.memory_space<hbm>> -> memref<128x32xf32, #tpu.memory_space<hbm>>
        tpu.enqueue_dma source(%arg11 : memref<128x32xf32, #tpu.memory_space<vmem>>) target(%dma_start3A_148 : memref<128x32xf32, #tpu.memory_space<hbm>>) target_semaphore(%run_scoped3A : memref<!tpu.dma_semaphore, #tpu.memory_space<semaphore_mem>>)
        %dma_wait3A_149 = arith.constant 0 : i32
        %dma_wait3A_150 = tpu.memref_slice %arg4[%add3A_134, %dma_wait3A_149] : memref<262144x32xf32, #tpu.memory_space<hbm>> -> memref<128x32xf32, #tpu.memory_space<hbm>>
        %dma_wait3A_151 = arith.constant 0 : i32
        %dma_wait3A_152 = tpu.memref_slice %arg4[%add3A_134, %dma_wait3A_151] : memref<262144x32xf32, #tpu.memory_space<hbm>> -> memref<128x32xf32, #tpu.memory_space<hbm>>
        tpu.wait_dma2 semaphore(%run_scoped3A : memref<!tpu.dma_semaphore, #tpu.memory_space<semaphore_mem>>) src(%arg11 : memref<128x32xf32, #tpu.memory_space<vmem>>) dst(%dma_wait3A_152 : memref<128x32xf32, #tpu.memory_space<hbm>>)
        tpu.yield
      }) : () -> ()
      %add3A_135 = arith.constant 6 : i32
      %add3A_136 = arith.addi %mul3A_10, %add3A_135 : i32
      %mul3A_137 = arith.constant 128 : i32
      %mul3A_138 = arith.muli %add3A_136, %mul3A_137 : i32
      %add3A_139 = arith.addi %mul3A_2, %mul3A_138 : i32
      "tpu.region"() ({
        %run_scoped3A = tpu.sem_alloc : memref<!tpu.dma_semaphore, #tpu.memory_space<semaphore_mem>>
        %dma_start3A_145 = arith.constant 0 : i32
        %dma_start3A_146 = tpu.memref_slice %arg4[%add3A_139, %dma_start3A_145] : memref<262144x32xf32, #tpu.memory_space<hbm>> -> memref<128x32xf32, #tpu.memory_space<hbm>>
        %dma_start3A_147 = arith.constant 0 : i32
        %dma_start3A_148 = tpu.memref_slice %arg4[%add3A_139, %dma_start3A_147] : memref<262144x32xf32, #tpu.memory_space<hbm>> -> memref<128x32xf32, #tpu.memory_space<hbm>>
        tpu.enqueue_dma source(%arg12 : memref<128x32xf32, #tpu.memory_space<vmem>>) target(%dma_start3A_148 : memref<128x32xf32, #tpu.memory_space<hbm>>) target_semaphore(%run_scoped3A : memref<!tpu.dma_semaphore, #tpu.memory_space<semaphore_mem>>)
        %dma_wait3A_149 = arith.constant 0 : i32
        %dma_wait3A_150 = tpu.memref_slice %arg4[%add3A_139, %dma_wait3A_149] : memref<262144x32xf32, #tpu.memory_space<hbm>> -> memref<128x32xf32, #tpu.memory_space<hbm>>
        %dma_wait3A_151 = arith.constant 0 : i32
        %dma_wait3A_152 = tpu.memref_slice %arg4[%add3A_139, %dma_wait3A_151] : memref<262144x32xf32, #tpu.memory_space<hbm>> -> memref<128x32xf32, #tpu.memory_space<hbm>>
        tpu.wait_dma2 semaphore(%run_scoped3A : memref<!tpu.dma_semaphore, #tpu.memory_space<semaphore_mem>>) src(%arg12 : memref<128x32xf32, #tpu.memory_space<vmem>>) dst(%dma_wait3A_152 : memref<128x32xf32, #tpu.memory_space<hbm>>)
        tpu.yield
      }) : () -> ()
      %add3A_140 = arith.constant 7 : i32
      %add3A_141 = arith.addi %mul3A_10, %add3A_140 : i32
      %mul3A_142 = arith.constant 128 : i32
      %mul3A_143 = arith.muli %add3A_141, %mul3A_142 : i32
      %add3A_144 = arith.addi %mul3A_2, %mul3A_143 : i32
      "tpu.region"() ({
        %run_scoped3A = tpu.sem_alloc : memref<!tpu.dma_semaphore, #tpu.memory_space<semaphore_mem>>
        %dma_start3A_145 = arith.constant 0 : i32
        %dma_start3A_146 = tpu.memref_slice %arg4[%add3A_144, %dma_start3A_145] : memref<262144x32xf32, #tpu.memory_space<hbm>> -> memref<128x32xf32, #tpu.memory_space<hbm>>
        %dma_start3A_147 = arith.constant 0 : i32
        %dma_start3A_148 = tpu.memref_slice %arg4[%add3A_144, %dma_start3A_147] : memref<262144x32xf32, #tpu.memory_space<hbm>> -> memref<128x32xf32, #tpu.memory_space<hbm>>
        tpu.enqueue_dma source(%arg13 : memref<128x32xf32, #tpu.memory_space<vmem>>) target(%dma_start3A_148 : memref<128x32xf32, #tpu.memory_space<hbm>>) target_semaphore(%run_scoped3A : memref<!tpu.dma_semaphore, #tpu.memory_space<semaphore_mem>>)
        %dma_wait3A_149 = arith.constant 0 : i32
        %dma_wait3A_150 = tpu.memref_slice %arg4[%add3A_144, %dma_wait3A_149] : memref<262144x32xf32, #tpu.memory_space<hbm>> -> memref<128x32xf32, #tpu.memory_space<hbm>>
        %dma_wait3A_151 = arith.constant 0 : i32
        %dma_wait3A_152 = tpu.memref_slice %arg4[%add3A_144, %dma_wait3A_151] : memref<262144x32xf32, #tpu.memory_space<hbm>> -> memref<128x32xf32, #tpu.memory_space<hbm>>
        tpu.wait_dma2 semaphore(%run_scoped3A : memref<!tpu.dma_semaphore, #tpu.memory_space<semaphore_mem>>) src(%arg13 : memref<128x32xf32, #tpu.memory_space<vmem>>) dst(%dma_wait3A_152 : memref<128x32xf32, #tpu.memory_space<hbm>>)
        tpu.yield
      }) : () -> ()
    }
    %scan3A_7 = arith.constant 8 : i32
    return
  }
}

#map = affine_map<(d0, d1) -> (0, 0)>
#map1 = affine_map<(d0, d1) -> (0)>
module attributes {stable_mosaic.version = 14 : i64} {
  func.func @gather_k(%arg0: i32, %arg1: i32, %arg2: memref<16384x32xf32, #tpu.memory_space<hbm>>, %arg3: memref<262144xi32, #tpu.memory_space<hbm>>, %arg4: memref<262144x32xf32, #tpu.memory_space<hbm>>, %arg5: memref<8192xi32, #tpu.memory_space<vmem>>, %arg6: memref<128x32xf32, #tpu.memory_space<vmem>>, %arg7: memref<128x32xf32, #tpu.memory_space<vmem>>, %arg8: memref<128x32xf32, #tpu.memory_space<vmem>>, %arg9: memref<128x32xf32, #tpu.memory_space<vmem>>, %arg10: memref<128x32xf32, #tpu.memory_space<vmem>>, %arg11: memref<128x32xf32, #tpu.memory_space<vmem>>, %arg12: memref<128x32xf32, #tpu.memory_space<vmem>>, %arg13: memref<128x32xf32, #tpu.memory_space<vmem>>, %arg14: memref<!tpu.dma_semaphore, #tpu.memory_space<semaphore_mem>>) attributes {dimension_semantics = [#tpu.dimension_semantics<core_parallel>, #tpu.dimension_semantics<subcore_parallel>], iteration_bounds = array<i64: 2, 16>, scalar_prefetch = 0 : i64, scratch_operands = 10 : i64, tpu.core_type = #tpu.core_type<sc_vector_subcore>, window_params = [{transform_indices = #map}, {transform_indices = #map1}, {transform_indices = #map}]} {
    %mul3A = arith.constant 2 : i32
    %mul3A_0 = arith.muli %arg1, %mul3A : i32
    %add3A = arith.addi %mul3A_0, %arg0 : i32
    %mul3A_1 = arith.constant 8192 : i32
    %mul3A_2 = arith.muli %add3A, %mul3A_1 : i32
    "tpu.region"() ({
      %run_scoped3A = tpu.sem_alloc : memref<!tpu.dma_semaphore, #tpu.memory_space<semaphore_mem>>
      %dma_start3A = tpu.memref_slice %arg3[%mul3A_2] : memref<262144xi32, #tpu.memory_space<hbm>> -> memref<8192xi32, #tpu.memory_space<hbm>>
      %dma_start3A_8 = tpu.memref_slice %arg3[%mul3A_2] : memref<262144xi32, #tpu.memory_space<hbm>> -> memref<8192xi32, #tpu.memory_space<hbm>>
      tpu.enqueue_dma source(%dma_start3A_8 : memref<8192xi32, #tpu.memory_space<hbm>>) target(%arg5 : memref<8192xi32, #tpu.memory_space<vmem>>) target_semaphore(%run_scoped3A : memref<!tpu.dma_semaphore, #tpu.memory_space<semaphore_mem>>)
      %dma_wait3A = tpu.memref_slice %arg3[%mul3A_2] : memref<262144xi32, #tpu.memory_space<hbm>> -> memref<8192xi32, #tpu.memory_space<hbm>>
      %dma_wait3A_9 = tpu.memref_slice %arg3[%mul3A_2] : memref<262144xi32, #tpu.memory_space<hbm>> -> memref<8192xi32, #tpu.memory_space<hbm>>
      tpu.wait_dma2 semaphore(%run_scoped3A : memref<!tpu.dma_semaphore, #tpu.memory_space<semaphore_mem>>) src(%dma_wait3A_9 : memref<8192xi32, #tpu.memory_space<hbm>>) dst(%arg5 : memref<8192xi32, #tpu.memory_space<vmem>>)
      tpu.yield
    }) : () -> ()
    %scan3A = arith.constant 0 : i32
    %scan3A_3 = arith.constant 0 : i32
    %scan3A_4 = arith.constant 8 : i32
    %scan3A_5 = arith.addi %scan3A_3, %scan3A_4 : i32
    %scan3A_6 = arith.constant 1 : i32
    scf.for %scan3A_8 = %scan3A_3 to %scan3A_5 step %scan3A_6  : i32 {
      %mul3A_9 = arith.constant 8 : i32
      %mul3A_10 = arith.muli %scan3A_8, %mul3A_9 : i32
      %add3A_11 = arith.constant 0 : i32
      %add3A_12 = arith.addi %mul3A_10, %add3A_11 : i32
      %mul3A_13 = arith.constant 128 : i32
      %mul3A_14 = arith.muli %add3A_12, %mul3A_13 : i32
      %dma_start3A = tpu.memref_slice %arg5[%mul3A_14] : memref<8192xi32, #tpu.memory_space<vmem>> -> memref<128xi32, #tpu.memory_space<vmem>>
      %dma_start3A_15 = arith.constant 0 : i32
      %dma_start3A_16 = arith.constant 0 : i32
      %dma_start3A_17 = tpu.memref_slice %arg2[%dma_start3A_15, %dma_start3A_16] : memref<16384x32xf32, #tpu.memory_space<hbm>> -> memref<16384x32xf32, #tpu.memory_space<hbm>>
      tpu.enqueue_indirect_dma source(%dma_start3A_17 : memref<16384x32xf32, #tpu.memory_space<hbm>>) target(%arg6 : memref<128x32xf32, #tpu.memory_space<vmem>>) offsets(%dma_start3A : memref<128xi32, #tpu.memory_space<vmem>>) semaphore(%arg14 : memref<!tpu.dma_semaphore, #tpu.memory_space<semaphore_mem>>)
      %add3A_18 = arith.constant 1 : i32
      %add3A_19 = arith.addi %mul3A_10, %add3A_18 : i32
      %mul3A_20 = arith.constant 128 : i32
      %mul3A_21 = arith.muli %add3A_19, %mul3A_20 : i32
      %dma_start3A_22 = tpu.memref_slice %arg5[%mul3A_21] : memref<8192xi32, #tpu.memory_space<vmem>> -> memref<128xi32, #tpu.memory_space<vmem>>
      %dma_start3A_23 = arith.constant 0 : i32
      %dma_start3A_24 = arith.constant 0 : i32
      %dma_start3A_25 = tpu.memref_slice %arg2[%dma_start3A_23, %dma_start3A_24] : memref<16384x32xf32, #tpu.memory_space<hbm>> -> memref<16384x32xf32, #tpu.memory_space<hbm>>
      tpu.enqueue_indirect_dma source(%dma_start3A_25 : memref<16384x32xf32, #tpu.memory_space<hbm>>) target(%arg7 : memref<128x32xf32, #tpu.memory_space<vmem>>) offsets(%dma_start3A_22 : memref<128xi32, #tpu.memory_space<vmem>>) semaphore(%arg14 : memref<!tpu.dma_semaphore, #tpu.memory_space<semaphore_mem>>)
      %add3A_26 = arith.constant 2 : i32
      %add3A_27 = arith.addi %mul3A_10, %add3A_26 : i32
      %mul3A_28 = arith.constant 128 : i32
      %mul3A_29 = arith.muli %add3A_27, %mul3A_28 : i32
      %dma_start3A_30 = tpu.memref_slice %arg5[%mul3A_29] : memref<8192xi32, #tpu.memory_space<vmem>> -> memref<128xi32, #tpu.memory_space<vmem>>
      %dma_start3A_31 = arith.constant 0 : i32
      %dma_start3A_32 = arith.constant 0 : i32
      %dma_start3A_33 = tpu.memref_slice %arg2[%dma_start3A_31, %dma_start3A_32] : memref<16384x32xf32, #tpu.memory_space<hbm>> -> memref<16384x32xf32, #tpu.memory_space<hbm>>
      tpu.enqueue_indirect_dma source(%dma_start3A_33 : memref<16384x32xf32, #tpu.memory_space<hbm>>) target(%arg8 : memref<128x32xf32, #tpu.memory_space<vmem>>) offsets(%dma_start3A_30 : memref<128xi32, #tpu.memory_space<vmem>>) semaphore(%arg14 : memref<!tpu.dma_semaphore, #tpu.memory_space<semaphore_mem>>)
      %add3A_34 = arith.constant 3 : i32
      %add3A_35 = arith.addi %mul3A_10, %add3A_34 : i32
      %mul3A_36 = arith.constant 128 : i32
      %mul3A_37 = arith.muli %add3A_35, %mul3A_36 : i32
      %dma_start3A_38 = tpu.memref_slice %arg5[%mul3A_37] : memref<8192xi32, #tpu.memory_space<vmem>> -> memref<128xi32, #tpu.memory_space<vmem>>
      %dma_start3A_39 = arith.constant 0 : i32
      %dma_start3A_40 = arith.constant 0 : i32
      %dma_start3A_41 = tpu.memref_slice %arg2[%dma_start3A_39, %dma_start3A_40] : memref<16384x32xf32, #tpu.memory_space<hbm>> -> memref<16384x32xf32, #tpu.memory_space<hbm>>
      tpu.enqueue_indirect_dma source(%dma_start3A_41 : memref<16384x32xf32, #tpu.memory_space<hbm>>) target(%arg9 : memref<128x32xf32, #tpu.memory_space<vmem>>) offsets(%dma_start3A_38 : memref<128xi32, #tpu.memory_space<vmem>>) semaphore(%arg14 : memref<!tpu.dma_semaphore, #tpu.memory_space<semaphore_mem>>)
      %add3A_42 = arith.constant 4 : i32
      %add3A_43 = arith.addi %mul3A_10, %add3A_42 : i32
      %mul3A_44 = arith.constant 128 : i32
      %mul3A_45 = arith.muli %add3A_43, %mul3A_44 : i32
      %dma_start3A_46 = tpu.memref_slice %arg5[%mul3A_45] : memref<8192xi32, #tpu.memory_space<vmem>> -> memref<128xi32, #tpu.memory_space<vmem>>
      %dma_start3A_47 = arith.constant 0 : i32
      %dma_start3A_48 = arith.constant 0 : i32
      %dma_start3A_49 = tpu.memref_slice %arg2[%dma_start3A_47, %dma_start3A_48] : memref<16384x32xf32, #tpu.memory_space<hbm>> -> memref<16384x32xf32, #tpu.memory_space<hbm>>
      tpu.enqueue_indirect_dma source(%dma_start3A_49 : memref<16384x32xf32, #tpu.memory_space<hbm>>) target(%arg10 : memref<128x32xf32, #tpu.memory_space<vmem>>) offsets(%dma_start3A_46 : memref<128xi32, #tpu.memory_space<vmem>>) semaphore(%arg14 : memref<!tpu.dma_semaphore, #tpu.memory_space<semaphore_mem>>)
      %add3A_50 = arith.constant 5 : i32
      %add3A_51 = arith.addi %mul3A_10, %add3A_50 : i32
      %mul3A_52 = arith.constant 128 : i32
      %mul3A_53 = arith.muli %add3A_51, %mul3A_52 : i32
      %dma_start3A_54 = tpu.memref_slice %arg5[%mul3A_53] : memref<8192xi32, #tpu.memory_space<vmem>> -> memref<128xi32, #tpu.memory_space<vmem>>
      %dma_start3A_55 = arith.constant 0 : i32
      %dma_start3A_56 = arith.constant 0 : i32
      %dma_start3A_57 = tpu.memref_slice %arg2[%dma_start3A_55, %dma_start3A_56] : memref<16384x32xf32, #tpu.memory_space<hbm>> -> memref<16384x32xf32, #tpu.memory_space<hbm>>
      tpu.enqueue_indirect_dma source(%dma_start3A_57 : memref<16384x32xf32, #tpu.memory_space<hbm>>) target(%arg11 : memref<128x32xf32, #tpu.memory_space<vmem>>) offsets(%dma_start3A_54 : memref<128xi32, #tpu.memory_space<vmem>>) semaphore(%arg14 : memref<!tpu.dma_semaphore, #tpu.memory_space<semaphore_mem>>)
      %add3A_58 = arith.constant 6 : i32
      %add3A_59 = arith.addi %mul3A_10, %add3A_58 : i32
      %mul3A_60 = arith.constant 128 : i32
      %mul3A_61 = arith.muli %add3A_59, %mul3A_60 : i32
      %dma_start3A_62 = tpu.memref_slice %arg5[%mul3A_61] : memref<8192xi32, #tpu.memory_space<vmem>> -> memref<128xi32, #tpu.memory_space<vmem>>
      %dma_start3A_63 = arith.constant 0 : i32
      %dma_start3A_64 = arith.constant 0 : i32
      %dma_start3A_65 = tpu.memref_slice %arg2[%dma_start3A_63, %dma_start3A_64] : memref<16384x32xf32, #tpu.memory_space<hbm>> -> memref<16384x32xf32, #tpu.memory_space<hbm>>
      tpu.enqueue_indirect_dma source(%dma_start3A_65 : memref<16384x32xf32, #tpu.memory_space<hbm>>) target(%arg12 : memref<128x32xf32, #tpu.memory_space<vmem>>) offsets(%dma_start3A_62 : memref<128xi32, #tpu.memory_space<vmem>>) semaphore(%arg14 : memref<!tpu.dma_semaphore, #tpu.memory_space<semaphore_mem>>)
      %add3A_66 = arith.constant 7 : i32
      %add3A_67 = arith.addi %mul3A_10, %add3A_66 : i32
      %mul3A_68 = arith.constant 128 : i32
      %mul3A_69 = arith.muli %add3A_67, %mul3A_68 : i32
      %dma_start3A_70 = tpu.memref_slice %arg5[%mul3A_69] : memref<8192xi32, #tpu.memory_space<vmem>> -> memref<128xi32, #tpu.memory_space<vmem>>
      %dma_start3A_71 = arith.constant 0 : i32
      %dma_start3A_72 = arith.constant 0 : i32
      %dma_start3A_73 = tpu.memref_slice %arg2[%dma_start3A_71, %dma_start3A_72] : memref<16384x32xf32, #tpu.memory_space<hbm>> -> memref<16384x32xf32, #tpu.memory_space<hbm>>
      tpu.enqueue_indirect_dma source(%dma_start3A_73 : memref<16384x32xf32, #tpu.memory_space<hbm>>) target(%arg13 : memref<128x32xf32, #tpu.memory_space<vmem>>) offsets(%dma_start3A_70 : memref<128xi32, #tpu.memory_space<vmem>>) semaphore(%arg14 : memref<!tpu.dma_semaphore, #tpu.memory_space<semaphore_mem>>)
      %dma_wait3A = tpu.memref_slice %arg5[%mul3A_14] : memref<8192xi32, #tpu.memory_space<vmem>> -> memref<128xi32, #tpu.memory_space<vmem>>
      %dma_wait3A_74 = arith.constant 0 : i32
      %dma_wait3A_75 = arith.constant 0 : i32
      %dma_wait3A_76 = tpu.memref_slice %arg2[%dma_wait3A_74, %dma_wait3A_75] : memref<16384x32xf32, #tpu.memory_space<hbm>> -> memref<16384x32xf32, #tpu.memory_space<hbm>>
      tpu.wait_indirect_dma semaphore(%arg14 : memref<!tpu.dma_semaphore, #tpu.memory_space<semaphore_mem>>) src(%dma_wait3A_76 : memref<16384x32xf32, #tpu.memory_space<hbm>>) dst(%arg6 : memref<128x32xf32, #tpu.memory_space<vmem>>)
      %dma_wait3A_77 = tpu.memref_slice %arg5[%mul3A_21] : memref<8192xi32, #tpu.memory_space<vmem>> -> memref<128xi32, #tpu.memory_space<vmem>>
      %dma_wait3A_78 = arith.constant 0 : i32
      %dma_wait3A_79 = arith.constant 0 : i32
      %dma_wait3A_80 = tpu.memref_slice %arg2[%dma_wait3A_78, %dma_wait3A_79] : memref<16384x32xf32, #tpu.memory_space<hbm>> -> memref<16384x32xf32, #tpu.memory_space<hbm>>
      tpu.wait_indirect_dma semaphore(%arg14 : memref<!tpu.dma_semaphore, #tpu.memory_space<semaphore_mem>>) src(%dma_wait3A_80 : memref<16384x32xf32, #tpu.memory_space<hbm>>) dst(%arg7 : memref<128x32xf32, #tpu.memory_space<vmem>>)
      %dma_wait3A_81 = tpu.memref_slice %arg5[%mul3A_29] : memref<8192xi32, #tpu.memory_space<vmem>> -> memref<128xi32, #tpu.memory_space<vmem>>
      %dma_wait3A_82 = arith.constant 0 : i32
      %dma_wait3A_83 = arith.constant 0 : i32
      %dma_wait3A_84 = tpu.memref_slice %arg2[%dma_wait3A_82, %dma_wait3A_83] : memref<16384x32xf32, #tpu.memory_space<hbm>> -> memref<16384x32xf32, #tpu.memory_space<hbm>>
      tpu.wait_indirect_dma semaphore(%arg14 : memref<!tpu.dma_semaphore, #tpu.memory_space<semaphore_mem>>) src(%dma_wait3A_84 : memref<16384x32xf32, #tpu.memory_space<hbm>>) dst(%arg8 : memref<128x32xf32, #tpu.memory_space<vmem>>)
      %dma_wait3A_85 = tpu.memref_slice %arg5[%mul3A_37] : memref<8192xi32, #tpu.memory_space<vmem>> -> memref<128xi32, #tpu.memory_space<vmem>>
      %dma_wait3A_86 = arith.constant 0 : i32
      %dma_wait3A_87 = arith.constant 0 : i32
      %dma_wait3A_88 = tpu.memref_slice %arg2[%dma_wait3A_86, %dma_wait3A_87] : memref<16384x32xf32, #tpu.memory_space<hbm>> -> memref<16384x32xf32, #tpu.memory_space<hbm>>
      tpu.wait_indirect_dma semaphore(%arg14 : memref<!tpu.dma_semaphore, #tpu.memory_space<semaphore_mem>>) src(%dma_wait3A_88 : memref<16384x32xf32, #tpu.memory_space<hbm>>) dst(%arg9 : memref<128x32xf32, #tpu.memory_space<vmem>>)
      %dma_wait3A_89 = tpu.memref_slice %arg5[%mul3A_45] : memref<8192xi32, #tpu.memory_space<vmem>> -> memref<128xi32, #tpu.memory_space<vmem>>
      %dma_wait3A_90 = arith.constant 0 : i32
      %dma_wait3A_91 = arith.constant 0 : i32
      %dma_wait3A_92 = tpu.memref_slice %arg2[%dma_wait3A_90, %dma_wait3A_91] : memref<16384x32xf32, #tpu.memory_space<hbm>> -> memref<16384x32xf32, #tpu.memory_space<hbm>>
      tpu.wait_indirect_dma semaphore(%arg14 : memref<!tpu.dma_semaphore, #tpu.memory_space<semaphore_mem>>) src(%dma_wait3A_92 : memref<16384x32xf32, #tpu.memory_space<hbm>>) dst(%arg10 : memref<128x32xf32, #tpu.memory_space<vmem>>)
      %dma_wait3A_93 = tpu.memref_slice %arg5[%mul3A_53] : memref<8192xi32, #tpu.memory_space<vmem>> -> memref<128xi32, #tpu.memory_space<vmem>>
      %dma_wait3A_94 = arith.constant 0 : i32
      %dma_wait3A_95 = arith.constant 0 : i32
      %dma_wait3A_96 = tpu.memref_slice %arg2[%dma_wait3A_94, %dma_wait3A_95] : memref<16384x32xf32, #tpu.memory_space<hbm>> -> memref<16384x32xf32, #tpu.memory_space<hbm>>
      tpu.wait_indirect_dma semaphore(%arg14 : memref<!tpu.dma_semaphore, #tpu.memory_space<semaphore_mem>>) src(%dma_wait3A_96 : memref<16384x32xf32, #tpu.memory_space<hbm>>) dst(%arg11 : memref<128x32xf32, #tpu.memory_space<vmem>>)
      %dma_wait3A_97 = tpu.memref_slice %arg5[%mul3A_61] : memref<8192xi32, #tpu.memory_space<vmem>> -> memref<128xi32, #tpu.memory_space<vmem>>
      %dma_wait3A_98 = arith.constant 0 : i32
      %dma_wait3A_99 = arith.constant 0 : i32
      %dma_wait3A_100 = tpu.memref_slice %arg2[%dma_wait3A_98, %dma_wait3A_99] : memref<16384x32xf32, #tpu.memory_space<hbm>> -> memref<16384x32xf32, #tpu.memory_space<hbm>>
      tpu.wait_indirect_dma semaphore(%arg14 : memref<!tpu.dma_semaphore, #tpu.memory_space<semaphore_mem>>) src(%dma_wait3A_100 : memref<16384x32xf32, #tpu.memory_space<hbm>>) dst(%arg12 : memref<128x32xf32, #tpu.memory_space<vmem>>)
      %dma_wait3A_101 = tpu.memref_slice %arg5[%mul3A_69] : memref<8192xi32, #tpu.memory_space<vmem>> -> memref<128xi32, #tpu.memory_space<vmem>>
      %dma_wait3A_102 = arith.constant 0 : i32
      %dma_wait3A_103 = arith.constant 0 : i32
      %dma_wait3A_104 = tpu.memref_slice %arg2[%dma_wait3A_102, %dma_wait3A_103] : memref<16384x32xf32, #tpu.memory_space<hbm>> -> memref<16384x32xf32, #tpu.memory_space<hbm>>
      tpu.wait_indirect_dma semaphore(%arg14 : memref<!tpu.dma_semaphore, #tpu.memory_space<semaphore_mem>>) src(%dma_wait3A_104 : memref<16384x32xf32, #tpu.memory_space<hbm>>) dst(%arg13 : memref<128x32xf32, #tpu.memory_space<vmem>>)
      %add3A_105 = arith.constant 0 : i32
      %add3A_106 = arith.addi %mul3A_10, %add3A_105 : i32
      %mul3A_107 = arith.constant 128 : i32
      %mul3A_108 = arith.muli %add3A_106, %mul3A_107 : i32
      %add3A_109 = arith.addi %mul3A_2, %mul3A_108 : i32
      "tpu.region"() ({
        %run_scoped3A = tpu.sem_alloc : memref<!tpu.dma_semaphore, #tpu.memory_space<semaphore_mem>>
        %dma_start3A_145 = arith.constant 0 : i32
        %dma_start3A_146 = tpu.memref_slice %arg4[%add3A_109, %dma_start3A_145] : memref<262144x32xf32, #tpu.memory_space<hbm>> -> memref<128x32xf32, #tpu.memory_space<hbm>>
        %dma_start3A_147 = arith.constant 0 : i32
        %dma_start3A_148 = tpu.memref_slice %arg4[%add3A_109, %dma_start3A_147] : memref<262144x32xf32, #tpu.memory_space<hbm>> -> memref<128x32xf32, #tpu.memory_space<hbm>>
        tpu.enqueue_dma source(%arg6 : memref<128x32xf32, #tpu.memory_space<vmem>>) target(%dma_start3A_148 : memref<128x32xf32, #tpu.memory_space<hbm>>) target_semaphore(%run_scoped3A : memref<!tpu.dma_semaphore, #tpu.memory_space<semaphore_mem>>)
        %dma_wait3A_149 = arith.constant 0 : i32
        %dma_wait3A_150 = tpu.memref_slice %arg4[%add3A_109, %dma_wait3A_149] : memref<262144x32xf32, #tpu.memory_space<hbm>> -> memref<128x32xf32, #tpu.memory_space<hbm>>
        %dma_wait3A_151 = arith.constant 0 : i32
        %dma_wait3A_152 = tpu.memref_slice %arg4[%add3A_109, %dma_wait3A_151] : memref<262144x32xf32, #tpu.memory_space<hbm>> -> memref<128x32xf32, #tpu.memory_space<hbm>>
        tpu.wait_dma2 semaphore(%run_scoped3A : memref<!tpu.dma_semaphore, #tpu.memory_space<semaphore_mem>>) src(%arg6 : memref<128x32xf32, #tpu.memory_space<vmem>>) dst(%dma_wait3A_152 : memref<128x32xf32, #tpu.memory_space<hbm>>)
        tpu.yield
      }) : () -> ()
      %add3A_110 = arith.constant 1 : i32
      %add3A_111 = arith.addi %mul3A_10, %add3A_110 : i32
      %mul3A_112 = arith.constant 128 : i32
      %mul3A_113 = arith.muli %add3A_111, %mul3A_112 : i32
      %add3A_114 = arith.addi %mul3A_2, %mul3A_113 : i32
      "tpu.region"() ({
        %run_scoped3A = tpu.sem_alloc : memref<!tpu.dma_semaphore, #tpu.memory_space<semaphore_mem>>
        %dma_start3A_145 = arith.constant 0 : i32
        %dma_start3A_146 = tpu.memref_slice %arg4[%add3A_114, %dma_start3A_145] : memref<262144x32xf32, #tpu.memory_space<hbm>> -> memref<128x32xf32, #tpu.memory_space<hbm>>
        %dma_start3A_147 = arith.constant 0 : i32
        %dma_start3A_148 = tpu.memref_slice %arg4[%add3A_114, %dma_start3A_147] : memref<262144x32xf32, #tpu.memory_space<hbm>> -> memref<128x32xf32, #tpu.memory_space<hbm>>
        tpu.enqueue_dma source(%arg7 : memref<128x32xf32, #tpu.memory_space<vmem>>) target(%dma_start3A_148 : memref<128x32xf32, #tpu.memory_space<hbm>>) target_semaphore(%run_scoped3A : memref<!tpu.dma_semaphore, #tpu.memory_space<semaphore_mem>>)
        %dma_wait3A_149 = arith.constant 0 : i32
        %dma_wait3A_150 = tpu.memref_slice %arg4[%add3A_114, %dma_wait3A_149] : memref<262144x32xf32, #tpu.memory_space<hbm>> -> memref<128x32xf32, #tpu.memory_space<hbm>>
        %dma_wait3A_151 = arith.constant 0 : i32
        %dma_wait3A_152 = tpu.memref_slice %arg4[%add3A_114, %dma_wait3A_151] : memref<262144x32xf32, #tpu.memory_space<hbm>> -> memref<128x32xf32, #tpu.memory_space<hbm>>
        tpu.wait_dma2 semaphore(%run_scoped3A : memref<!tpu.dma_semaphore, #tpu.memory_space<semaphore_mem>>) src(%arg7 : memref<128x32xf32, #tpu.memory_space<vmem>>) dst(%dma_wait3A_152 : memref<128x32xf32, #tpu.memory_space<hbm>>)
        tpu.yield
      }) : () -> ()
      %add3A_115 = arith.constant 2 : i32
      %add3A_116 = arith.addi %mul3A_10, %add3A_115 : i32
      %mul3A_117 = arith.constant 128 : i32
      %mul3A_118 = arith.muli %add3A_116, %mul3A_117 : i32
      %add3A_119 = arith.addi %mul3A_2, %mul3A_118 : i32
      "tpu.region"() ({
        %run_scoped3A = tpu.sem_alloc : memref<!tpu.dma_semaphore, #tpu.memory_space<semaphore_mem>>
        %dma_start3A_145 = arith.constant 0 : i32
        %dma_start3A_146 = tpu.memref_slice %arg4[%add3A_119, %dma_start3A_145] : memref<262144x32xf32, #tpu.memory_space<hbm>> -> memref<128x32xf32, #tpu.memory_space<hbm>>
        %dma_start3A_147 = arith.constant 0 : i32
        %dma_start3A_148 = tpu.memref_slice %arg4[%add3A_119, %dma_start3A_147] : memref<262144x32xf32, #tpu.memory_space<hbm>> -> memref<128x32xf32, #tpu.memory_space<hbm>>
        tpu.enqueue_dma source(%arg8 : memref<128x32xf32, #tpu.memory_space<vmem>>) target(%dma_start3A_148 : memref<128x32xf32, #tpu.memory_space<hbm>>) target_semaphore(%run_scoped3A : memref<!tpu.dma_semaphore, #tpu.memory_space<semaphore_mem>>)
        %dma_wait3A_149 = arith.constant 0 : i32
        %dma_wait3A_150 = tpu.memref_slice %arg4[%add3A_119, %dma_wait3A_149] : memref<262144x32xf32, #tpu.memory_space<hbm>> -> memref<128x32xf32, #tpu.memory_space<hbm>>
        %dma_wait3A_151 = arith.constant 0 : i32
        %dma_wait3A_152 = tpu.memref_slice %arg4[%add3A_119, %dma_wait3A_151] : memref<262144x32xf32, #tpu.memory_space<hbm>> -> memref<128x32xf32, #tpu.memory_space<hbm>>
        tpu.wait_dma2 semaphore(%run_scoped3A : memref<!tpu.dma_semaphore, #tpu.memory_space<semaphore_mem>>) src(%arg8 : memref<128x32xf32, #tpu.memory_space<vmem>>) dst(%dma_wait3A_152 : memref<128x32xf32, #tpu.memory_space<hbm>>)
        tpu.yield
      }) : () -> ()
      %add3A_120 = arith.constant 3 : i32
      %add3A_121 = arith.addi %mul3A_10, %add3A_120 : i32
      %mul3A_122 = arith.constant 128 : i32
      %mul3A_123 = arith.muli %add3A_121, %mul3A_122 : i32
      %add3A_124 = arith.addi %mul3A_2, %mul3A_123 : i32
      "tpu.region"() ({
        %run_scoped3A = tpu.sem_alloc : memref<!tpu.dma_semaphore, #tpu.memory_space<semaphore_mem>>
        %dma_start3A_145 = arith.constant 0 : i32
        %dma_start3A_146 = tpu.memref_slice %arg4[%add3A_124, %dma_start3A_145] : memref<262144x32xf32, #tpu.memory_space<hbm>> -> memref<128x32xf32, #tpu.memory_space<hbm>>
        %dma_start3A_147 = arith.constant 0 : i32
        %dma_start3A_148 = tpu.memref_slice %arg4[%add3A_124, %dma_start3A_147] : memref<262144x32xf32, #tpu.memory_space<hbm>> -> memref<128x32xf32, #tpu.memory_space<hbm>>
        tpu.enqueue_dma source(%arg9 : memref<128x32xf32, #tpu.memory_space<vmem>>) target(%dma_start3A_148 : memref<128x32xf32, #tpu.memory_space<hbm>>) target_semaphore(%run_scoped3A : memref<!tpu.dma_semaphore, #tpu.memory_space<semaphore_mem>>)
        %dma_wait3A_149 = arith.constant 0 : i32
        %dma_wait3A_150 = tpu.memref_slice %arg4[%add3A_124, %dma_wait3A_149] : memref<262144x32xf32, #tpu.memory_space<hbm>> -> memref<128x32xf32, #tpu.memory_space<hbm>>
        %dma_wait3A_151 = arith.constant 0 : i32
        %dma_wait3A_152 = tpu.memref_slice %arg4[%add3A_124, %dma_wait3A_151] : memref<262144x32xf32, #tpu.memory_space<hbm>> -> memref<128x32xf32, #tpu.memory_space<hbm>>
        tpu.wait_dma2 semaphore(%run_scoped3A : memref<!tpu.dma_semaphore, #tpu.memory_space<semaphore_mem>>) src(%arg9 : memref<128x32xf32, #tpu.memory_space<vmem>>) dst(%dma_wait3A_152 : memref<128x32xf32, #tpu.memory_space<hbm>>)
        tpu.yield
      }) : () -> ()
      %add3A_125 = arith.constant 4 : i32
      %add3A_126 = arith.addi %mul3A_10, %add3A_125 : i32
      %mul3A_127 = arith.constant 128 : i32
      %mul3A_128 = arith.muli %add3A_126, %mul3A_127 : i32
      %add3A_129 = arith.addi %mul3A_2, %mul3A_128 : i32
      "tpu.region"() ({
        %run_scoped3A = tpu.sem_alloc : memref<!tpu.dma_semaphore, #tpu.memory_space<semaphore_mem>>
        %dma_start3A_145 = arith.constant 0 : i32
        %dma_start3A_146 = tpu.memref_slice %arg4[%add3A_129, %dma_start3A_145] : memref<262144x32xf32, #tpu.memory_space<hbm>> -> memref<128x32xf32, #tpu.memory_space<hbm>>
        %dma_start3A_147 = arith.constant 0 : i32
        %dma_start3A_148 = tpu.memref_slice %arg4[%add3A_129, %dma_start3A_147] : memref<262144x32xf32, #tpu.memory_space<hbm>> -> memref<128x32xf32, #tpu.memory_space<hbm>>
        tpu.enqueue_dma source(%arg10 : memref<128x32xf32, #tpu.memory_space<vmem>>) target(%dma_start3A_148 : memref<128x32xf32, #tpu.memory_space<hbm>>) target_semaphore(%run_scoped3A : memref<!tpu.dma_semaphore, #tpu.memory_space<semaphore_mem>>)
        %dma_wait3A_149 = arith.constant 0 : i32
        %dma_wait3A_150 = tpu.memref_slice %arg4[%add3A_129, %dma_wait3A_149] : memref<262144x32xf32, #tpu.memory_space<hbm>> -> memref<128x32xf32, #tpu.memory_space<hbm>>
        %dma_wait3A_151 = arith.constant 0 : i32
        %dma_wait3A_152 = tpu.memref_slice %arg4[%add3A_129, %dma_wait3A_151] : memref<262144x32xf32, #tpu.memory_space<hbm>> -> memref<128x32xf32, #tpu.memory_space<hbm>>
        tpu.wait_dma2 semaphore(%run_scoped3A : memref<!tpu.dma_semaphore, #tpu.memory_space<semaphore_mem>>) src(%arg10 : memref<128x32xf32, #tpu.memory_space<vmem>>) dst(%dma_wait3A_152 : memref<128x32xf32, #tpu.memory_space<hbm>>)
        tpu.yield
      }) : () -> ()
      %add3A_130 = arith.constant 5 : i32
      %add3A_131 = arith.addi %mul3A_10, %add3A_130 : i32
      %mul3A_132 = arith.constant 128 : i32
      %mul3A_133 = arith.muli %add3A_131, %mul3A_132 : i32
      %add3A_134 = arith.addi %mul3A_2, %mul3A_133 : i32
      "tpu.region"() ({
        %run_scoped3A = tpu.sem_alloc : memref<!tpu.dma_semaphore, #tpu.memory_space<semaphore_mem>>
        %dma_start3A_145 = arith.constant 0 : i32
        %dma_start3A_146 = tpu.memref_slice %arg4[%add3A_134, %dma_start3A_145] : memref<262144x32xf32, #tpu.memory_space<hbm>> -> memref<128x32xf32, #tpu.memory_space<hbm>>
        %dma_start3A_147 = arith.constant 0 : i32
        %dma_start3A_148 = tpu.memref_slice %arg4[%add3A_134, %dma_start3A_147] : memref<262144x32xf32, #tpu.memory_space<hbm>> -> memref<128x32xf32, #tpu.memory_space<hbm>>
        tpu.enqueue_dma source(%arg11 : memref<128x32xf32, #tpu.memory_space<vmem>>) target(%dma_start3A_148 : memref<128x32xf32, #tpu.memory_space<hbm>>) target_semaphore(%run_scoped3A : memref<!tpu.dma_semaphore, #tpu.memory_space<semaphore_mem>>)
        %dma_wait3A_149 = arith.constant 0 : i32
        %dma_wait3A_150 = tpu.memref_slice %arg4[%add3A_134, %dma_wait3A_149] : memref<262144x32xf32, #tpu.memory_space<hbm>> -> memref<128x32xf32, #tpu.memory_space<hbm>>
        %dma_wait3A_151 = arith.constant 0 : i32
        %dma_wait3A_152 = tpu.memref_slice %arg4[%add3A_134, %dma_wait3A_151] : memref<262144x32xf32, #tpu.memory_space<hbm>> -> memref<128x32xf32, #tpu.memory_space<hbm>>
        tpu.wait_dma2 semaphore(%run_scoped3A : memref<!tpu.dma_semaphore, #tpu.memory_space<semaphore_mem>>) src(%arg11 : memref<128x32xf32, #tpu.memory_space<vmem>>) dst(%dma_wait3A_152 : memref<128x32xf32, #tpu.memory_space<hbm>>)
        tpu.yield
      }) : () -> ()
      %add3A_135 = arith.constant 6 : i32
      %add3A_136 = arith.addi %mul3A_10, %add3A_135 : i32
      %mul3A_137 = arith.constant 128 : i32
      %mul3A_138 = arith.muli %add3A_136, %mul3A_137 : i32
      %add3A_139 = arith.addi %mul3A_2, %mul3A_138 : i32
      "tpu.region"() ({
        %run_scoped3A = tpu.sem_alloc : memref<!tpu.dma_semaphore, #tpu.memory_space<semaphore_mem>>
        %dma_start3A_145 = arith.constant 0 : i32
        %dma_start3A_146 = tpu.memref_slice %arg4[%add3A_139, %dma_start3A_145] : memref<262144x32xf32, #tpu.memory_space<hbm>> -> memref<128x32xf32, #tpu.memory_space<hbm>>
        %dma_start3A_147 = arith.constant 0 : i32
        %dma_start3A_148 = tpu.memref_slice %arg4[%add3A_139, %dma_start3A_147] : memref<262144x32xf32, #tpu.memory_space<hbm>> -> memref<128x32xf32, #tpu.memory_space<hbm>>
        tpu.enqueue_dma source(%arg12 : memref<128x32xf32, #tpu.memory_space<vmem>>) target(%dma_start3A_148 : memref<128x32xf32, #tpu.memory_space<hbm>>) target_semaphore(%run_scoped3A : memref<!tpu.dma_semaphore, #tpu.memory_space<semaphore_mem>>)
        %dma_wait3A_149 = arith.constant 0 : i32
        %dma_wait3A_150 = tpu.memref_slice %arg4[%add3A_139, %dma_wait3A_149] : memref<262144x32xf32, #tpu.memory_space<hbm>> -> memref<128x32xf32, #tpu.memory_space<hbm>>
        %dma_wait3A_151 = arith.constant 0 : i32
        %dma_wait3A_152 = tpu.memref_slice %arg4[%add3A_139, %dma_wait3A_151] : memref<262144x32xf32, #tpu.memory_space<hbm>> -> memref<128x32xf32, #tpu.memory_space<hbm>>
        tpu.wait_dma2 semaphore(%run_scoped3A : memref<!tpu.dma_semaphore, #tpu.memory_space<semaphore_mem>>) src(%arg12 : memref<128x32xf32, #tpu.memory_space<vmem>>) dst(%dma_wait3A_152 : memref<128x32xf32, #tpu.memory_space<hbm>>)
        tpu.yield
      }) : () -> ()
      %add3A_140 = arith.constant 7 : i32
      %add3A_141 = arith.addi %mul3A_10, %add3A_140 : i32
      %mul3A_142 = arith.constant 128 : i32
      %mul3A_143 = arith.muli %add3A_141, %mul3A_142 : i32
      %add3A_144 = arith.addi %mul3A_2, %mul3A_143 : i32
      "tpu.region"() ({
        %run_scoped3A = tpu.sem_alloc : memref<!tpu.dma_semaphore, #tpu.memory_space<semaphore_mem>>
        %dma_start3A_145 = arith.constant 0 : i32
        %dma_start3A_146 = tpu.memref_slice %arg4[%add3A_144, %dma_start3A_145] : memref<262144x32xf32, #tpu.memory_space<hbm>> -> memref<128x32xf32, #tpu.memory_space<hbm>>
        %dma_start3A_147 = arith.constant 0 : i32
        %dma_start3A_148 = tpu.memref_slice %arg4[%add3A_144, %dma_start3A_147] : memref<262144x32xf32, #tpu.memory_space<hbm>> -> memref<128x32xf32, #tpu.memory_space<hbm>>
        tpu.enqueue_dma source(%arg13 : memref<128x32xf32, #tpu.memory_space<vmem>>) target(%dma_start3A_148 : memref<128x32xf32, #tpu.memory_space<hbm>>) target_semaphore(%run_scoped3A : memref<!tpu.dma_semaphore, #tpu.memory_space<semaphore_mem>>)
        %dma_wait3A_149 = arith.constant 0 : i32
        %dma_wait3A_150 = tpu.memref_slice %arg4[%add3A_144, %dma_wait3A_149] : memref<262144x32xf32, #tpu.memory_space<hbm>> -> memref<128x32xf32, #tpu.memory_space<hbm>>
        %dma_wait3A_151 = arith.constant 0 : i32
        %dma_wait3A_152 = tpu.memref_slice %arg4[%add3A_144, %dma_wait3A_151] : memref<262144x32xf32, #tpu.memory_space<hbm>> -> memref<128x32xf32, #tpu.memory_space<hbm>>
        tpu.wait_dma2 semaphore(%run_scoped3A : memref<!tpu.dma_semaphore, #tpu.memory_space<semaphore_mem>>) src(%arg13 : memref<128x32xf32, #tpu.memory_space<vmem>>) dst(%dma_wait3A_152 : memref<128x32xf32, #tpu.memory_space<hbm>>)
        tpu.yield
      }) : () -> ()
    }
    %scan3A_7 = arith.constant 8 : i32
    return
  }
}

module attributes {stable_mosaic.version = 14 : i64} {
  func.func @_knn_kernel(%arg0: i32, %arg1: i32, %arg2: memref<1x1024x3xf32, #tpu.memory_space<vmem>>, %arg3: memref<1x3x2048xf32, #tpu.memory_space<vmem>>, %arg4: memref<1x1024x128xi32, #tpu.memory_space<vmem>>, %arg5: memref<1024x2048xf32, #tpu.memory_space<vmem>>) attributes {dimension_semantics = [#tpu.dimension_semantics<arbitrary>, #tpu.dimension_semantics<arbitrary>], iteration_bounds = array<i64: 4, 2>, scalar_prefetch = 0 : i64, scratch_operands = 1 : i64, tpu.core_type = #tpu.core_type<tc>, window_params = [{transform_indices = @transform_0, window_bounds = array<i64: 1, 1024, 3>}, {transform_indices = @transform_1, window_bounds = array<i64: 1, 3, 2048>}, {transform_indices = @transform_2, window_bounds = array<i64: 1, 1024, 128>}]} {
    %get3A = arith.constant 0 : index
    %get3A_0 = arith.constant 0 : index
    %get3A_1 = arith.constant 0 : index
    %get3A_2 = vector.load %arg2[%get3A, %get3A_0, %get3A_1] : memref<1x1024x3xf32, #tpu.memory_space<vmem>>, vector<1x1024x1xf32>
    %get3A_3 = vector.shape_cast %get3A_2 : vector<1x1024x1xf32> to vector<1024x1xf32>
    %get3A_4 = arith.constant 0 : index
    %get3A_5 = arith.constant 0 : index
    %get3A_6 = arith.constant 0 : index
    %get3A_7 = vector.load %arg3[%get3A_4, %get3A_5, %get3A_6] : memref<1x3x2048xf32, #tpu.memory_space<vmem>>, vector<1x1x2048xf32>
    %get3A_8 = vector.shape_cast %get3A_7 : vector<1x1x2048xf32> to vector<1x2048xf32>
    %sub3A = vector.broadcast %get3A_3 : vector<1024x1xf32> to vector<1024x2048xf32>
    %sub3A_9 = vector.broadcast %get3A_8 : vector<1x2048xf32> to vector<1024x2048xf32>
    %sub3A_10 = arith.subf %sub3A, %sub3A_9 : vector<1024x2048xf32>
    %get3A_11 = arith.constant 0 : index
    %get3A_12 = arith.constant 0 : index
    %get3A_13 = arith.constant 1 : index
    %get3A_14 = vector.load %arg2[%get3A_11, %get3A_12, %get3A_13] : memref<1x1024x3xf32, #tpu.memory_space<vmem>>, vector<1x1024x1xf32>
    %get3A_15 = vector.shape_cast %get3A_14 : vector<1x1024x1xf32> to vector<1024x1xf32>
    %get3A_16 = arith.constant 0 : index
    %get3A_17 = arith.constant 1 : index
    %get3A_18 = arith.constant 0 : index
    %get3A_19 = vector.load %arg3[%get3A_16, %get3A_17, %get3A_18] : memref<1x3x2048xf32, #tpu.memory_space<vmem>>, vector<1x1x2048xf32>
    %get3A_20 = vector.shape_cast %get3A_19 : vector<1x1x2048xf32> to vector<1x2048xf32>
    %sub3A_21 = vector.broadcast %get3A_15 : vector<1024x1xf32> to vector<1024x2048xf32>
    %sub3A_22 = vector.broadcast %get3A_20 : vector<1x2048xf32> to vector<1024x2048xf32>
    %sub3A_23 = arith.subf %sub3A_21, %sub3A_22 : vector<1024x2048xf32>
    %get3A_24 = arith.constant 0 : index
    %get3A_25 = arith.constant 0 : index
    %get3A_26 = arith.constant 2 : index
    %get3A_27 = vector.load %arg2[%get3A_24, %get3A_25, %get3A_26] : memref<1x1024x3xf32, #tpu.memory_space<vmem>>, vector<1x1024x1xf32>
    %get3A_28 = vector.shape_cast %get3A_27 : vector<1x1024x1xf32> to vector<1024x1xf32>
    %get3A_29 = arith.constant 0 : index
    %get3A_30 = arith.constant 2 : index
    %get3A_31 = arith.constant 0 : index
    %get3A_32 = vector.load %arg3[%get3A_29, %get3A_30, %get3A_31] : memref<1x3x2048xf32, #tpu.memory_space<vmem>>, vector<1x1x2048xf32>
    %get3A_33 = vector.shape_cast %get3A_32 : vector<1x1x2048xf32> to vector<1x2048xf32>
    %sub3A_34 = vector.broadcast %get3A_28 : vector<1024x1xf32> to vector<1024x2048xf32>
    %sub3A_35 = vector.broadcast %get3A_33 : vector<1x2048xf32> to vector<1024x2048xf32>
    %sub3A_36 = arith.subf %sub3A_34, %sub3A_35 : vector<1024x2048xf32>
    %mul3A = arith.mulf %sub3A_10, %sub3A_10 : vector<1024x2048xf32>
    %mul3A_37 = arith.mulf %sub3A_23, %sub3A_23 : vector<1024x2048xf32>
    %add3A = arith.addf %mul3A, %mul3A_37 : vector<1024x2048xf32>
    %mul3A_38 = arith.mulf %sub3A_36, %sub3A_36 : vector<1024x2048xf32>
    %add3A_39 = arith.addf %add3A, %mul3A_38 : vector<1024x2048xf32>
    %swap3A = arith.constant 0 : index
    %swap3A_40 = arith.constant 0 : index
    %swap3A_41 = vector.load %arg5[%swap3A, %swap3A_40] : memref<1024x2048xf32, #tpu.memory_space<vmem>>, vector<1024x2048xf32>
    tpu.vector_store %arg5[%swap3A, %swap3A_40], %add3A_39 {strides = array<i32>} : memref<1024x2048xf32, #tpu.memory_space<vmem>>, vector<1024x2048xf32>,
    %iota3A = tpu.iota {dimensions = array<i32: 1>} : vector<1024x2048xi32>
    %iota3A_42 = tpu.iota {dimensions = array<i32: 1>} : vector<1024x128xi32>
    %broadcast_in_dim3A = arith.constant 0 : i32
    %broadcast_in_dim3A_43 = vector.broadcast %broadcast_in_dim3A : i32 to vector<1024x128xi32>
    %scan3A = arith.constant 0 : i32
    %scan3A_44 = arith.constant 63 : i32
    %scan3A_45 = arith.addi %scan3A, %scan3A_44 : i32
    %scan3A_46 = arith.constant 1 : i32
    %scan3A_47 = scf.for %scan3A_85 = %scan3A to %scan3A_45 step %scan3A_46 iter_args(%scan3A_86 = %broadcast_in_dim3A_43) -> (vector<1024x128xi32>)  : i32 {
      %get3A_87 = arith.constant 0 : index
      %get3A_88 = arith.constant 0 : index
      %get3A_89 = vector.load %arg5[%get3A_87, %get3A_88] : memref<1024x2048xf32, #tpu.memory_space<vmem>>, vector<1024x2048xf32>
      %reduce_min3A = arith.constant dense<0x7F800000> : vector<1024xf32>
      %reduce_min3A_90 = vector.multi_reduction <minimumf>, %get3A_89, %reduce_min3A [1] : vector<1024x2048xf32> to vector<1024xf32>
      %broadcast_in_dim3A_91 = vector.shape_cast %reduce_min3A_90 : vector<1024xf32> to vector<1024x1xf32>
      %eq3A = vector.broadcast %broadcast_in_dim3A_91 : vector<1024x1xf32> to vector<1024x2048xf32>
      %eq3A_92 = arith.cmpf oeq, %get3A_89, %eq3A : vector<1024x2048xf32>
      %jit3A_93 = arith.constant 2048 : i32
      %broadcast_in_dim3A_94 = vector.broadcast %jit3A_93 : i32 to vector<1024x2048xi32>
      %select_n3A_95 = arith.select %eq3A_92, %iota3A, %broadcast_in_dim3A_94 : vector<1024x2048xi1>, vector<1024x2048xi32>
      %reduce_min3A_96 = arith.constant dense<2147483647> : vector<1024xi32>
      %reduce_min3A_97 = vector.multi_reduction <minsi>, %select_n3A_95, %reduce_min3A_96 [1] : vector<1024x2048xi32> to vector<1024xi32>
      %broadcast_in_dim3A_98 = vector.shape_cast %reduce_min3A_97 : vector<1024xi32> to vector<1024x1xi32>
      %eq3A_99 = vector.broadcast %broadcast_in_dim3A_98 : vector<1024x1xi32> to vector<1024x2048xi32>
      %eq3A_100 = arith.cmpi eq, %iota3A, %eq3A_99 : vector<1024x2048xi32>
      %jit3A_101 = arith.constant 0x7F800000 : f32
      %broadcast_in_dim3A_102 = vector.broadcast %jit3A_101 : f32 to vector<1024x2048xf32>
      %select_n3A_103 = arith.select %eq3A_100, %broadcast_in_dim3A_102, %get3A_89 : vector<1024x2048xi1>, vector<1024x2048xf32>
      %swap3A_104 = arith.constant 0 : index
      %swap3A_105 = arith.constant 0 : index
      %swap3A_106 = vector.load %arg5[%swap3A_104, %swap3A_105] : memref<1024x2048xf32, #tpu.memory_space<vmem>>, vector<1024x2048xf32>
      tpu.vector_store %arg5[%swap3A_104, %swap3A_105], %select_n3A_103 {strides = array<i32>} : memref<1024x2048xf32, #tpu.memory_space<vmem>>, vector<1024x2048xf32>,
      %eq3A_107 = vector.broadcast %scan3A_85 : i32 to vector<1024x128xi32>
      %eq3A_108 = arith.cmpi eq, %iota3A_42, %eq3A_107 : vector<1024x128xi32>
      %broadcast_in_dim3A_109 = vector.shape_cast %broadcast_in_dim3A_98 : vector<1024x1xi32> to vector<1024x1xi32>
      %broadcast_in_dim3A_110 = vector.broadcast %broadcast_in_dim3A_109 : vector<1024x1xi32> to vector<1024x128xi32>
      %select_n3A_111 = arith.select %eq3A_108, %broadcast_in_dim3A_110, %scan3A_86 : vector<1024x128xi1>, vector<1024x128xi32>
      scf.yield %select_n3A_111 : vector<1024x128xi32>
    }
    %scan3A_48 = arith.constant 63 : i32
    %broadcast_in_dim3A_49 = arith.constant 0 : i32
    %broadcast_in_dim3A_50 = vector.broadcast %broadcast_in_dim3A_49 : i32 to vector<1024x1xi32>
    %scan3A_51 = arith.constant 0 : i32
    %scan3A_52 = arith.constant 31 : i32
    %scan3A_53 = arith.addi %scan3A_51, %scan3A_52 : i32
    %scan3A_54 = arith.constant 1 : i32
    %scan3A_55 = scf.for %scan3A_85 = %scan3A_51 to %scan3A_53 step %scan3A_54 iter_args(%scan3A_86 = %broadcast_in_dim3A_50) -> (vector<1024x1xi32>)  : i32 {
      %sub3A_87 = arith.constant 30 : i32
      %sub3A_88 = arith.subi %sub3A_87, %scan3A_85 : i32
      %shift_left3A = arith.constant 1 : i32
      %shift_left3A_89 = arith.shli %shift_left3A, %sub3A_88 : i32
      %or3A = vector.broadcast %shift_left3A_89 : i32 to vector<1024x1xi32>
      %or3A_90 = arith.ori %scan3A_86, %or3A : vector<1024x1xi32>
      %get3A_91 = arith.constant 0 : index
      %get3A_92 = arith.constant 0 : index
      %get3A_93 = vector.load %arg5[%get3A_91, %get3A_92] : memref<1024x2048xf32, #tpu.memory_space<vmem>>, vector<1024x2048xf32>
      %bitcast_convert_type3A_94 = tpu.bitcast %get3A_93 : vector<1024x2048xf32> -> vector<1024x2048xi32>
      %lt3A_95 = vector.broadcast %or3A_90 : vector<1024x1xi32> to vector<1024x2048xi32>
      %lt3A_96 = arith.cmpi slt, %bitcast_convert_type3A_94, %lt3A_95 : vector<1024x2048xi32>
      %convert_element_type3A_97 = arith.extui %lt3A_96 : vector<1024x2048xi1> to vector<1024x2048xi32>
      %reduce_sum3A_98 = arith.constant dense<0> : vector<1024xi32>
      %reduce_sum3A_99 = vector.multi_reduction <add>, %convert_element_type3A_97, %reduce_sum3A_98 [1] : vector<1024x2048xi32> to vector<1024xi32>
      %broadcast_in_dim3A_100 = vector.shape_cast %reduce_sum3A_99 : vector<1024xi32> to vector<1024x1xi32>
      %ge3A = arith.constant 49 : i32
      %ge3A_101 = vector.broadcast %ge3A : i32 to vector<1024x1xi32>
      %ge3A_102 = arith.cmpi sge, %broadcast_in_dim3A_100, %ge3A_101 : vector<1024x1xi32>
      %select_n3A_103 = arith.select %ge3A_102, %scan3A_86, %or3A_90 : vector<1024x1xi1>, vector<1024x1xi32>
      scf.yield %select_n3A_103 : vector<1024x1xi32>
    }
    %scan3A_56 = arith.constant 31 : i32
    %get3A_57 = arith.constant 0 : index
    %get3A_58 = arith.constant 0 : index
    %get3A_59 = vector.load %arg5[%get3A_57, %get3A_58] : memref<1024x2048xf32, #tpu.memory_space<vmem>>, vector<1024x2048xf32>
    %bitcast_convert_type3A = tpu.bitcast %get3A_59 : vector<1024x2048xf32> -> vector<1024x2048xi32>
    %lt3A = vector.broadcast %scan3A_55 : vector<1024x1xi32> to vector<1024x2048xi32>
    %lt3A_60 = arith.cmpi slt, %bitcast_convert_type3A, %lt3A : vector<1024x2048xi32>
    %convert_element_type3A = arith.extui %lt3A_60 : vector<1024x2048xi1> to vector<1024x2048xi32>
    %reduce_sum3A = arith.constant dense<0> : vector<1024xi32>
    %reduce_sum3A_61 = vector.multi_reduction <add>, %convert_element_type3A, %reduce_sum3A [1] : vector<1024x2048xi32> to vector<1024xi32>
    %broadcast_in_dim3A_62 = vector.shape_cast %reduce_sum3A_61 : vector<1024xi32> to vector<1024x1xi32>
    %lt3A_63 = vector.broadcast %scan3A_55 : vector<1024x1xi32> to vector<1024x2048xi32>
    %lt3A_64 = arith.cmpi slt, %bitcast_convert_type3A, %lt3A_63 : vector<1024x2048xi32>
    %get3A_65 = arith.constant 0 : index
    %get3A_66 = arith.constant 0 : index
    %get3A_67 = vector.load %arg5[%get3A_65, %get3A_66] : memref<1024x2048xf32, #tpu.memory_space<vmem>>, vector<1024x2048xf32>
    %jit3A = arith.constant 0x7F800000 : f32
    %broadcast_in_dim3A_68 = vector.broadcast %jit3A : f32 to vector<1024x2048xf32>
    %select_n3A = arith.select %lt3A_64, %broadcast_in_dim3A_68, %get3A_67 : vector<1024x2048xi1>, vector<1024x2048xf32>
    %swap3A_69 = arith.constant 0 : index
    %swap3A_70 = arith.constant 0 : index
    %swap3A_71 = vector.load %arg5[%swap3A_69, %swap3A_70] : memref<1024x2048xf32, #tpu.memory_space<vmem>>, vector<1024x2048xf32>
    tpu.vector_store %arg5[%swap3A_69, %swap3A_70], %select_n3A {strides = array<i32>} : memref<1024x2048xf32, #tpu.memory_space<vmem>>, vector<1024x2048xf32>,
    %while3A = arith.constant 0 : i32
    %while3A_72:2 = scf.while (%while3A_85 = %broadcast_in_dim3A_62, %while3A_86 = %while3A) : (vector<1024x1xi32>, i32) -> (vector<1024x1xi32>, i32) {
      %lt3A_87 = arith.constant 49 : i32
      %lt3A_88 = vector.broadcast %lt3A_87 : i32 to vector<1024x1xi32>
      %lt3A_89 = arith.cmpi slt, %while3A_85, %lt3A_88 : vector<1024x1xi32>
      %reduce_or3A = arith.constant 1.000000e+00 : f32
      %reduce_or3A_90 = arith.constant 0.000000e+00 : f32
      %reduce_or3A_91 = vector.broadcast %reduce_or3A : f32 to vector<1024x1xf32>
      %reduce_or3A_92 = vector.broadcast %reduce_or3A_90 : f32 to vector<1024x1xf32>
      %reduce_or3A_93 = arith.select %lt3A_89, %reduce_or3A_91, %reduce_or3A_92 : vector<1024x1xi1>, vector<1024x1xf32>
      %reduce_or3A_94 = vector.shape_cast %reduce_or3A_93 : vector<1024x1xf32> to vector<1x1024x1xf32>
      %reduce_or3A_95 = arith.constant dense<0xFF800000> : vector<1xf32>
      %reduce_or3A_96 = vector.multi_reduction <maximumf>, %reduce_or3A_94, %reduce_or3A_95 [1, 2] : vector<1x1024x1xf32> to vector<1xf32>
      %reduce_or3A_97 = vector.shape_cast %reduce_or3A_96 : vector<1xf32> to vector<1x1x1xf32>
      %reduce_or3A_98 = vector.extract %reduce_or3A_97[0, 0, 0] : f32 from vector<1x1x1xf32>
      %reduce_or3A_99 = arith.constant 0.000000e+00 : f32
      %reduce_or3A_100 = arith.cmpf ogt, %reduce_or3A_98, %reduce_or3A_99 : f32
      scf.condition(%reduce_or3A_100) %while3A_85, %while3A_86 : vector<1024x1xi32>, i32
    } do {
    ^bb0(%while3A_85: vector<1024x1xi32>, %while3A_86: i32):
      %get3A_87 = arith.constant 0 : index
      %get3A_88 = arith.constant 0 : index
      %get3A_89 = vector.load %arg5[%get3A_87, %get3A_88] : memref<1024x2048xf32, #tpu.memory_space<vmem>>, vector<1024x2048xf32>
      %bitcast_convert_type3A_90 = tpu.bitcast %get3A_89 : vector<1024x2048xf32> -> vector<1024x2048xi32>
      %eq3A = vector.broadcast %scan3A_55 : vector<1024x1xi32> to vector<1024x2048xi32>
      %eq3A_91 = arith.cmpi eq, %bitcast_convert_type3A_90, %eq3A : vector<1024x2048xi32>
      %lt3A_92 = arith.constant 49 : i32
      %lt3A_93 = vector.broadcast %lt3A_92 : i32 to vector<1024x1xi32>
      %lt3A_94 = arith.cmpi slt, %while3A_85, %lt3A_93 : vector<1024x1xi32>
      %and3A = vector.broadcast %lt3A_94 : vector<1024x1xi1> to vector<1024x2048xi1>
      %and3A_95 = arith.andi %eq3A_91, %and3A : vector<1024x2048xi1>
      %jit3A_96 = arith.constant 1073741824 : i32
      %broadcast_in_dim3A_97 = vector.broadcast %jit3A_96 : i32 to vector<1024x2048xi32>
      %select_n3A_98 = arith.select %and3A_95, %iota3A, %broadcast_in_dim3A_97 : vector<1024x2048xi1>, vector<1024x2048xi32>
      %reduce_min3A = arith.constant dense<2147483647> : vector<1024xi32>
      %reduce_min3A_99 = vector.multi_reduction <minsi>, %select_n3A_98, %reduce_min3A [1] : vector<1024x2048xi32> to vector<1024xi32>
      %broadcast_in_dim3A_100 = vector.shape_cast %reduce_min3A_99 : vector<1024xi32> to vector<1024x1xi32>
      %eq3A_101 = vector.broadcast %broadcast_in_dim3A_100 : vector<1024x1xi32> to vector<1024x2048xi32>
      %eq3A_102 = arith.cmpi eq, %iota3A, %eq3A_101 : vector<1024x2048xi32>
      %jit3A_103 = arith.constant 0x7F800000 : f32
      %broadcast_in_dim3A_104 = vector.broadcast %jit3A_103 : f32 to vector<1024x2048xf32>
      %select_n3A_105 = arith.select %eq3A_102, %broadcast_in_dim3A_104, %get3A_89 : vector<1024x2048xi1>, vector<1024x2048xf32>
      %swap3A_106 = arith.constant 0 : index
      %swap3A_107 = arith.constant 0 : index
      %swap3A_108 = vector.load %arg5[%swap3A_106, %swap3A_107] : memref<1024x2048xf32, #tpu.memory_space<vmem>>, vector<1024x2048xf32>
      tpu.vector_store %arg5[%swap3A_106, %swap3A_107], %select_n3A_105 {strides = array<i32>} : memref<1024x2048xf32, #tpu.memory_space<vmem>>, vector<1024x2048xf32>,
      %lt3A_109 = arith.constant 1073741824 : i32
      %lt3A_110 = vector.broadcast %lt3A_109 : i32 to vector<1024x1xi32>
      %lt3A_111 = arith.cmpi slt, %broadcast_in_dim3A_100, %lt3A_110 : vector<1024x1xi32>
      %convert_element_type3A_112 = arith.extui %lt3A_111 : vector<1024x1xi1> to vector<1024x1xi32>
      %add3A_113 = arith.addi %while3A_85, %convert_element_type3A_112 : vector<1024x1xi32>
      %while3A_114 = arith.constant 0 : i32
      scf.yield %add3A_113, %while3A_114 : vector<1024x1xi32>, i32
    }
    %scan3A_73 = arith.constant 112 : i32
    %scan3A_74 = arith.constant 15 : i32
    %scan3A_75 = arith.addi %scan3A_73, %scan3A_74 : i32
    %scan3A_76 = arith.constant 1 : i32
    %scan3A_77 = scf.for %scan3A_85 = %scan3A_73 to %scan3A_75 step %scan3A_76 iter_args(%scan3A_86 = %scan3A_47) -> (vector<1024x128xi32>)  : i32 {
      %get3A_87 = arith.constant 0 : index
      %get3A_88 = arith.constant 0 : index
      %get3A_89 = vector.load %arg5[%get3A_87, %get3A_88] : memref<1024x2048xf32, #tpu.memory_space<vmem>>, vector<1024x2048xf32>
      %reduce_min3A = arith.constant dense<0x7F800000> : vector<1024xf32>
      %reduce_min3A_90 = vector.multi_reduction <minimumf>, %get3A_89, %reduce_min3A [1] : vector<1024x2048xf32> to vector<1024xf32>
      %broadcast_in_dim3A_91 = vector.shape_cast %reduce_min3A_90 : vector<1024xf32> to vector<1024x1xf32>
      %eq3A = vector.broadcast %broadcast_in_dim3A_91 : vector<1024x1xf32> to vector<1024x2048xf32>
      %eq3A_92 = arith.cmpf oeq, %get3A_89, %eq3A : vector<1024x2048xf32>
      %jit3A_93 = arith.constant 2048 : i32
      %broadcast_in_dim3A_94 = vector.broadcast %jit3A_93 : i32 to vector<1024x2048xi32>
      %select_n3A_95 = arith.select %eq3A_92, %iota3A, %broadcast_in_dim3A_94 : vector<1024x2048xi1>, vector<1024x2048xi32>
      %reduce_min3A_96 = arith.constant dense<2147483647> : vector<1024xi32>
      %reduce_min3A_97 = vector.multi_reduction <minsi>, %select_n3A_95, %reduce_min3A_96 [1] : vector<1024x2048xi32> to vector<1024xi32>
      %broadcast_in_dim3A_98 = vector.shape_cast %reduce_min3A_97 : vector<1024xi32> to vector<1024x1xi32>
      %eq3A_99 = vector.broadcast %broadcast_in_dim3A_98 : vector<1024x1xi32> to vector<1024x2048xi32>
      %eq3A_100 = arith.cmpi eq, %iota3A, %eq3A_99 : vector<1024x2048xi32>
      %jit3A_101 = arith.constant 0x7F800000 : f32
      %broadcast_in_dim3A_102 = vector.broadcast %jit3A_101 : f32 to vector<1024x2048xf32>
      %select_n3A_103 = arith.select %eq3A_100, %broadcast_in_dim3A_102, %get3A_89 : vector<1024x2048xi1>, vector<1024x2048xf32>
      %swap3A_104 = arith.constant 0 : index
      %swap3A_105 = arith.constant 0 : index
      %swap3A_106 = vector.load %arg5[%swap3A_104, %swap3A_105] : memref<1024x2048xf32, #tpu.memory_space<vmem>>, vector<1024x2048xf32>
      tpu.vector_store %arg5[%swap3A_104, %swap3A_105], %select_n3A_103 {strides = array<i32>} : memref<1024x2048xf32, #tpu.memory_space<vmem>>, vector<1024x2048xf32>,
      %eq3A_107 = vector.broadcast %scan3A_85 : i32 to vector<1024x128xi32>
      %eq3A_108 = arith.cmpi eq, %iota3A_42, %eq3A_107 : vector<1024x128xi32>
      %broadcast_in_dim3A_109 = vector.shape_cast %broadcast_in_dim3A_98 : vector<1024x1xi32> to vector<1024x1xi32>
      %broadcast_in_dim3A_110 = vector.broadcast %broadcast_in_dim3A_109 : vector<1024x1xi32> to vector<1024x128xi32>
      %select_n3A_111 = arith.select %eq3A_108, %broadcast_in_dim3A_110, %scan3A_86 : vector<1024x128xi1>, vector<1024x128xi32>
      scf.yield %select_n3A_111 : vector<1024x128xi32>
    }
    %scan3A_78 = arith.constant 15 : i32
    %swap3A_79 = arith.constant 0 : index
    %swap3A_80 = arith.constant 0 : index
    %swap3A_81 = arith.constant 0 : index
    %swap3A_82 = vector.load %arg4[%swap3A_79, %swap3A_80, %swap3A_81] : memref<1x1024x128xi32, #tpu.memory_space<vmem>>, vector<1x1024x128xi32>
    %swap3A_83 = vector.shape_cast %swap3A_82 : vector<1x1024x128xi32> to vector<1024x128xi32>
    %swap3A_84 = vector.shape_cast %scan3A_77 : vector<1024x128xi32> to vector<1x1024x128xi32>
    tpu.vector_store %arg4[%swap3A_79, %swap3A_80, %swap3A_81], %swap3A_84 {strides = array<i32>} : memref<1x1024x128xi32, #tpu.memory_space<vmem>>, vector<1x1024x128xi32>,
    return
  }
  func.func @transform_0(%arg0: i32, %arg1: i32) -> (i32, i32, i32) {
    %c0_i32 = arith.constant 0 : i32
    %c0_i32_0 = arith.constant 0 : i32
    return %arg0, %arg1, %c0_i32 : i32, i32, i32
  }
  func.func @transform_1(%arg0: i32, %arg1: i32) -> (i32, i32, i32) {
    %c0_i32 = arith.constant 0 : i32
    %c0_i32_0 = arith.constant 0 : i32
    %c0_i32_1 = arith.constant 0 : i32
    return %arg0, %c0_i32, %c0_i32_0 : i32, i32, i32
  }
  func.func @transform_2(%arg0: i32, %arg1: i32) -> (i32, i32, i32) {
    %c0_i32 = arith.constant 0 : i32
    %c0_i32_0 = arith.constant 0 : i32
    return %arg0, %arg1, %c0_i32 : i32, i32, i32
  }
}

module attributes {stable_mosaic.version = 14 : i64} {
  func.func @_mm2_kernel(%arg0: i32, %arg1: i32, %arg2: memref<1x1024x64xf32, #tpu.memory_space<vmem>>, %arg3: memref<1x64x32xf32, #tpu.memory_space<vmem>>, %arg4: memref<1x1024x32xf32, #tpu.memory_space<vmem>>) attributes {dimension_semantics = [#tpu.dimension_semantics<arbitrary>, #tpu.dimension_semantics<arbitrary>], iteration_bounds = array<i64: 2, 8>, scalar_prefetch = 0 : i64, scratch_operands = 0 : i64, tpu.core_type = #tpu.core_type<tc>, window_params = [{transform_indices = @transform_0, window_bounds = array<i64: 1, 1024, 64>}, {transform_indices = @transform_1, window_bounds = array<i64: 1, 64, 32>}, {transform_indices = @transform_2, window_bounds = array<i64: 1, 1024, 32>}]} {
    %get3A = arith.constant 0 : index
    %get3A_0 = arith.constant 0 : index
    %get3A_1 = arith.constant 0 : index
    %get3A_2 = vector.load %arg2[%get3A, %get3A_0, %get3A_1] : memref<1x1024x64xf32, #tpu.memory_space<vmem>>, vector<1x1024x64xf32>
    %get3A_3 = vector.shape_cast %get3A_2 : vector<1x1024x64xf32> to vector<1024x64xf32>
    %get3A_4 = arith.constant 0 : index
    %get3A_5 = arith.constant 0 : index
    %get3A_6 = arith.constant 0 : index
    %get3A_7 = vector.load %arg3[%get3A_4, %get3A_5, %get3A_6] : memref<1x64x32xf32, #tpu.memory_space<vmem>>, vector<1x64x32xf32>
    %get3A_8 = vector.shape_cast %get3A_7 : vector<1x64x32xf32> to vector<64x32xf32>
    %dot_general3A = arith.constant dense<0.000000e+00> : vector<1024x32xf32>
    %dot_general3A_9 = tpu.matmul %get3A_3, %get3A_8, %dot_general3A {dimension_numbers = #tpu.dot_dimension_numbers<[1], [0], [0], [1], [0, 0, 1, 1], [], []>, transpose_lhs_hint = false} : vector<1024x64xf32>, vector<64x32xf32>, vector<1024x32xf32> -> vector<1024x32xf32>
    %swap3A = arith.constant 0 : index
    %swap3A_10 = arith.constant 0 : index
    %swap3A_11 = arith.constant 0 : index
    %swap3A_12 = vector.load %arg4[%swap3A, %swap3A_10, %swap3A_11] : memref<1x1024x32xf32, #tpu.memory_space<vmem>>, vector<1x1024x32xf32>
    %swap3A_13 = vector.shape_cast %swap3A_12 : vector<1x1024x32xf32> to vector<1024x32xf32>
    %swap3A_14 = vector.shape_cast %dot_general3A_9 : vector<1024x32xf32> to vector<1x1024x32xf32>
    tpu.vector_store %arg4[%swap3A, %swap3A_10, %swap3A_11], %swap3A_14 {strides = array<i32>} : memref<1x1024x32xf32, #tpu.memory_space<vmem>>, vector<1x1024x32xf32>,
    return
  }
  func.func @transform_0(%arg0: i32, %arg1: i32) -> (i32, i32, i32) {
    %c0_i32 = arith.constant 0 : i32
    %c0_i32_0 = arith.constant 0 : i32
    return %arg0, %arg1, %c0_i32 : i32, i32, i32
  }
  func.func @transform_1(%arg0: i32, %arg1: i32) -> (i32, i32, i32) {
    %c0_i32 = arith.constant 0 : i32
    %c0_i32_0 = arith.constant 0 : i32
    %c0_i32_1 = arith.constant 0 : i32
    return %arg0, %c0_i32, %c0_i32_0 : i32, i32, i32
  }
  func.func @transform_2(%arg0: i32, %arg1: i32) -> (i32, i32, i32) {
    %c0_i32 = arith.constant 0 : i32
    %c0_i32_0 = arith.constant 0 : i32
    return %arg0, %arg1, %c0_i32 : i32, i32, i32
  }
}

module attributes {stable_mosaic.version = 14 : i64} {
  func.func @_reduce_kernel(%arg0: i32, %arg1: memref<16x1024x32xf32, #tpu.memory_space<vmem>>, %arg2: memref<1024x32xf32, #tpu.memory_space<vmem>>, %arg3: memref<1024x32xf32, #tpu.memory_space<vmem>>, %arg4: memref<1024x32xf32, #tpu.memory_space<vmem>>, %arg5: memref<1024x32xf32, #tpu.memory_space<vmem>>) attributes {dimension_semantics = [#tpu.dimension_semantics<arbitrary>], iteration_bounds = array<i64: 16>, scalar_prefetch = 0 : i64, scratch_operands = 0 : i64, tpu.core_type = #tpu.core_type<tc>, window_params = [{transform_indices = @transform_0, window_bounds = array<i64: 16, 1024, 32>}, {transform_indices = @transform_1, window_bounds = array<i64: 1024, 32>}, {transform_indices = @transform_2, window_bounds = array<i64: 1024, 32>}, {transform_indices = @transform_3, window_bounds = array<i64: 1024, 32>}, {transform_indices = @transform_4, window_bounds = array<i64: 1024, 32>}]} {
    %get3A = arith.constant 0 : index
    %get3A_0 = arith.constant 0 : index
    %get3A_1 = vector.load %arg2[%get3A, %get3A_0] : memref<1024x32xf32, #tpu.memory_space<vmem>>, vector<1024x32xf32>
    %get3A_2 = arith.constant 0 : index
    %get3A_3 = arith.constant 0 : index
    %get3A_4 = arith.constant 0 : index
    %get3A_5 = vector.load %arg1[%get3A_2, %get3A_3, %get3A_4] : memref<16x1024x32xf32, #tpu.memory_space<vmem>>, vector<1x1024x32xf32>
    %get3A_6 = vector.shape_cast %get3A_5 : vector<1x1024x32xf32> to vector<1024x32xf32>
    %sub3A = arith.subf %get3A_6, %get3A_1 : vector<1024x32xf32>
    %mul3A = arith.mulf %sub3A, %sub3A : vector<1024x32xf32>
    %get3A_7 = arith.constant 1 : index
    %get3A_8 = arith.constant 0 : index
    %get3A_9 = arith.constant 0 : index
    %get3A_10 = vector.load %arg1[%get3A_7, %get3A_8, %get3A_9] : memref<16x1024x32xf32, #tpu.memory_space<vmem>>, vector<1x1024x32xf32>
    %get3A_11 = vector.shape_cast %get3A_10 : vector<1x1024x32xf32> to vector<1024x32xf32>
    %sub3A_12 = arith.subf %get3A_11, %get3A_1 : vector<1024x32xf32>
    %max3A = arith.maximumf %sub3A, %sub3A_12 : vector<1024x32xf32>
    %add3A = arith.addf %sub3A, %sub3A_12 : vector<1024x32xf32>
    %mul3A_13 = arith.mulf %sub3A_12, %sub3A_12 : vector<1024x32xf32>
    %add3A_14 = arith.addf %mul3A, %mul3A_13 : vector<1024x32xf32>
    %get3A_15 = arith.constant 2 : index
    %get3A_16 = arith.constant 0 : index
    %get3A_17 = arith.constant 0 : index
    %get3A_18 = vector.load %arg1[%get3A_15, %get3A_16, %get3A_17] : memref<16x1024x32xf32, #tpu.memory_space<vmem>>, vector<1x1024x32xf32>
    %get3A_19 = vector.shape_cast %get3A_18 : vector<1x1024x32xf32> to vector<1024x32xf32>
    %sub3A_20 = arith.subf %get3A_19, %get3A_1 : vector<1024x32xf32>
    %max3A_21 = arith.maximumf %max3A, %sub3A_20 : vector<1024x32xf32>
    %add3A_22 = arith.addf %add3A, %sub3A_20 : vector<1024x32xf32>
    %mul3A_23 = arith.mulf %sub3A_20, %sub3A_20 : vector<1024x32xf32>
    %add3A_24 = arith.addf %add3A_14, %mul3A_23 : vector<1024x32xf32>
    %get3A_25 = arith.constant 3 : index
    %get3A_26 = arith.constant 0 : index
    %get3A_27 = arith.constant 0 : index
    %get3A_28 = vector.load %arg1[%get3A_25, %get3A_26, %get3A_27] : memref<16x1024x32xf32, #tpu.memory_space<vmem>>, vector<1x1024x32xf32>
    %get3A_29 = vector.shape_cast %get3A_28 : vector<1x1024x32xf32> to vector<1024x32xf32>
    %sub3A_30 = arith.subf %get3A_29, %get3A_1 : vector<1024x32xf32>
    %max3A_31 = arith.maximumf %max3A_21, %sub3A_30 : vector<1024x32xf32>
    %add3A_32 = arith.addf %add3A_22, %sub3A_30 : vector<1024x32xf32>
    %mul3A_33 = arith.mulf %sub3A_30, %sub3A_30 : vector<1024x32xf32>
    %add3A_34 = arith.addf %add3A_24, %mul3A_33 : vector<1024x32xf32>
    %get3A_35 = arith.constant 4 : index
    %get3A_36 = arith.constant 0 : index
    %get3A_37 = arith.constant 0 : index
    %get3A_38 = vector.load %arg1[%get3A_35, %get3A_36, %get3A_37] : memref<16x1024x32xf32, #tpu.memory_space<vmem>>, vector<1x1024x32xf32>
    %get3A_39 = vector.shape_cast %get3A_38 : vector<1x1024x32xf32> to vector<1024x32xf32>
    %sub3A_40 = arith.subf %get3A_39, %get3A_1 : vector<1024x32xf32>
    %max3A_41 = arith.maximumf %max3A_31, %sub3A_40 : vector<1024x32xf32>
    %add3A_42 = arith.addf %add3A_32, %sub3A_40 : vector<1024x32xf32>
    %mul3A_43 = arith.mulf %sub3A_40, %sub3A_40 : vector<1024x32xf32>
    %add3A_44 = arith.addf %add3A_34, %mul3A_43 : vector<1024x32xf32>
    %get3A_45 = arith.constant 5 : index
    %get3A_46 = arith.constant 0 : index
    %get3A_47 = arith.constant 0 : index
    %get3A_48 = vector.load %arg1[%get3A_45, %get3A_46, %get3A_47] : memref<16x1024x32xf32, #tpu.memory_space<vmem>>, vector<1x1024x32xf32>
    %get3A_49 = vector.shape_cast %get3A_48 : vector<1x1024x32xf32> to vector<1024x32xf32>
    %sub3A_50 = arith.subf %get3A_49, %get3A_1 : vector<1024x32xf32>
    %max3A_51 = arith.maximumf %max3A_41, %sub3A_50 : vector<1024x32xf32>
    %add3A_52 = arith.addf %add3A_42, %sub3A_50 : vector<1024x32xf32>
    %mul3A_53 = arith.mulf %sub3A_50, %sub3A_50 : vector<1024x32xf32>
    %add3A_54 = arith.addf %add3A_44, %mul3A_53 : vector<1024x32xf32>
    %get3A_55 = arith.constant 6 : index
    %get3A_56 = arith.constant 0 : index
    %get3A_57 = arith.constant 0 : index
    %get3A_58 = vector.load %arg1[%get3A_55, %get3A_56, %get3A_57] : memref<16x1024x32xf32, #tpu.memory_space<vmem>>, vector<1x1024x32xf32>
    %get3A_59 = vector.shape_cast %get3A_58 : vector<1x1024x32xf32> to vector<1024x32xf32>
    %sub3A_60 = arith.subf %get3A_59, %get3A_1 : vector<1024x32xf32>
    %max3A_61 = arith.maximumf %max3A_51, %sub3A_60 : vector<1024x32xf32>
    %add3A_62 = arith.addf %add3A_52, %sub3A_60 : vector<1024x32xf32>
    %mul3A_63 = arith.mulf %sub3A_60, %sub3A_60 : vector<1024x32xf32>
    %add3A_64 = arith.addf %add3A_54, %mul3A_63 : vector<1024x32xf32>
    %get3A_65 = arith.constant 7 : index
    %get3A_66 = arith.constant 0 : index
    %get3A_67 = arith.constant 0 : index
    %get3A_68 = vector.load %arg1[%get3A_65, %get3A_66, %get3A_67] : memref<16x1024x32xf32, #tpu.memory_space<vmem>>, vector<1x1024x32xf32>
    %get3A_69 = vector.shape_cast %get3A_68 : vector<1x1024x32xf32> to vector<1024x32xf32>
    %sub3A_70 = arith.subf %get3A_69, %get3A_1 : vector<1024x32xf32>
    %max3A_71 = arith.maximumf %max3A_61, %sub3A_70 : vector<1024x32xf32>
    %add3A_72 = arith.addf %add3A_62, %sub3A_70 : vector<1024x32xf32>
    %mul3A_73 = arith.mulf %sub3A_70, %sub3A_70 : vector<1024x32xf32>
    %add3A_74 = arith.addf %add3A_64, %mul3A_73 : vector<1024x32xf32>
    %get3A_75 = arith.constant 8 : index
    %get3A_76 = arith.constant 0 : index
    %get3A_77 = arith.constant 0 : index
    %get3A_78 = vector.load %arg1[%get3A_75, %get3A_76, %get3A_77] : memref<16x1024x32xf32, #tpu.memory_space<vmem>>, vector<1x1024x32xf32>
    %get3A_79 = vector.shape_cast %get3A_78 : vector<1x1024x32xf32> to vector<1024x32xf32>
    %sub3A_80 = arith.subf %get3A_79, %get3A_1 : vector<1024x32xf32>
    %max3A_81 = arith.maximumf %max3A_71, %sub3A_80 : vector<1024x32xf32>
    %add3A_82 = arith.addf %add3A_72, %sub3A_80 : vector<1024x32xf32>
    %mul3A_83 = arith.mulf %sub3A_80, %sub3A_80 : vector<1024x32xf32>
    %add3A_84 = arith.addf %add3A_74, %mul3A_83 : vector<1024x32xf32>
    %get3A_85 = arith.constant 9 : index
    %get3A_86 = arith.constant 0 : index
    %get3A_87 = arith.constant 0 : index
    %get3A_88 = vector.load %arg1[%get3A_85, %get3A_86, %get3A_87] : memref<16x1024x32xf32, #tpu.memory_space<vmem>>, vector<1x1024x32xf32>
    %get3A_89 = vector.shape_cast %get3A_88 : vector<1x1024x32xf32> to vector<1024x32xf32>
    %sub3A_90 = arith.subf %get3A_89, %get3A_1 : vector<1024x32xf32>
    %max3A_91 = arith.maximumf %max3A_81, %sub3A_90 : vector<1024x32xf32>
    %add3A_92 = arith.addf %add3A_82, %sub3A_90 : vector<1024x32xf32>
    %mul3A_93 = arith.mulf %sub3A_90, %sub3A_90 : vector<1024x32xf32>
    %add3A_94 = arith.addf %add3A_84, %mul3A_93 : vector<1024x32xf32>
    %get3A_95 = arith.constant 10 : index
    %get3A_96 = arith.constant 0 : index
    %get3A_97 = arith.constant 0 : index
    %get3A_98 = vector.load %arg1[%get3A_95, %get3A_96, %get3A_97] : memref<16x1024x32xf32, #tpu.memory_space<vmem>>, vector<1x1024x32xf32>
    %get3A_99 = vector.shape_cast %get3A_98 : vector<1x1024x32xf32> to vector<1024x32xf32>
    %sub3A_100 = arith.subf %get3A_99, %get3A_1 : vector<1024x32xf32>
    %max3A_101 = arith.maximumf %max3A_91, %sub3A_100 : vector<1024x32xf32>
    %add3A_102 = arith.addf %add3A_92, %sub3A_100 : vector<1024x32xf32>
    %mul3A_103 = arith.mulf %sub3A_100, %sub3A_100 : vector<1024x32xf32>
    %add3A_104 = arith.addf %add3A_94, %mul3A_103 : vector<1024x32xf32>
    %get3A_105 = arith.constant 11 : index
    %get3A_106 = arith.constant 0 : index
    %get3A_107 = arith.constant 0 : index
    %get3A_108 = vector.load %arg1[%get3A_105, %get3A_106, %get3A_107] : memref<16x1024x32xf32, #tpu.memory_space<vmem>>, vector<1x1024x32xf32>
    %get3A_109 = vector.shape_cast %get3A_108 : vector<1x1024x32xf32> to vector<1024x32xf32>
    %sub3A_110 = arith.subf %get3A_109, %get3A_1 : vector<1024x32xf32>
    %max3A_111 = arith.maximumf %max3A_101, %sub3A_110 : vector<1024x32xf32>
    %add3A_112 = arith.addf %add3A_102, %sub3A_110 : vector<1024x32xf32>
    %mul3A_113 = arith.mulf %sub3A_110, %sub3A_110 : vector<1024x32xf32>
    %add3A_114 = arith.addf %add3A_104, %mul3A_113 : vector<1024x32xf32>
    %get3A_115 = arith.constant 12 : index
    %get3A_116 = arith.constant 0 : index
    %get3A_117 = arith.constant 0 : index
    %get3A_118 = vector.load %arg1[%get3A_115, %get3A_116, %get3A_117] : memref<16x1024x32xf32, #tpu.memory_space<vmem>>, vector<1x1024x32xf32>
    %get3A_119 = vector.shape_cast %get3A_118 : vector<1x1024x32xf32> to vector<1024x32xf32>
    %sub3A_120 = arith.subf %get3A_119, %get3A_1 : vector<1024x32xf32>
    %max3A_121 = arith.maximumf %max3A_111, %sub3A_120 : vector<1024x32xf32>
    %add3A_122 = arith.addf %add3A_112, %sub3A_120 : vector<1024x32xf32>
    %mul3A_123 = arith.mulf %sub3A_120, %sub3A_120 : vector<1024x32xf32>
    %add3A_124 = arith.addf %add3A_114, %mul3A_123 : vector<1024x32xf32>
    %get3A_125 = arith.constant 13 : index
    %get3A_126 = arith.constant 0 : index
    %get3A_127 = arith.constant 0 : index
    %get3A_128 = vector.load %arg1[%get3A_125, %get3A_126, %get3A_127] : memref<16x1024x32xf32, #tpu.memory_space<vmem>>, vector<1x1024x32xf32>
    %get3A_129 = vector.shape_cast %get3A_128 : vector<1x1024x32xf32> to vector<1024x32xf32>
    %sub3A_130 = arith.subf %get3A_129, %get3A_1 : vector<1024x32xf32>
    %max3A_131 = arith.maximumf %max3A_121, %sub3A_130 : vector<1024x32xf32>
    %add3A_132 = arith.addf %add3A_122, %sub3A_130 : vector<1024x32xf32>
    %mul3A_133 = arith.mulf %sub3A_130, %sub3A_130 : vector<1024x32xf32>
    %add3A_134 = arith.addf %add3A_124, %mul3A_133 : vector<1024x32xf32>
    %get3A_135 = arith.constant 14 : index
    %get3A_136 = arith.constant 0 : index
    %get3A_137 = arith.constant 0 : index
    %get3A_138 = vector.load %arg1[%get3A_135, %get3A_136, %get3A_137] : memref<16x1024x32xf32, #tpu.memory_space<vmem>>, vector<1x1024x32xf32>
    %get3A_139 = vector.shape_cast %get3A_138 : vector<1x1024x32xf32> to vector<1024x32xf32>
    %sub3A_140 = arith.subf %get3A_139, %get3A_1 : vector<1024x32xf32>
    %max3A_141 = arith.maximumf %max3A_131, %sub3A_140 : vector<1024x32xf32>
    %add3A_142 = arith.addf %add3A_132, %sub3A_140 : vector<1024x32xf32>
    %mul3A_143 = arith.mulf %sub3A_140, %sub3A_140 : vector<1024x32xf32>
    %add3A_144 = arith.addf %add3A_134, %mul3A_143 : vector<1024x32xf32>
    %get3A_145 = arith.constant 15 : index
    %get3A_146 = arith.constant 0 : index
    %get3A_147 = arith.constant 0 : index
    %get3A_148 = vector.load %arg1[%get3A_145, %get3A_146, %get3A_147] : memref<16x1024x32xf32, #tpu.memory_space<vmem>>, vector<1x1024x32xf32>
    %get3A_149 = vector.shape_cast %get3A_148 : vector<1x1024x32xf32> to vector<1024x32xf32>
    %sub3A_150 = arith.subf %get3A_149, %get3A_1 : vector<1024x32xf32>
    %max3A_151 = arith.maximumf %max3A_141, %sub3A_150 : vector<1024x32xf32>
    %add3A_152 = arith.addf %add3A_142, %sub3A_150 : vector<1024x32xf32>
    %mul3A_153 = arith.mulf %sub3A_150, %sub3A_150 : vector<1024x32xf32>
    %add3A_154 = arith.addf %add3A_144, %mul3A_153 : vector<1024x32xf32>
    %swap3A = arith.constant 0 : index
    %swap3A_155 = arith.constant 0 : index
    %swap3A_156 = vector.load %arg3[%swap3A, %swap3A_155] : memref<1024x32xf32, #tpu.memory_space<vmem>>, vector<1024x32xf32>
    tpu.vector_store %arg3[%swap3A, %swap3A_155], %max3A_151 {strides = array<i32>} : memref<1024x32xf32, #tpu.memory_space<vmem>>, vector<1024x32xf32>,
    %swap3A_157 = arith.constant 0 : index
    %swap3A_158 = arith.constant 0 : index
    %swap3A_159 = vector.load %arg4[%swap3A_157, %swap3A_158] : memref<1024x32xf32, #tpu.memory_space<vmem>>, vector<1024x32xf32>
    tpu.vector_store %arg4[%swap3A_157, %swap3A_158], %add3A_152 {strides = array<i32>} : memref<1024x32xf32, #tpu.memory_space<vmem>>, vector<1024x32xf32>,
    %swap3A_160 = arith.constant 0 : index
    %swap3A_161 = arith.constant 0 : index
    %swap3A_162 = vector.load %arg5[%swap3A_160, %swap3A_161] : memref<1024x32xf32, #tpu.memory_space<vmem>>, vector<1024x32xf32>
    tpu.vector_store %arg5[%swap3A_160, %swap3A_161], %add3A_154 {strides = array<i32>} : memref<1024x32xf32, #tpu.memory_space<vmem>>, vector<1024x32xf32>,
    return
  }
  func.func @transform_0(%arg0: i32) -> (i32, i32, i32) {
    %c0_i32 = arith.constant 0 : i32
    %c0_i32_0 = arith.constant 0 : i32
    %c0_i32_1 = arith.constant 0 : i32
    return %c0_i32, %arg0, %c0_i32_0 : i32, i32, i32
  }
  func.func @transform_1(%arg0: i32) -> (i32, i32) {
    %c0_i32 = arith.constant 0 : i32
    %c0_i32_0 = arith.constant 0 : i32
    return %arg0, %c0_i32 : i32, i32
  }
  func.func @transform_2(%arg0: i32) -> (i32, i32) {
    %c0_i32 = arith.constant 0 : i32
    %c0_i32_0 = arith.constant 0 : i32
    return %arg0, %c0_i32 : i32, i32
  }
  func.func @transform_3(%arg0: i32) -> (i32, i32) {
    %c0_i32 = arith.constant 0 : i32
    %c0_i32_0 = arith.constant 0 : i32
    return %arg0, %c0_i32 : i32, i32
  }
  func.func @transform_4(%arg0: i32) -> (i32, i32) {
    %c0_i32 = arith.constant 0 : i32
    %c0_i32_0 = arith.constant 0 : i32
    return %arg0, %c0_i32 : i32, i32
  }
}

module attributes {stable_mosaic.version = 14 : i64} {
  func.func @_mm2_kernel(%arg0: i32, %arg1: i32, %arg2: memref<1x1024x96xf32, #tpu.memory_space<vmem>>, %arg3: memref<1x96x32xf32, #tpu.memory_space<vmem>>, %arg4: memref<1x1024x32xf32, #tpu.memory_space<vmem>>) attributes {dimension_semantics = [#tpu.dimension_semantics<arbitrary>, #tpu.dimension_semantics<arbitrary>], iteration_bounds = array<i64: 2, 8>, scalar_prefetch = 0 : i64, scratch_operands = 0 : i64, tpu.core_type = #tpu.core_type<tc>, window_params = [{transform_indices = @transform_0, window_bounds = array<i64: 1, 1024, 96>}, {transform_indices = @transform_1, window_bounds = array<i64: 1, 96, 32>}, {transform_indices = @transform_2, window_bounds = array<i64: 1, 1024, 32>}]} {
    %get3A = arith.constant 0 : index
    %get3A_0 = arith.constant 0 : index
    %get3A_1 = arith.constant 0 : index
    %get3A_2 = vector.load %arg2[%get3A, %get3A_0, %get3A_1] : memref<1x1024x96xf32, #tpu.memory_space<vmem>>, vector<1x1024x96xf32>
    %get3A_3 = vector.shape_cast %get3A_2 : vector<1x1024x96xf32> to vector<1024x96xf32>
    %get3A_4 = arith.constant 0 : index
    %get3A_5 = arith.constant 0 : index
    %get3A_6 = arith.constant 0 : index
    %get3A_7 = vector.load %arg3[%get3A_4, %get3A_5, %get3A_6] : memref<1x96x32xf32, #tpu.memory_space<vmem>>, vector<1x96x32xf32>
    %get3A_8 = vector.shape_cast %get3A_7 : vector<1x96x32xf32> to vector<96x32xf32>
    %dot_general3A = arith.constant dense<0.000000e+00> : vector<1024x32xf32>
    %dot_general3A_9 = tpu.matmul %get3A_3, %get3A_8, %dot_general3A {dimension_numbers = #tpu.dot_dimension_numbers<[1], [0], [0], [1], [0, 0, 1, 1], [], []>, transpose_lhs_hint = false} : vector<1024x96xf32>, vector<96x32xf32>, vector<1024x32xf32> -> vector<1024x32xf32>
    %swap3A = arith.constant 0 : index
    %swap3A_10 = arith.constant 0 : index
    %swap3A_11 = arith.constant 0 : index
    %swap3A_12 = vector.load %arg4[%swap3A, %swap3A_10, %swap3A_11] : memref<1x1024x32xf32, #tpu.memory_space<vmem>>, vector<1x1024x32xf32>
    %swap3A_13 = vector.shape_cast %swap3A_12 : vector<1x1024x32xf32> to vector<1024x32xf32>
    %swap3A_14 = vector.shape_cast %dot_general3A_9 : vector<1024x32xf32> to vector<1x1024x32xf32>
    tpu.vector_store %arg4[%swap3A, %swap3A_10, %swap3A_11], %swap3A_14 {strides = array<i32>} : memref<1x1024x32xf32, #tpu.memory_space<vmem>>, vector<1x1024x32xf32>,
    return
  }
  func.func @transform_0(%arg0: i32, %arg1: i32) -> (i32, i32, i32) {
    %c0_i32 = arith.constant 0 : i32
    %c0_i32_0 = arith.constant 0 : i32
    return %arg0, %arg1, %c0_i32 : i32, i32, i32
  }
  func.func @transform_1(%arg0: i32, %arg1: i32) -> (i32, i32, i32) {
    %c0_i32 = arith.constant 0 : i32
    %c0_i32_0 = arith.constant 0 : i32
    %c0_i32_1 = arith.constant 0 : i32
    return %arg0, %c0_i32, %c0_i32_0 : i32, i32, i32
  }
  func.func @transform_2(%arg0: i32, %arg1: i32) -> (i32, i32, i32) {
    %c0_i32 = arith.constant 0 : i32
    %c0_i32_0 = arith.constant 0 : i32
    return %arg0, %arg1, %c0_i32 : i32, i32, i32
  }
}

module attributes {stable_mosaic.version = 14 : i64} {
  func.func @_mm2_kernel(%arg0: i32, %arg1: i32, %arg2: memref<1x1024x128xf32, #tpu.memory_space<vmem>>, %arg3: memref<1x128x32xf32, #tpu.memory_space<vmem>>, %arg4: memref<1x1024x32xf32, #tpu.memory_space<vmem>>) attributes {dimension_semantics = [#tpu.dimension_semantics<arbitrary>, #tpu.dimension_semantics<arbitrary>], iteration_bounds = array<i64: 2, 8>, scalar_prefetch = 0 : i64, scratch_operands = 0 : i64, tpu.core_type = #tpu.core_type<tc>, window_params = [{transform_indices = @transform_0, window_bounds = array<i64: 1, 1024, 128>}, {transform_indices = @transform_1, window_bounds = array<i64: 1, 128, 32>}, {transform_indices = @transform_2, window_bounds = array<i64: 1, 1024, 32>}]} {
    %get3A = arith.constant 0 : index
    %get3A_0 = arith.constant 0 : index
    %get3A_1 = arith.constant 0 : index
    %get3A_2 = vector.load %arg2[%get3A, %get3A_0, %get3A_1] : memref<1x1024x128xf32, #tpu.memory_space<vmem>>, vector<1x1024x128xf32>
    %get3A_3 = vector.shape_cast %get3A_2 : vector<1x1024x128xf32> to vector<1024x128xf32>
    %get3A_4 = arith.constant 0 : index
    %get3A_5 = arith.constant 0 : index
    %get3A_6 = arith.constant 0 : index
    %get3A_7 = vector.load %arg3[%get3A_4, %get3A_5, %get3A_6] : memref<1x128x32xf32, #tpu.memory_space<vmem>>, vector<1x128x32xf32>
    %get3A_8 = vector.shape_cast %get3A_7 : vector<1x128x32xf32> to vector<128x32xf32>
    %dot_general3A = arith.constant dense<0.000000e+00> : vector<1024x32xf32>
    %dot_general3A_9 = tpu.matmul %get3A_3, %get3A_8, %dot_general3A {dimension_numbers = #tpu.dot_dimension_numbers<[1], [0], [0], [1], [0, 0, 1, 1], [], []>, transpose_lhs_hint = false} : vector<1024x128xf32>, vector<128x32xf32>, vector<1024x32xf32> -> vector<1024x32xf32>
    %swap3A = arith.constant 0 : index
    %swap3A_10 = arith.constant 0 : index
    %swap3A_11 = arith.constant 0 : index
    %swap3A_12 = vector.load %arg4[%swap3A, %swap3A_10, %swap3A_11] : memref<1x1024x32xf32, #tpu.memory_space<vmem>>, vector<1x1024x32xf32>
    %swap3A_13 = vector.shape_cast %swap3A_12 : vector<1x1024x32xf32> to vector<1024x32xf32>
    %swap3A_14 = vector.shape_cast %dot_general3A_9 : vector<1024x32xf32> to vector<1x1024x32xf32>
    tpu.vector_store %arg4[%swap3A, %swap3A_10, %swap3A_11], %swap3A_14 {strides = array<i32>} : memref<1x1024x32xf32, #tpu.memory_space<vmem>>, vector<1x1024x32xf32>,
    return
  }
  func.func @transform_0(%arg0: i32, %arg1: i32) -> (i32, i32, i32) {
    %c0_i32 = arith.constant 0 : i32
    %c0_i32_0 = arith.constant 0 : i32
    return %arg0, %arg1, %c0_i32 : i32, i32, i32
  }
  func.func @transform_1(%arg0: i32, %arg1: i32) -> (i32, i32, i32) {
    %c0_i32 = arith.constant 0 : i32
    %c0_i32_0 = arith.constant 0 : i32
    %c0_i32_1 = arith.constant 0 : i32
    return %arg0, %c0_i32, %c0_i32_0 : i32, i32, i32
  }
  func.func @transform_2(%arg0: i32, %arg1: i32) -> (i32, i32, i32) {
    %c0_i32 = arith.constant 0 : i32
    %c0_i32_0 = arith.constant 0 : i32
    return %arg0, %arg1, %c0_i32 : i32, i32, i32
  }
}

module attributes {stable_mosaic.version = 14 : i64} {
  func.func @_mm2_kernel(%arg0: i32, %arg1: i32, %arg2: memref<1x1024x160xf32, #tpu.memory_space<vmem>>, %arg3: memref<1x160x32xf32, #tpu.memory_space<vmem>>, %arg4: memref<1x1024x32xf32, #tpu.memory_space<vmem>>) attributes {dimension_semantics = [#tpu.dimension_semantics<arbitrary>, #tpu.dimension_semantics<arbitrary>], iteration_bounds = array<i64: 2, 8>, scalar_prefetch = 0 : i64, scratch_operands = 0 : i64, tpu.core_type = #tpu.core_type<tc>, window_params = [{transform_indices = @transform_0, window_bounds = array<i64: 1, 1024, 160>}, {transform_indices = @transform_1, window_bounds = array<i64: 1, 160, 32>}, {transform_indices = @transform_2, window_bounds = array<i64: 1, 1024, 32>}]} {
    %get3A = arith.constant 0 : index
    %get3A_0 = arith.constant 0 : index
    %get3A_1 = arith.constant 0 : index
    %get3A_2 = vector.load %arg2[%get3A, %get3A_0, %get3A_1] : memref<1x1024x160xf32, #tpu.memory_space<vmem>>, vector<1x1024x160xf32>
    %get3A_3 = vector.shape_cast %get3A_2 : vector<1x1024x160xf32> to vector<1024x160xf32>
    %get3A_4 = arith.constant 0 : index
    %get3A_5 = arith.constant 0 : index
    %get3A_6 = arith.constant 0 : index
    %get3A_7 = vector.load %arg3[%get3A_4, %get3A_5, %get3A_6] : memref<1x160x32xf32, #tpu.memory_space<vmem>>, vector<1x160x32xf32>
    %get3A_8 = vector.shape_cast %get3A_7 : vector<1x160x32xf32> to vector<160x32xf32>
    %dot_general3A = arith.constant dense<0.000000e+00> : vector<1024x32xf32>
    %dot_general3A_9 = tpu.matmul %get3A_3, %get3A_8, %dot_general3A {dimension_numbers = #tpu.dot_dimension_numbers<[1], [0], [0], [1], [0, 0, 1, 1], [], []>, transpose_lhs_hint = false} : vector<1024x160xf32>, vector<160x32xf32>, vector<1024x32xf32> -> vector<1024x32xf32>
    %swap3A = arith.constant 0 : index
    %swap3A_10 = arith.constant 0 : index
    %swap3A_11 = arith.constant 0 : index
    %swap3A_12 = vector.load %arg4[%swap3A, %swap3A_10, %swap3A_11] : memref<1x1024x32xf32, #tpu.memory_space<vmem>>, vector<1x1024x32xf32>
    %swap3A_13 = vector.shape_cast %swap3A_12 : vector<1x1024x32xf32> to vector<1024x32xf32>
    %swap3A_14 = vector.shape_cast %dot_general3A_9 : vector<1024x32xf32> to vector<1x1024x32xf32>
    tpu.vector_store %arg4[%swap3A, %swap3A_10, %swap3A_11], %swap3A_14 {strides = array<i32>} : memref<1x1024x32xf32, #tpu.memory_space<vmem>>, vector<1x1024x32xf32>,
    return
  }
  func.func @transform_0(%arg0: i32, %arg1: i32) -> (i32, i32, i32) {
    %c0_i32 = arith.constant 0 : i32
    %c0_i32_0 = arith.constant 0 : i32
    return %arg0, %arg1, %c0_i32 : i32, i32, i32
  }
  func.func @transform_1(%arg0: i32, %arg1: i32) -> (i32, i32, i32) {
    %c0_i32 = arith.constant 0 : i32
    %c0_i32_0 = arith.constant 0 : i32
    %c0_i32_1 = arith.constant 0 : i32
    return %arg0, %c0_i32, %c0_i32_0 : i32, i32, i32
  }
  func.func @transform_2(%arg0: i32, %arg1: i32) -> (i32, i32, i32) {
    %c0_i32 = arith.constant 0 : i32
    %c0_i32_0 = arith.constant 0 : i32
    return %arg0, %arg1, %c0_i32 : i32, i32, i32
  }
}

module attributes {stable_mosaic.version = 14 : i64} {
  func.func @_mm_kernel(%arg0: i32, %arg1: memref<1024x256xf32, #tpu.memory_space<vmem>>, %arg2: memref<256x128xf32, #tpu.memory_space<vmem>>, %arg3: memref<1024x128xf32, #tpu.memory_space<vmem>>) attributes {dimension_semantics = [#tpu.dimension_semantics<arbitrary>], iteration_bounds = array<i64: 8>, scalar_prefetch = 0 : i64, scratch_operands = 0 : i64, tpu.core_type = #tpu.core_type<tc>, window_params = [{transform_indices = @transform_0, window_bounds = array<i64: 1024, 256>}, {pipeline_mode = #tpu.pipeline_mode<synchronous>, transform_indices = @transform_1, window_bounds = array<i64: 256, 128>}, {transform_indices = @transform_2, window_bounds = array<i64: 1024, 128>}]} {
    %get3A = arith.constant 0 : index
    %get3A_0 = arith.constant 0 : index
    %get3A_1 = vector.load %arg1[%get3A, %get3A_0] : memref<1024x256xf32, #tpu.memory_space<vmem>>, vector<1024x256xf32>
    %get3A_2 = arith.constant 0 : index
    %get3A_3 = arith.constant 0 : index
    %get3A_4 = vector.load %arg2[%get3A_2, %get3A_3] : memref<256x128xf32, #tpu.memory_space<vmem>>, vector<256x128xf32>
    %dot_general3A = arith.constant dense<0.000000e+00> : vector<1024x128xf32>
    %dot_general3A_5 = tpu.matmul %get3A_1, %get3A_4, %dot_general3A {dimension_numbers = #tpu.dot_dimension_numbers<[1], [0], [0], [1], [0, 0, 1, 1], [], []>, transpose_lhs_hint = false} : vector<1024x256xf32>, vector<256x128xf32>, vector<1024x128xf32> -> vector<1024x128xf32>
    %swap3A = arith.constant 0 : index
    %swap3A_6 = arith.constant 0 : index
    %swap3A_7 = vector.load %arg3[%swap3A, %swap3A_6] : memref<1024x128xf32, #tpu.memory_space<vmem>>, vector<1024x128xf32>
    tpu.vector_store %arg3[%swap3A, %swap3A_6], %dot_general3A_5 {strides = array<i32>} : memref<1024x128xf32, #tpu.memory_space<vmem>>, vector<1024x128xf32>,
    return
  }
  func.func @transform_0(%arg0: i32) -> (i32, i32) {
    %c0_i32 = arith.constant 0 : i32
    %c0_i32_0 = arith.constant 0 : i32
    return %arg0, %c0_i32 : i32, i32
  }
  func.func @transform_1(%arg0: i32) -> (i32, i32) {
    %c0_i32 = arith.constant 0 : i32
    %c0_i32_0 = arith.constant 0 : i32
    %c0_i32_1 = arith.constant 0 : i32
    return %c0_i32, %c0_i32_0 : i32, i32
  }
  func.func @transform_2(%arg0: i32) -> (i32, i32) {
    %c0_i32 = arith.constant 0 : i32
    %c0_i32_0 = arith.constant 0 : i32
    return %arg0, %c0_i32 : i32, i32
  }
}

</mosaic_0001>

<sc_bundles>
// kernel: kernel.16.cloned.1.call-start
scs
__scs_entry_jumppad:
0x0: {  	(pc) =	sbr.rel $0x88, $3  }
0x1: {  	(tag) =	ssettag $0x0;
	lr =	simm.s32 $0x1  }
0x2: {  	[smem:$0x3F84] =	sst lr;
	_ =	strace $0xD0000000  }
0x3: {  	_ = 	snop  }
0x4: {  	_ = 	snop  }
0x5: {  	_ = 	snop  }
0x6: {  	_ = 	snop  }
0x7: {  	_ = 	snop  }
__scs_overlays_trampoline_lowered:
0x8: {  	[smem:$0x3F93] =	sst s0  }
0x9: {  	[smem:$0x3F94] =	sst s1  }
0xa: {  	[smem:$0x3F95] =	sst s2  }
0xb: {  	[smem:$0x3F96] =	sst s3  }
0xc: {  	[smem:$0x3F97] =	sst s4  }
0xd: {  	[smem:$0x3F98] =	sst s5  }
0xe: {  	[smem:$0x3F99] =	sst s6  }
0xf: {  	[smem:$0x3F9A] =	sst s7  }
0x10: {  	[smem:$0x3F9B] =	sst s8  }
0x11: {  	[smem:$0x3F9C] =	sst s9;
	s0 =	simm.s32 @!p0 $0x0  }
0x12: {  	s1 =	sld [smem:$0x3F82];
	s0 =	simm.s32 @p0 $0x1  }
0x13: {  	[smem:$0x3F9D] =	sst s0;
	s0 =	simm.s32 @!p1 $0x0  }
0x14: {  	s2 =	sld [smem:$0x3F81];
	s0 =	simm.s32 @p1 $0x1  }
0x15: {  	[smem:$0x3F9E] =	sst s0;
	s0 =	simm.s32 @!p2 $0x0  }
0x16: {  	s3 =	sld [smem:$0x3FDB];
	s0 =	simm.s32 @p2 $0x1  }
0x17: {  	s4 =	simm.s32 $0x1BF5;
	[smem:$0x3FA0] =	sst s0  }
0x18: {  	s0 =	sld [smem:$0x3F83];
	_ =	swait.ge [sflag:s4], $0x0  }
0x19: {  	s7 =	sld [smem:$0x3F84]  }
0x1a: {  	s8 =	sadd.s32 $0xFFFFE003, lr  }
0x1b: {  	s9 =	sadd.s32 $0xFFFFFEF7, lr;
	s5 =	simm.s32 $0xFFFFFFFF;
	p2 =	slt.u32 s8, $0xFFFFF086  }
0x1c: {  	p1 =	slt.u32 s9, $0xF7A;
	s5 =	simm.s32 @!p2 $0x0  }
0x1d: {  	s5 =	simm.s32 @p1 $0x1;
	p0 =	seq.s32 s7, s2  }
0x1e: {  	s7 =	smul.u32 @!p0 $0xF7A, s2;
	p2 =	seq.s32 @!p0 s5, $0x0  }
0x1f: {  	s9 =	smul.u32 $0xF7A, s1;
	s8 =	simm.s32 @!p0 $0x1BF5;
	p2 =	por !p2, p0  }
0x20: {  	[sflag:s8] =	ssyncset.s32 @!p0 $0xFFFFF086;
	s6 =	sadd.s32 @!p0 s3, s7;
	s7 =	simm.s32 @!p0 $0x108  }
0x21: {  	s3 =	sadd.s32 s3, s9;
	s6 =	sadd.s32 @!p0 $0x88, s6;
	s7 =	simm.s32 @p2 $0x1082  }
0x22: {  	[simem:s7], [sflag:s8] =	dma.local @!p0 [hbm:s6], $0xF7A  }
0x23: {  	s9 =	sor.u32 $0xD0000000, s2;
	s6 =	simm.s32 $0x108;
	_ =	swait.ge @!p0 [sflag:s8], $0x0  }
0x24: {  	s3 =	sadd.s32 $0x88, s3;
	s6 =	simm.s32 @!p1 $0x1082;
	[sflag:s4] =	ssyncset.s32 $0xFFFFF086  }
0x25: {  	[simem:s6], [sflag:s4] =	dma.local [hbm:s3], $0xF7A  }
0x26: {  	[smem:$0x3F84] =	sst s1;
	(tag) =	ssettag s2;
	_ =	strace s9  }
0x27: {  	s1 =	sld [smem:$0x3F94]  }
0x28: {  	s2 =	sld [smem:$0x3F95]  }
0x29: {  	s4 =	sld [smem:$0x3F97]  }
0x2a: {  	p0 =	seq.s32 s5, $0x0;
	s5 =	sld [smem:$0x3F98]  }
0x2b: {  	s6 =	sld [smem:$0x3F99]  }
0x2c: {  	s7 =	sld [smem:$0x3F9A]  }
0x2d: {  	s3 =	simm.s32 $0x108;
	s8 =	sld [smem:$0x3F9B]  }
0x2e: {  	s3 =	simm.s32 @!p0 $0x1082;
	s9 =	sld [smem:$0x3F9C]  }
0x2f: {  	lr =	sadd.s32 s0, s3;
	s0 =	sld [smem:$0x3F93]  }
0x30: {  	s3 =	sld [smem:$0x3F96]  }
0x31: {  	[smem:$0x3F9F] =	sst s10  }
0x32: {  	s10 =	sld [smem:$0x3F9D];
	_ =	sdelay $0x3  }
0x33: {  	p0 =	seq.s32 s10, $0x1;
	s10 =	sld [smem:$0x3F9F];
	_ =	sdelay $0x3  }
0x34: {  	[smem:$0x3F9F] =	sst s10  }
0x35: {  	s10 =	sld [smem:$0x3F9E];
	_ =	sdelay $0x3  }
0x36: {  	p1 =	seq.s32 s10, $0x1;
	s10 =	sld [smem:$0x3F9F];
	_ =	sdelay $0x3  }
0x37: {  	[smem:$0x3F9F] =	sst s10  }
0x38: {  	s10 =	sld [smem:$0x3FA0]  }
0x39: {  	_ = 	snop;
	(pc) =	sbr.ind lr, $3  }
0x3a: {  	_ = 	snop  }
0x3b: {  	_ = 	snop  }
0x3c: {  	p2 =	seq.s32 s10, $0x1;
	s10 =	sld [smem:$0x3F9F]  }
0x3d: {  	_ =	shalt  }
0x3e: {  	_ =	shalt  }
0x3f: {  	_ =	shalt  }
0x40: {  	_ =	shalt  }
0x41: {  	_ =	shalt  }
0x42: {  	_ =	shalt  }
0x43: {  	_ =	shalt  }
0x44: {  	_ =	shalt  }
0x45: {  	_ =	shalt  }
0x46: {  	_ =	shalt  }
0x47: {  	_ =	shalt  }
0x48: {  	_ =	shalt  }
0x49: {  	_ =	shalt  }
0x4a: {  	_ =	shalt  }
0x4b: {  	_ =	shalt  }
0x4c: {  	_ =	shalt  }
0x4d: {  	_ =	shalt  }
0x4e: {  	_ =	shalt  }
0x4f: {  	_ =	shalt  }
0x50: {  	_ =	shalt  }
0x51: {  	_ =	shalt  }
0x52: {  	_ =	shalt  }
0x53: {  	_ =	shalt  }
0x54: {  	_ =	shalt  }
0x55: {  	_ =	shalt  }
0x56: {  	_ =	shalt  }
0x57: {  	_ =	shalt  }
0x58: {  	_ =	shalt  }
0x59: {  	_ =	shalt  }
0x5a: {  	_ =	shalt  }
0x5b: {  	_ =	shalt  }
0x5c: {  	_ =	shalt  }
0x5d: {  	_ =	shalt  }
0x5e: {  	_ =	shalt  }
0x5f: {  	_ =	shalt  }
0x60: {  	_ =	shalt  }
0x61: {  	_ =	shalt  }
0x62: {  	_ =	shalt  }
0x63: {  	_ =	shalt  }
0x64: {  	_ =	shalt  }
0x65: {  	_ =	shalt  }
0x66: {  	_ =	shalt  }
0x67: {  	_ =	shalt  }
0x68: {  	_ =	shalt  }
0x69: {  	_ =	shalt  }
0x6a: {  	_ =	shalt  }
0x6b: {  	_ =	shalt  }
0x6c: {  	_ =	shalt  }
0x6d: {  	_ =	shalt  }
0x6e: {  	_ =	shalt  }
0x6f: {  	_ =	shalt  }
0x70: {  	_ =	shalt  }
0x71: {  	_ =	shalt  }
0x72: {  	_ =	shalt  }
0x73: {  	_ =	shalt  }
0x74: {  	_ =	shalt  }
0x75: {  	_ =	shalt  }
0x76: {  	_ =	shalt  }
0x77: {  	_ =	shalt  }
0x78: {  	_ =	shalt  }
0x79: {  	_ =	shalt  }
0x7a: {  	_ =	shalt  }
0x7b: {  	_ =	shalt  }
0x7c: {  	_ =	shalt  }
0x7d: {  	_ =	shalt  }
0x7e: {  	_ =	shalt  }
0x7f: {  	_ =	shalt  }
0x80: {  	_ =	shalt  }
0x81: {  	_ =	shalt  }
0x82: {  	_ =	shalt  }
0x83: {  	_ =	shalt  }
0x84: {  	_ =	shalt  }
0x85: {  	_ =	shalt  }
0x86: {  	_ =	shalt  }
0x87: {  	_ =	shalt  }
.Lfunc_end0:
.L_simem_size_0:
called_computation_lowered:
.L_overlay_start_0:
0x88: {  	s2 =	sld [smem:$0x3FD9]  }
0x89: {  	s3 =	sld [smem:$0x3FFE];
	_ =	sdelay $0x1  }
0x8a: {  	s1 =	srdreg.scid  }
0x8b: {  	s0 =	sand.u32 $0x1, s1  }
0x8c: {  	s17 =	sshll.u32 s0, $0xA;
	s2 =	sadd.s32 s3, s2  }
0x8d: {  	s2 =	sadd.s32 s2, s17  }
0x8e: {  	[smem:$0x3FAB] =	sst s2  }
0x8f: {  	_ = 	snop  }
0x90: {  	s2 =	sld [smem:$0x3FD0];
	(tm) =	ssettm $0x1  }
0x91: {  	s18 =	sld [smem:$0x3FFB];
	_ =	sdelay $0x3  }
0x92: {  	_ =	strace s18  }
0x93: {  	s3 =	sld [smem:$0x3FFC];
	_ =	sdelay $0x3  }
0x94: {  	_ =	strace s3  }
0x95: {  	s3 =	sld [smem:$0x3FFD];
	_ =	sdelay $0x3  }
0x96: {  	_ =	strace s3  }
0x97: {  	_ =	strace $0x8FFFFFFF  }
0x98: {  	s19 =	sld [smem:$0x3FDB];
	_ =	sdelay $0x1  }
0x99: {  	s4 =	simm.s32 $_scs_section_size  }
0x9a: {  	s5 =	simm.s32 $_size__tile_overlayer_lowered;
	s6 =	simm.s32 $_tile_overlayer_lowered  }
0x9b: {  	s22 =	simm.s32 $0x1BFF;
	s21 =	sshll.u32 s6, $0x1;
	s3 =	sadd.s32 s4, s19  }
0x9c: {  	s7 =	simm.s32 $0x0;
	s20 =	sshll.u32 s5, $0x1;
	s5 =	sadd.s32 s21, s3  }
0x9d: {  	[timem:s7], [sflag:s22] =	dma.local [hbm:s5], s20  }
0x9e: {  	_ =	swait.ge [sflag:s22], s20  }
0x9f: {  	s4 =	ssub.s32 $0x0, s20;
	[sflag:s22] =	ssyncset.done $0x0  }
0xa0: {  	[sflag:s22] =	ssyncadd.s32 s4;
	_ =	sdelay $0x1  }
0xa1: {  	s23 =	simm.s32 $0x1B8B  }
0xa2: {  	_ =	swait.ge [sflag:s23], $0x1  }
0xa3: {  	[sflag:s23] =	ssyncset.done $0x0  }
0xa4: {  	s25 =	simm.s32 $0x1B8E;
	s24 =	sld [smem:$0x3FFE];
	[sflag:s23] =	ssyncadd.s32 $0xFFFFFFFF  }
0xa5: {  	s26 =	simm.s32 $execute0_lowered;
	[smem:$0x3FD2] =	sst s25  }
0xa6: {  	s5 =	sshll.u32 s26, $0x1;
	_ =	strace $0x80000046;
	[dreg:$0x1] =	wrdreg $0xFFFFFFFF  }
0xa7: {  	s28 =	simm.s32 $_size_execute0_lowered;
	s3 =	sadd.s32 s3, s5;
	[dreg:$0x0] =	wrdreg $0x0  }
0xa8: {  	s5 =	sshll.u32 s28, $0x1;
	[dreg:$0x2] =	wrdreg s3  }
0xa9: {  	[dreg:$0x3] =	wrdreg s5  }
0xaa: {  	[dreg:$0x4] =	wrdreg $0xC0  }
0xab: {  	_ =	task [dreg:s7], $0x5FFFF  }
0xac: {  	[dreg:$0x1] =	wrdreg $0xFFFFFFFF  }
0xad: {  	[dreg:$0x0] =	wrdreg $0x60  }
0xae: {  	[dreg:$0x2] =	wrdreg s2  }
0xaf: {  	[dreg:$0x3] =	wrdreg s24  }
0xb0: {  	[dreg:$0x4] =	wrdreg $0x9  }
0xb1: {  	_ =	task.clear_ibuf [dreg:s7], $0x5FFFF;
	_ =	strace $0x90000046  }
0xb2: {  	s29 =	simm.s32 $0x9;
	_ =	strace $0x80000048  }
0xb3: {  	_ =	swait.ge [sflag:s29], $0x1  }
0xb4: {  	[sflag:s29] =	ssyncadd.s32 $0xFFFFFFFF  }
0xb5: {  	_ =	strace $0x90000048  }
0xb6: {  	_ =	sfence  }
0xb7: {  	s30 =	sld [smem:$0x0];
	_ =	sdelay $0x2  }
0xb8: {  	s31 =	sshll.u32 s1, $0xD;
	s1 =	sshrl.u32 s1, $0x2  }
0xb9: {  	s3 =	sand.u32 $0x4000, s31;
	s1 =	sadd.s32 s1, s30  }
0xba: {  	s0 =	sor.u32 s3, s0;
	s1 =	sshll.u32 s1, $0x11  }
0xbb: {  	s0 =	sor.u32 s1, s0  }
0xbc: {  	s0 =	sadd.s32 $0x8F2B, s0  }
0xbd: {  	[sflag:s0] =	ssyncadd.remote.s32 $0x1  }
0xbe: {  	_ =	sfence.sel $0xFFFF  }
0xbf: {  	[dreg:$0x0] =	wrdreg $0xFFFFFFFF;
	(pc) =	sbr.abs _section_cstart, $3  }
0xc0: {  	[dreg:$0x1] =	wrdreg $0xFFFFFFFF  }
0xc1: {  	_ =	task.clear_ibuf [dreg:s7], $0x2FFFF;
	_ =	strace $0x9FFFFFFF  }
0xc2: {  	(tm) =	ssettm $0x7FFFFFFF  }
0xc3: {  	_ =	shalt  }
tec
execute0_lowered:
.L_overlay_start_1:
0x0: {  	(tag) =	ssettag $0x1  }
0x1: {  	s1 =	rddreg [dreg:$0x0]  }
0x2: {  	s4 =	rddreg [dreg:$0x1]  }
0x3: {  	s0 =	rddreg [dreg:$0x2]  }
0x4: {  	s5 =	srdreg.scid;
	s3 =	simm.s32 $0x0;
	s2 =	stileid.u32  }
0x5: {  	s10 =	simm.s32 $0x3000;
	s11 =	simm.s32 $0x4000;
	s12 =	simm.s32 $0x5000  }
0x6: {  	s13 =	simm.s32 $0x6000;
	s14 =	simm.s32 $0x7000;
	s15 =	simm.s32 $0x8000  }
0x7: {  	s16 =	simm.s32 $0x9000;
	s17 =	simm.s32 $0x1;
	s18 =	simm.s32 $0x0  }
0x8: {  	s5 =	sand.u32 $0x1, s5;
	[smem:$0x7FF] =	sst s3;
	s6 =	sshll.u32 s2, $0xE  }
0x9: {  	s30 =	sshll.u32 s2, $0x10;
	s7 =	sshll.u32 s5, $0xD;
	_ =	strace $0x80000047  }
0xa: {  	s8 =	ssub.s32 $0x2, s5;
	s5 =	sshll.u32 s5, $0xF;
	s6 =	sor.u32 s7, s6  }
0xb: {  	s7 =	sadd.s32 s30, s4;
	s9 =	sshrl.u32 s8, $0x1;
	s6 =	sshrl.u32 s6, $0x3  }
0xc: {  	s31 =	ssub.s32 s8, s9;
	s7 =	sadd.s32 s5, s7;
	s8 =	simm.s32 $0x80  }
0xd: {  	s9 =	simm.s32 $0x2000;
	s4 =	sadd.s32 s6, s4;
	s5 =	smax.u32 s31, $0x1  }
0xe: {  	s6 =	sadd.s32 $0x6BE00, s7;
	s7 =	simm.s32 $0x2;
	s4 =	sadd.s32 $0x3E00, s4  }
.LBB2_1:
0xf: {  	[tilespmem:s3], [sflag:$0x2] =	stream.linear.gather [hbm4b:s4+s3], $0x2000, $0x38;
	[tilespmem:$0xA000] =	vst v63  }
0x10: {  	_ =	swait.ge [sflag:s7], $0x2000  }
0x11: {  	[sflag:s7] =	ssyncset.done $0x0  }
0x12: {  	s19 =	simm.s32 $0x0;
	[sflag:s7] =	ssyncadd.s32 $0xFFFFE000  }
0x13: {  	[tilespmem:s9], [sflag:$0x1] =	stream.indirect.gather [hbm4b:s1+s8], $0x20, s19, s8, $0xb8;
	[tilespmem:$0xA000] =	vst v63  }
0x14: {  	s30 =	simm.s32 $0x80  }
0x15: {  	[tilespmem:s10], [sflag:$0x1] =	stream.indirect.gather [hbm4b:s1+s8], $0x20, s30, s8, $0xb8;
	[tilespmem:$0xA000] =	vst v63  }
0x16: {  	s31 =	simm.s32 $0x100  }
0x17: {  	[tilespmem:s11], [sflag:$0x1] =	stream.indirect.gather [hbm4b:s1+s8], $0x20, s31, s8, $0xb8;
	[tilespmem:$0xA000] =	vst v63  }
0x18: {  	s20 =	simm.s32 $0x180  }
0x19: {  	[tilespmem:s12], [sflag:$0x1] =	stream.indirect.gather [hbm4b:s1+s8], $0x20, s20, s8, $0xb8;
	[tilespmem:$0xA000] =	vst v63  }
0x1a: {  	s21 =	simm.s32 $0x200  }
0x1b: {  	[tilespmem:s13], [sflag:$0x1] =	stream.indirect.gather [hbm4b:s1+s8], $0x20, s21, s8, $0xb8;
	[tilespmem:$0xA000] =	vst v63  }
0x1c: {  	s22 =	simm.s32 $0x280  }
0x1d: {  	[tilespmem:s14], [sflag:$0x1] =	stream.indirect.gather [hbm4b:s1+s8], $0x20, s22, s8, $0xb8;
	[tilespmem:$0xA000] =	vst v63  }
0x1e: {  	s23 =	simm.s32 $0x300  }
0x1f: {  	[tilespmem:s15], [sflag:$0x1] =	stream.indirect.gather [hbm4b:s1+s8], $0x20, s23, s8, $0xb8;
	[tilespmem:$0xA000] =	vst v63  }
0x20: {  	s24 =	simm.s32 $0x380  }
0x21: {  	[tilespmem:s16], [sflag:$0x1] =	stream.indirect.gather [hbm4b:s1+s8], $0x20, s24, s8, $0xb8;
	[tilespmem:$0xA000] =	vst v63  }
0x22: {  	_ =	swait.ge [sflag:s17], $0x1000  }
0x23: {  	[sflag:s17] =	ssyncset.done $0x0  }
0x24: {  	[sflag:s17] =	ssyncadd.s32 $0xFFFFF000  }
0x25: {  	_ =	swait.ge [sflag:s17], $0x1000  }
0x26: {  	[sflag:s17] =	ssyncset.done $0x0  }
0x27: {  	[sflag:s17] =	ssyncadd.s32 $0xFFFFF000  }
0x28: {  	_ =	swait.ge [sflag:s17], $0x1000  }
0x29: {  	[sflag:s17] =	ssyncset.done $0x0  }
0x2a: {  	[sflag:s17] =	ssyncadd.s32 $0xFFFFF000  }
0x2b: {  	_ =	swait.ge [sflag:s17], $0x1000  }
0x2c: {  	[sflag:s17] =	ssyncset.done $0x0  }
0x2d: {  	[sflag:s17] =	ssyncadd.s32 $0xFFFFF000  }
0x2e: {  	_ =	swait.ge [sflag:s17], $0x1000  }
0x2f: {  	[sflag:s17] =	ssyncset.done $0x0  }
0x30: {  	[sflag:s17] =	ssyncadd.s32 $0xFFFFF000  }
0x31: {  	_ =	swait.ge [sflag:s17], $0x1000  }
0x32: {  	[sflag:s17] =	ssyncset.done $0x0  }
0x33: {  	[sflag:s17] =	ssyncadd.s32 $0xFFFFF000  }
0x34: {  	_ =	swait.ge [sflag:s17], $0x1000  }
0x35: {  	[sflag:s17] =	ssyncset.done $0x0  }
0x36: {  	[sflag:s17] =	ssyncadd.s32 $0xFFFFF000  }
0x37: {  	_ =	swait.ge [sflag:s17], $0x1000  }
0x38: {  	[sflag:s17] =	ssyncset.done $0x0  }
0x39: {  	s25 =	sadd.s32 $0x0, s6;
	[sflag:s17] =	ssyncadd.s32 $0xFFFFF000  }
0x3a: {  	[hbm4b:s25+s3] =	stream.linear.scatter [tilespmem:s9], [sflag:$0x2], $0x1000, $0x38;
	[tilespmem:$0xA000] =	vst v63  }
0x3b: {  	_ =	swait.ge [sflag:s7], $0x1000  }
0x3c: {  	[sflag:s7] =	ssyncset.done $0x0  }
0x3d: {  	s20 =	sadd.s32 $0x200, s25;
	[sflag:s7] =	ssyncadd.s32 $0xFFFFF000  }
0x3e: {  	[hbm4b:s20+s3] =	stream.linear.scatter [tilespmem:s10], [sflag:$0x2], $0x1000, $0x38;
	[tilespmem:$0xA000] =	vst v63  }
0x3f: {  	_ =	swait.ge [sflag:s7], $0x1000  }
0x40: {  	[sflag:s7] =	ssyncset.done $0x0  }
0x41: {  	s26 =	sadd.s32 $0x400, s25;
	[sflag:s7] =	ssyncadd.s32 $0xFFFFF000  }
0x42: {  	[hbm4b:s26+s3] =	stream.linear.scatter [tilespmem:s11], [sflag:$0x2], $0x1000, $0x38;
	[tilespmem:$0xA000] =	vst v63  }
0x43: {  	_ =	swait.ge [sflag:s7], $0x1000  }
0x44: {  	[sflag:s7] =	ssyncset.done $0x0  }
0x45: {  	s28 =	sadd.s32 $0x600, s25;
	[sflag:s7] =	ssyncadd.s32 $0xFFFFF000  }
0x46: {  	[hbm4b:s28+s3] =	stream.linear.scatter [tilespmem:s12], [sflag:$0x2], $0x1000, $0x38;
	[tilespmem:$0xA000] =	vst v63  }
0x47: {  	_ =	swait.ge [sflag:s7], $0x1000  }
0x48: {  	[sflag:s7] =	ssyncset.done $0x0  }
0x49: {  	s29 =	sadd.s32 $0x800, s25;
	[sflag:s7] =	ssyncadd.s32 $0xFFFFF000  }
0x4a: {  	[hbm4b:s29+s3] =	stream.linear.scatter [tilespmem:s13], [sflag:$0x2], $0x1000, $0x38;
	[tilespmem:$0xA000] =	vst v63  }
0x4b: {  	_ =	swait.ge [sflag:s7], $0x1000  }
0x4c: {  	[sflag:s7] =	ssyncset.done $0x0  }
0x4d: {  	s30 =	sadd.s32 $0xA00, s25;
	[sflag:s7] =	ssyncadd.s32 $0xFFFFF000  }
0x4e: {  	[hbm4b:s30+s3] =	stream.linear.scatter [tilespmem:s14], [sflag:$0x2], $0x1000, $0x38;
	[tilespmem:$0xA000] =	vst v63  }
0x4f: {  	_ =	swait.ge [sflag:s7], $0x1000  }
0x50: {  	[sflag:s7] =	ssyncset.done $0x0  }
0x51: {  	s31 =	sadd.s32 $0xC00, s25;
	[sflag:s7] =	ssyncadd.s32 $0xFFFFF000  }
0x52: {  	[hbm4b:s31+s3] =	stream.linear.scatter [tilespmem:s15], [sflag:$0x2], $0x1000, $0x38;
	[tilespmem:$0xA000] =	vst v63  }
0x53: {  	_ =	swait.ge [sflag:s7], $0x1000  }
0x54: {  	[sflag:s7] =	ssyncset.done $0x0  }
0x55: {  	s19 =	sadd.s32 $0xE00, s25;
	[sflag:s7] =	ssyncadd.s32 $0xFFFFF000  }
0x56: {  	[hbm4b:s19+s3] =	stream.linear.scatter [tilespmem:s16], [sflag:$0x2], $0x1000, $0x38;
	[tilespmem:$0xA000] =	vst v63  }
0x57: {  	_ =	swait.ge [sflag:s7], $0x1000  }
0x58: {  	s22 =	simm.s32 $0x2000;
	s19 =	simm.s32 $0x1000;
	[sflag:s7] =	ssyncset.done $0x0  }
.LBB2_2:
0x59: {  	s23 =	sshra.s32 s19, $0x2  }
0x5a: {  	[sflag:s7] =	ssyncadd.s32 $0xFFFFF000;
	s21 =	smov.u32 s22;
	s20 =	sadd.s32 $0x1000, s22  }
0x5b: {  	[tilespmem:s9], [sflag:$0x1] =	stream.indirect.gather [hbm4b:s1+s8], $0x20, s23, s8, $0xb8;
	[tilespmem:$0xA000] =	vst v63  }
0x5c: {  	p0 =	sne.s32 s22, $0x7000;
	s22 =	sadd.s32 $0x80, s23  }
0x5d: {  	[tilespmem:s10], [sflag:$0x1] =	stream.indirect.gather [hbm4b:s1+s8], $0x20, s22, s8, $0xb8;
	[tilespmem:$0xA000] =	vst v63  }
0x5e: {  	s22 =	sadd.s32 $0x100, s23  }
0x5f: {  	[tilespmem:s11], [sflag:$0x1] =	stream.indirect.gather [hbm4b:s1+s8], $0x20, s22, s8, $0xb8;
	[tilespmem:$0xA000] =	vst v63  }
0x60: {  	s22 =	sadd.s32 $0x180, s23  }
0x61: {  	[tilespmem:s12], [sflag:$0x1] =	stream.indirect.gather [hbm4b:s1+s8], $0x20, s22, s8, $0xb8;
	[tilespmem:$0xA000] =	vst v63  }
0x62: {  	s22 =	sadd.s32 $0x200, s23  }
0x63: {  	[tilespmem:s13], [sflag:$0x1] =	stream.indirect.gather [hbm4b:s1+s8], $0x20, s22, s8, $0xb8;
	[tilespmem:$0xA000] =	vst v63  }
0x64: {  	s22 =	sadd.s32 $0x280, s23  }
0x65: {  	[tilespmem:s14], [sflag:$0x1] =	stream.indirect.gather [hbm4b:s1+s8], $0x20, s22, s8, $0xb8;
	[tilespmem:$0xA000] =	vst v63  }
0x66: {  	s22 =	sadd.s32 $0x300, s23  }
0x67: {  	[tilespmem:s15], [sflag:$0x1] =	stream.indirect.gather [hbm4b:s1+s8], $0x20, s22, s8, $0xb8;
	[tilespmem:$0xA000] =	vst v63  }
0x68: {  	s22 =	sadd.s32 $0x380, s23  }
0x69: {  	[tilespmem:s16], [sflag:$0x1] =	stream.indirect.gather [hbm4b:s1+s8], $0x20, s22, s8, $0xb8;
	[tilespmem:$0xA000] =	vst v63  }
0x6a: {  	_ =	swait.ge [sflag:s17], $0x1000  }
0x6b: {  	[sflag:s17] =	ssyncset.done $0x0  }
0x6c: {  	[sflag:s17] =	ssyncadd.s32 $0xFFFFF000  }
0x6d: {  	_ =	swait.ge [sflag:s17], $0x1000  }
0x6e: {  	[sflag:s17] =	ssyncset.done $0x0  }
0x6f: {  	[sflag:s17] =	ssyncadd.s32 $0xFFFFF000  }
0x70: {  	_ =	swait.ge [sflag:s17], $0x1000  }
0x71: {  	[sflag:s17] =	ssyncset.done $0x0  }
0x72: {  	[sflag:s17] =	ssyncadd.s32 $0xFFFFF000  }
0x73: {  	_ =	swait.ge [sflag:s17], $0x1000  }
0x74: {  	[sflag:s17] =	ssyncset.done $0x0  }
0x75: {  	[sflag:s17] =	ssyncadd.s32 $0xFFFFF000  }
0x76: {  	_ =	swait.ge [sflag:s17], $0x1000  }
0x77: {  	[sflag:s17] =	ssyncset.done $0x0  }
0x78: {  	[sflag:s17] =	ssyncadd.s32 $0xFFFFF000  }
0x79: {  	_ =	swait.ge [sflag:s17], $0x1000  }
0x7a: {  	[sflag:s17] =	ssyncset.done $0x0  }
0x7b: {  	[sflag:s17] =	ssyncadd.s32 $0xFFFFF000  }
0x7c: {  	_ =	swait.ge [sflag:s17], $0x1000  }
0x7d: {  	[sflag:s17] =	ssyncset.done $0x0  }
0x7e: {  	[sflag:s17] =	ssyncadd.s32 $0xFFFFF000  }
0x7f: {  	_ =	swait.ge [sflag:s17], $0x1000  }
0x80: {  	[sflag:s17] =	ssyncset.done $0x0  }
0x81: {  	s22 =	sadd.s32 s19, s6;
	s19 =	smov.u32 s21;
	[sflag:s17] =	ssyncadd.s32 $0xFFFFF000  }
0x82: {  	[hbm4b:s22+s3] =	stream.linear.scatter [tilespmem:s9], [sflag:$0x2], $0x1000, $0x38;
	[tilespmem:$0xA000] =	vst v63  }
0x83: {  	_ =	swait.ge [sflag:s7], $0x1000  }
0x84: {  	[sflag:s7] =	ssyncset.done $0x0  }
0x85: {  	s21 =	sadd.s32 $0x200, s22;
	[sflag:s7] =	ssyncadd.s32 $0xFFFFF000  }
0x86: {  	[hbm4b:s21+s3] =	stream.linear.scatter [tilespmem:s10], [sflag:$0x2], $0x1000, $0x38;
	[tilespmem:$0xA000] =	vst v63  }
0x87: {  	_ =	swait.ge [sflag:s7], $0x1000  }
0x88: {  	[sflag:s7] =	ssyncset.done $0x0  }
0x89: {  	s21 =	sadd.s32 $0x400, s22;
	[sflag:s7] =	ssyncadd.s32 $0xFFFFF000  }
0x8a: {  	[hbm4b:s21+s3] =	stream.linear.scatter [tilespmem:s11], [sflag:$0x2], $0x1000, $0x38;
	[tilespmem:$0xA000] =	vst v63  }
0x8b: {  	_ =	swait.ge [sflag:s7], $0x1000  }
0x8c: {  	[sflag:s7] =	ssyncset.done $0x0  }
0x8d: {  	s21 =	sadd.s32 $0x600, s22;
	[sflag:s7] =	ssyncadd.s32 $0xFFFFF000  }
0x8e: {  	[hbm4b:s21+s3] =	stream.linear.scatter [tilespmem:s12], [sflag:$0x2], $0x1000, $0x38;
	[tilespmem:$0xA000] =	vst v63  }
0x8f: {  	_ =	swait.ge [sflag:s7], $0x1000  }
0x90: {  	[sflag:s7] =	ssyncset.done $0x0  }
0x91: {  	s21 =	sadd.s32 $0x800, s22;
	[sflag:s7] =	ssyncadd.s32 $0xFFFFF000  }
0x92: {  	[hbm4b:s21+s3] =	stream.linear.scatter [tilespmem:s13], [sflag:$0x2], $0x1000, $0x38;
	[tilespmem:$0xA000] =	vst v63  }
0x93: {  	_ =	swait.ge [sflag:s7], $0x1000  }
0x94: {  	[sflag:s7] =	ssyncset.done $0x0  }
0x95: {  	s21 =	sadd.s32 $0xA00, s22;
	[sflag:s7] =	ssyncadd.s32 $0xFFFFF000  }
0x96: {  	[hbm4b:s21+s3] =	stream.linear.scatter [tilespmem:s14], [sflag:$0x2], $0x1000, $0x38;
	[tilespmem:$0xA000] =	vst v63  }
0x97: {  	_ =	swait.ge [sflag:s7], $0x1000  }
0x98: {  	[sflag:s7] =	ssyncset.done $0x0  }
0x99: {  	s21 =	sadd.s32 $0xC00, s22;
	[sflag:s7] =	ssyncadd.s32 $0xFFFFF000  }
0x9a: {  	[hbm4b:s21+s3] =	stream.linear.scatter [tilespmem:s15], [sflag:$0x2], $0x1000, $0x38;
	[tilespmem:$0xA000] =	vst v63  }
0x9b: {  	_ =	swait.ge [sflag:s7], $0x1000  }
.Ltmp0:
0x9c: {  	[sflag:s7] =	ssyncset.done $0x0;
	(pc) =	sbr.rel @p0 .LBB2_2-.Ltmp0, $4  }
0x9d: {  	s21 =	sadd.s32 $0xE00, s22;
	[sflag:s7] =	ssyncadd.s32 $0xFFFFF000  }
0x9e: {  	[hbm4b:s21+s3] =	stream.linear.scatter [tilespmem:s16], [sflag:$0x2], $0x1000, $0x38;
	[tilespmem:$0xA000] =	vst v63  }
0x9f: {  	_ =	swait.ge [sflag:s7], $0x1000  }
0xa0: {  	s22 =	smov.u32 s20;
	[sflag:s7] =	ssyncset.done $0x0  }
0xa1: {  	s20 =	sshra.s32 s19, $0x2;
	[sflag:s7] =	ssyncadd.s32 $0xFFFFF000  }
0xa2: {  	[tilespmem:s9], [sflag:$0x1] =	stream.indirect.gather [hbm4b:s1+s8], $0x20, s20, s8, $0xb8;
	[tilespmem:$0xA000] =	vst v63  }
0xa3: {  	s21 =	sadd.s32 $0x80, s20  }
0xa4: {  	[tilespmem:s10], [sflag:$0x1] =	stream.indirect.gather [hbm4b:s1+s8], $0x20, s21, s8, $0xb8;
	[tilespmem:$0xA000] =	vst v63  }
0xa5: {  	s29 =	sadd.s32 $0x100, s20  }
0xa6: {  	[tilespmem:s11], [sflag:$0x1] =	stream.indirect.gather [hbm4b:s1+s8], $0x20, s29, s8, $0xb8;
	[tilespmem:$0xA000] =	vst v63  }
0xa7: {  	s30 =	sadd.s32 $0x180, s20  }
0xa8: {  	[tilespmem:s12], [sflag:$0x1] =	stream.indirect.gather [hbm4b:s1+s8], $0x20, s30, s8, $0xb8;
	[tilespmem:$0xA000] =	vst v63  }
0xa9: {  	s31 =	sadd.s32 $0x200, s20  }
0xaa: {  	[tilespmem:s13], [sflag:$0x1] =	stream.indirect.gather [hbm4b:s1+s8], $0x20, s31, s8, $0xb8;
	[tilespmem:$0xA000] =	vst v63  }
0xab: {  	s22 =	sadd.s32 $0x280, s20  }
0xac: {  	[tilespmem:s14], [sflag:$0x1] =	stream.indirect.gather [hbm4b:s1+s8], $0x20, s22, s8, $0xb8;
	[tilespmem:$0xA000] =	vst v63  }
0xad: {  	s23 =	sadd.s32 $0x300, s20  }
0xae: {  	[tilespmem:s15], [sflag:$0x1] =	stream.indirect.gather [hbm4b:s1+s8], $0x20, s23, s8, $0xb8;
	[tilespmem:$0xA000] =	vst v63  }
0xaf: {  	s20 =	sadd.s32 $0x380, s20  }
0xb0: {  	[tilespmem:s16], [sflag:$0x1] =	stream.indirect.gather [hbm4b:s1+s8], $0x20, s20, s8, $0xb8;
	[tilespmem:$0xA000] =	vst v63  }
0xb1: {  	_ =	swait.ge [sflag:s17], $0x1000  }
0xb2: {  	[sflag:s17] =	ssyncset.done $0x0  }
0xb3: {  	[sflag:s17] =	ssyncadd.s32 $0xFFFFF000  }
0xb4: {  	_ =	swait.ge [sflag:s17], $0x1000  }
0xb5: {  	[sflag:s17] =	ssyncset.done $0x0  }
0xb6: {  	[sflag:s17] =	ssyncadd.s32 $0xFFFFF000  }
0xb7: {  	_ =	swait.ge [sflag:s17], $0x1000  }
0xb8: {  	[sflag:s17] =	ssyncset.done $0x0  }
0xb9: {  	[sflag:s17] =	ssyncadd.s32 $0xFFFFF000  }
0xba: {  	_ =	swait.ge [sflag:s17], $0x1000  }
0xbb: {  	[sflag:s17] =	ssyncset.done $0x0  }
0xbc: {  	[sflag:s17] =	ssyncadd.s32 $0xFFFFF000  }
0xbd: {  	_ =	swait.ge [sflag:s17], $0x1000  }
0xbe: {  	[sflag:s17] =	ssyncset.done $0x0  }
0xbf: {  	[sflag:s17] =	ssyncadd.s32 $0xFFFFF000  }
0xc0: {  	_ =	swait.ge [sflag:s17], $0x1000  }
0xc1: {  	[sflag:s17] =	ssyncset.done $0x0  }
0xc2: {  	[sflag:s17] =	ssyncadd.s32 $0xFFFFF000  }
0xc3: {  	_ =	swait.ge [sflag:s17], $0x1000  }
0xc4: {  	[sflag:s17] =	ssyncset.done $0x0  }
0xc5: {  	[sflag:s17] =	ssyncadd.s32 $0xFFFFF000  }
0xc6: {  	_ =	swait.ge [sflag:s17], $0x1000  }
0xc7: {  	[sflag:s17] =	ssyncset.done $0x0  }
0xc8: {  	s24 =	sadd.s32 s19, s6;
	[sflag:s17] =	ssyncadd.s32 $0xFFFFF000  }
0xc9: {  	[hbm4b:s24+s3] =	stream.linear.scatter [tilespmem:s9], [sflag:$0x2], $0x1000, $0x38;
	[tilespmem:$0xA000] =	vst v63  }
0xca: {  	_ =	swait.ge [sflag:s7], $0x1000  }
0xcb: {  	[sflag:s7] =	ssyncset.done $0x0  }
0xcc: {  	s25 =	sadd.s32 $0x200, s24;
	[sflag:s7] =	ssyncadd.s32 $0xFFFFF000  }
0xcd: {  	[hbm4b:s25+s3] =	stream.linear.scatter [tilespmem:s10], [sflag:$0x2], $0x1000, $0x38;
	[tilespmem:$0xA000] =	vst v63  }
0xce: {  	_ =	swait.ge [sflag:s7], $0x1000  }
0xcf: {  	[sflag:s7] =	ssyncset.done $0x0  }
0xd0: {  	s26 =	sadd.s32 $0x400, s24;
	[sflag:s7] =	ssyncadd.s32 $0xFFFFF000  }
0xd1: {  	[hbm4b:s26+s3] =	stream.linear.scatter [tilespmem:s11], [sflag:$0x2], $0x1000, $0x38;
	[tilespmem:$0xA000] =	vst v63  }
0xd2: {  	_ =	swait.ge [sflag:s7], $0x1000  }
0xd3: {  	[sflag:s7] =	ssyncset.done $0x0  }
0xd4: {  	s28 =	sadd.s32 $0x600, s24;
	[sflag:s7] =	ssyncadd.s32 $0xFFFFF000  }
0xd5: {  	[hbm4b:s28+s3] =	stream.linear.scatter [tilespmem:s12], [sflag:$0x2], $0x1000, $0x38;
	[tilespmem:$0xA000] =	vst v63  }
0xd6: {  	_ =	swait.ge [sflag:s7], $0x1000  }
0xd7: {  	[sflag:s7] =	ssyncset.done $0x0  }
0xd8: {  	s29 =	sadd.s32 $0x800, s24;
	[sflag:s7] =	ssyncadd.s32 $0xFFFFF000  }
0xd9: {  	[hbm4b:s29+s3] =	stream.linear.scatter [tilespmem:s13], [sflag:$0x2], $0x1000, $0x38;
	[tilespmem:$0xA000] =	vst v63  }
0xda: {  	_ =	swait.ge [sflag:s7], $0x1000  }
0xdb: {  	[sflag:s7] =	ssyncset.done $0x0  }
0xdc: {  	s30 =	sadd.s32 $0xA00, s24;
	[sflag:s7] =	ssyncadd.s32 $0xFFFFF000  }
0xdd: {  	[hbm4b:s30+s3] =	stream.linear.scatter [tilespmem:s14], [sflag:$0x2], $0x1000, $0x38;
	[tilespmem:$0xA000] =	vst v63  }
0xde: {  	_ =	swait.ge [sflag:s7], $0x1000  }
0xdf: {  	[sflag:s7] =	ssyncset.done $0x0  }
0xe0: {  	s31 =	sadd.s32 $0xC00, s24;
	[sflag:s7] =	ssyncadd.s32 $0xFFFFF000  }
0xe1: {  	[hbm4b:s31+s3] =	stream.linear.scatter [tilespmem:s15], [sflag:$0x2], $0x1000, $0x38;
	[tilespmem:$0xA000] =	vst v63  }
0xe2: {  	s18 =	sadd.s32 $0x1, s18;
	_ =	swait.ge [sflag:s7], $0x1000  }
0xe3: {  	p0 =	sne.s32 s18, s5;
	[sflag:s7] =	ssyncset.done $0x0  }
.Ltmp1:
0xe4: {  	s19 =	sadd.s32 $0xE00, s24;
	[sflag:s7] =	ssyncadd.s32 $0xFFFFF000;
	(pc) =	sbr.rel @p0 .LBB2_1-.Ltmp1, $4  }
0xe5: {  	[hbm4b:s19+s3] =	stream.linear.scatter [tilespmem:s16], [sflag:$0x2], $0x1000, $0x38;
	[tilespmem:$0xA000] =	vst v63  }
0xe6: {  	_ =	swait.ge [sflag:s7], $0x1000  }
0xe7: {  	[sflag:s7] =	ssyncset.done $0x0  }
0xe8: {  	[sflag:s7] =	ssyncadd.s32 $0xFFFFF000  }
0xe9: {  	_ =	sfence.sel $0x180000  }
0xea: {  	[bflag:$0x0] =	sbarrier.arrive $0xFFFF  }
0xeb: {  	p0 =	sne.s32 s2, $0x0;
	_ =	strace $0x90000047  }
0xec: {  	s0 =	sadd.s32 @!p0 $0x100000, s0;
	[bflag:$0x2] =	sbarrier.arrive $0xFFFF  }
0xed: {  	[sflag:s0] =	ssyncadd.tile.s32 @!p0 $0x1;
	_ =	shalt  }
.Lfunc_end2:
_tile_overlayer_lowered:
.L_overlay_start_2:
0xee: {  	(tag) =	ssettag $0x2  }
0xef: {  	s0 =	rddreg [dreg:$0x0];
	s2 =	stileid.u32  }
0xf0: {  	s1 =	rddreg [dreg:$0x1];
	p0 =	sne.s32 s2, $0x0  }
0xf1: {  	s3 =	rddreg [dreg:$0x2];
	[bflag:$0x3] =	sbarrier.arrive $0xFFFF;
	s2 =	simm.s32 @!p0 $0x1C02  }
0xf2: {  	[timem:s3], [sflag:s2] =	dma.local @!p0 [hbm:s0], s1  }
0xf3: {  	s0 =	simm.s32 @!p0 $0x2  }
0xf4: {  	_ =	swait.ge @!p0 [sflag:s0], s1  }
0xf5: {  	s1 =	ssub.s32 @!p0 $0x0, s1;
	[sflag:s0] =	ssyncset.done @!p0 $0x0  }
0xf6: {  	[sflag:s0] =	ssyncadd.s32 @!p0 s1  }
0xf7: {  	[bflag:$0x3] =	sbarrier.arrive $0xFFFF  }
0xf8: {  	_ =	shalt  }

// kernel: kernel.19.cloned.1.call-start
scs
__scs_entry_jumppad:
0x0: {  	(pc) =	sbr.rel $0x88, $3  }
0x1: {  	(tag) =	ssettag $0x0;
	lr =	simm.s32 $0x1  }
0x2: {  	[smem:$0x3F84] =	sst lr;
	_ =	strace $0xD0000000  }
0x3: {  	_ = 	snop  }
0x4: {  	_ = 	snop  }
0x5: {  	_ = 	snop  }
0x6: {  	_ = 	snop  }
0x7: {  	_ = 	snop  }
__scs_overlays_trampoline_lowered:
0x8: {  	[smem:$0x3F93] =	sst s0  }
0x9: {  	[smem:$0x3F94] =	sst s1  }
0xa: {  	[smem:$0x3F95] =	sst s2  }
0xb: {  	[smem:$0x3F96] =	sst s3  }
0xc: {  	[smem:$0x3F97] =	sst s4  }
0xd: {  	[smem:$0x3F98] =	sst s5  }
0xe: {  	[smem:$0x3F99] =	sst s6  }
0xf: {  	[smem:$0x3F9A] =	sst s7  }
0x10: {  	[smem:$0x3F9B] =	sst s8  }
0x11: {  	[smem:$0x3F9C] =	sst s9;
	s0 =	simm.s32 @!p0 $0x0  }
0x12: {  	s1 =	sld [smem:$0x3F82];
	s0 =	simm.s32 @p0 $0x1  }
0x13: {  	[smem:$0x3F9D] =	sst s0;
	s0 =	simm.s32 @!p1 $0x0  }
0x14: {  	s2 =	sld [smem:$0x3F81];
	s0 =	simm.s32 @p1 $0x1  }
0x15: {  	[smem:$0x3F9E] =	sst s0;
	s0 =	simm.s32 @!p2 $0x0  }
0x16: {  	s3 =	sld [smem:$0x3FDB];
	s0 =	simm.s32 @p2 $0x1  }
0x17: {  	s4 =	simm.s32 $0x1BF5;
	[smem:$0x3FA0] =	sst s0  }
0x18: {  	s0 =	sld [smem:$0x3F83];
	_ =	swait.ge [sflag:s4], $0x0  }
0x19: {  	s7 =	sld [smem:$0x3F84]  }
0x1a: {  	s8 =	sadd.s32 $0xFFFFE003, lr  }
0x1b: {  	s9 =	sadd.s32 $0xFFFFFEF7, lr;
	s5 =	simm.s32 $0xFFFFFFFF;
	p2 =	slt.u32 s8, $0xFFFFF086  }
0x1c: {  	p1 =	slt.u32 s9, $0xF7A;
	s5 =	simm.s32 @!p2 $0x0  }
0x1d: {  	s5 =	simm.s32 @p1 $0x1;
	p0 =	seq.s32 s7, s2  }
0x1e: {  	s7 =	smul.u32 @!p0 $0xF7A, s2;
	p2 =	seq.s32 @!p0 s5, $0x0  }
0x1f: {  	s9 =	smul.u32 $0xF7A, s1;
	s8 =	simm.s32 @!p0 $0x1BF5;
	p2 =	por !p2, p0  }
0x20: {  	[sflag:s8] =	ssyncset.s32 @!p0 $0xFFFFF086;
	s6 =	sadd.s32 @!p0 s3, s7;
	s7 =	simm.s32 @!p0 $0x108  }
0x21: {  	s3 =	sadd.s32 s3, s9;
	s6 =	sadd.s32 @!p0 $0x88, s6;
	s7 =	simm.s32 @p2 $0x1082  }
0x22: {  	[simem:s7], [sflag:s8] =	dma.local @!p0 [hbm:s6], $0xF7A  }
0x23: {  	s9 =	sor.u32 $0xD0000000, s2;
	s6 =	simm.s32 $0x108;
	_ =	swait.ge @!p0 [sflag:s8], $0x0  }
0x24: {  	s3 =	sadd.s32 $0x88, s3;
	s6 =	simm.s32 @!p1 $0x1082;
	[sflag:s4] =	ssyncset.s32 $0xFFFFF086  }
0x25: {  	[simem:s6], [sflag:s4] =	dma.local [hbm:s3], $0xF7A  }
0x26: {  	[smem:$0x3F84] =	sst s1;
	(tag) =	ssettag s2;
	_ =	strace s9  }
0x27: {  	s1 =	sld [smem:$0x3F94]  }
0x28: {  	s2 =	sld [smem:$0x3F95]  }
0x29: {  	s4 =	sld [smem:$0x3F97]  }
0x2a: {  	p0 =	seq.s32 s5, $0x0;
	s5 =	sld [smem:$0x3F98]  }
0x2b: {  	s6 =	sld [smem:$0x3F99]  }
0x2c: {  	s7 =	sld [smem:$0x3F9A]  }
0x2d: {  	s3 =	simm.s32 $0x108;
	s8 =	sld [smem:$0x3F9B]  }
0x2e: {  	s3 =	simm.s32 @!p0 $0x1082;
	s9 =	sld [smem:$0x3F9C]  }
0x2f: {  	lr =	sadd.s32 s0, s3;
	s0 =	sld [smem:$0x3F93]  }
0x30: {  	s3 =	sld [smem:$0x3F96]  }
0x31: {  	[smem:$0x3F9F] =	sst s10  }
0x32: {  	s10 =	sld [smem:$0x3F9D];
	_ =	sdelay $0x3  }
0x33: {  	p0 =	seq.s32 s10, $0x1;
	s10 =	sld [smem:$0x3F9F];
	_ =	sdelay $0x3  }
0x34: {  	[smem:$0x3F9F] =	sst s10  }
0x35: {  	s10 =	sld [smem:$0x3F9E];
	_ =	sdelay $0x3  }
0x36: {  	p1 =	seq.s32 s10, $0x1;
	s10 =	sld [smem:$0x3F9F];
	_ =	sdelay $0x3  }
0x37: {  	[smem:$0x3F9F] =	sst s10  }
0x38: {  	s10 =	sld [smem:$0x3FA0]  }
0x39: {  	_ = 	snop;
	(pc) =	sbr.ind lr, $3  }
0x3a: {  	_ = 	snop  }
0x3b: {  	_ = 	snop  }
0x3c: {  	p2 =	seq.s32 s10, $0x1;
	s10 =	sld [smem:$0x3F9F]  }
0x3d: {  	_ =	shalt  }
0x3e: {  	_ =	shalt  }
0x3f: {  	_ =	shalt  }
0x40: {  	_ =	shalt  }
0x41: {  	_ =	shalt  }
0x42: {  	_ =	shalt  }
0x43: {  	_ =	shalt  }
0x44: {  	_ =	shalt  }
0x45: {  	_ =	shalt  }
0x46: {  	_ =	shalt  }
0x47: {  	_ =	shalt  }
0x48: {  	_ =	shalt  }
0x49: {  	_ =	shalt  }
0x4a: {  	_ =	shalt  }
0x4b: {  	_ =	shalt  }
0x4c: {  	_ =	shalt  }
0x4d: {  	_ =	shalt  }
0x4e: {  	_ =	shalt  }
0x4f: {  	_ =	shalt  }
0x50: {  	_ =	shalt  }
0x51: {  	_ =	shalt  }
0x52: {  	_ =	shalt  }
0x53: {  	_ =	shalt  }
0x54: {  	_ =	shalt  }
0x55: {  	_ =	shalt  }
0x56: {  	_ =	shalt  }
0x57: {  	_ =	shalt  }
0x58: {  	_ =	shalt  }
0x59: {  	_ =	shalt  }
0x5a: {  	_ =	shalt  }
0x5b: {  	_ =	shalt  }
0x5c: {  	_ =	shalt  }
0x5d: {  	_ =	shalt  }
0x5e: {  	_ =	shalt  }
0x5f: {  	_ =	shalt  }
0x60: {  	_ =	shalt  }
0x61: {  	_ =	shalt  }
0x62: {  	_ =	shalt  }
0x63: {  	_ =	shalt  }
0x64: {  	_ =	shalt  }
0x65: {  	_ =	shalt  }
0x66: {  	_ =	shalt  }
0x67: {  	_ =	shalt  }
0x68: {  	_ =	shalt  }
0x69: {  	_ =	shalt  }
0x6a: {  	_ =	shalt  }
0x6b: {  	_ =	shalt  }
0x6c: {  	_ =	shalt  }
0x6d: {  	_ =	shalt  }
0x6e: {  	_ =	shalt  }
0x6f: {  	_ =	shalt  }
0x70: {  	_ =	shalt  }
0x71: {  	_ =	shalt  }
0x72: {  	_ =	shalt  }
0x73: {  	_ =	shalt  }
0x74: {  	_ =	shalt  }
0x75: {  	_ =	shalt  }
0x76: {  	_ =	shalt  }
0x77: {  	_ =	shalt  }
0x78: {  	_ =	shalt  }
0x79: {  	_ =	shalt  }
0x7a: {  	_ =	shalt  }
0x7b: {  	_ =	shalt  }
0x7c: {  	_ =	shalt  }
0x7d: {  	_ =	shalt  }
0x7e: {  	_ =	shalt  }
0x7f: {  	_ =	shalt  }
0x80: {  	_ =	shalt  }
0x81: {  	_ =	shalt  }
0x82: {  	_ =	shalt  }
0x83: {  	_ =	shalt  }
0x84: {  	_ =	shalt  }
0x85: {  	_ =	shalt  }
0x86: {  	_ =	shalt  }
0x87: {  	_ =	shalt  }
.Lfunc_end0:
.L_simem_size_0:
called_computation.1_lowered:
.L_overlay_start_0:
0x88: {  	s2 =	sld [smem:$0x3FD9]  }
0x89: {  	s3 =	sld [smem:$0x3FFE];
	_ =	sdelay $0x1  }
0x8a: {  	s1 =	srdreg.scid  }
0x8b: {  	s0 =	sand.u32 $0x1, s1  }
0x8c: {  	s16 =	sshll.u32 s0, $0xA;
	s2 =	sadd.s32 s3, s2  }
0x8d: {  	s2 =	sadd.s32 s2, s16  }
0x8e: {  	[smem:$0x3FAB] =	sst s2  }
0x8f: {  	_ = 	snop  }
0x90: {  	(tm) =	ssettm $0x1  }
0x91: {  	s17 =	sld [smem:$0x3FFB];
	_ =	sdelay $0x3  }
0x92: {  	_ =	strace s17  }
0x93: {  	s2 =	sld [smem:$0x3FFC];
	_ =	sdelay $0x3  }
0x94: {  	_ =	strace s2  }
0x95: {  	s2 =	sld [smem:$0x3FFD];
	_ =	sdelay $0x3  }
0x96: {  	_ =	strace s2  }
0x97: {  	_ =	strace $0x8FFFFFFF  }
0x98: {  	s18 =	sld [smem:$0x3FDB];
	_ =	sdelay $0x1  }
0x99: {  	s19 =	simm.s32 $_scs_section_size  }
0x9a: {  	s4 =	simm.s32 $_size__tile_overlayer_lowered;
	s5 =	simm.s32 $_tile_overlayer_lowered  }
0x9b: {  	s22 =	simm.s32 $0x1BFF;
	s21 =	sshll.u32 s5, $0x1;
	s2 =	sadd.s32 s19, s18  }
0x9c: {  	s6 =	simm.s32 $0x0;
	s20 =	sshll.u32 s4, $0x1;
	s4 =	sadd.s32 s21, s2  }
0x9d: {  	[timem:s6], [sflag:s22] =	dma.local [hbm:s4], s20  }
0x9e: {  	_ =	swait.ge [sflag:s22], s20  }
0x9f: {  	s3 =	ssub.s32 $0x0, s20;
	[sflag:s22] =	ssyncset.done $0x0  }
0xa0: {  	[sflag:s22] =	ssyncadd.s32 s3;
	_ =	sdelay $0x1  }
0xa1: {  	s23 =	simm.s32 $0x1B8B  }
0xa2: {  	_ =	swait.ge [sflag:s23], $0x1  }
0xa3: {  	[sflag:s23] =	ssyncset.done $0x0  }
0xa4: {  	s25 =	simm.s32 $0x1B8E;
	s24 =	sld [smem:$0x3FFE];
	[sflag:s23] =	ssyncadd.s32 $0xFFFFFFFF  }
0xa5: {  	s26 =	simm.s32 $execute0_lowered;
	[smem:$0x3FD2] =	sst s25  }
0xa6: {  	s4 =	sshll.u32 s26, $0x1;
	_ =	strace $0x80000049;
	[dreg:$0x1] =	wrdreg $0xFFFFFFFF  }
0xa7: {  	s28 =	simm.s32 $_size_execute0_lowered;
	s2 =	sadd.s32 s2, s4;
	[dreg:$0x0] =	wrdreg $0x0  }
0xa8: {  	s4 =	sshll.u32 s28, $0x1;
	[dreg:$0x2] =	wrdreg s2  }
0xa9: {  	[dreg:$0x3] =	wrdreg s4  }
0xaa: {  	[dreg:$0x4] =	wrdreg $0xC0  }
0xab: {  	_ =	task [dreg:s6], $0x5FFFF  }
0xac: {  	[dreg:$0x1] =	wrdreg $0xFFFFFFFF  }
0xad: {  	[dreg:$0x0] =	wrdreg $0x60  }
0xae: {  	[dreg:$0x2] =	wrdreg s24  }
0xaf: {  	[dreg:$0x3] =	wrdreg $0x9  }
0xb0: {  	_ =	task.clear_ibuf [dreg:s6], $0x4FFFF;
	_ =	strace $0x90000049  }
0xb1: {  	s29 =	simm.s32 $0x9;
	_ =	strace $0x8000004B  }
0xb2: {  	_ =	swait.ge [sflag:s29], $0x1  }
0xb3: {  	[sflag:s29] =	ssyncadd.s32 $0xFFFFFFFF  }
0xb4: {  	_ =	strace $0x9000004B  }
0xb5: {  	_ =	sfence  }
0xb6: {  	s30 =	sld [smem:$0x0];
	_ =	sdelay $0x2  }
0xb7: {  	s31 =	sshll.u32 s1, $0xD;
	s1 =	sshrl.u32 s1, $0x2  }
0xb8: {  	s3 =	sand.u32 $0x4000, s31;
	s1 =	sadd.s32 s1, s30  }
0xb9: {  	s0 =	sor.u32 s3, s0;
	s1 =	sshll.u32 s1, $0x11  }
0xba: {  	s0 =	sor.u32 s1, s0  }
0xbb: {  	s0 =	sadd.s32 $0x8F2B, s0  }
0xbc: {  	[sflag:s0] =	ssyncadd.remote.s32 $0x1  }
0xbd: {  	_ =	sfence.sel $0xFFFF  }
0xbe: {  	[dreg:$0x0] =	wrdreg $0xFFFFFFFF;
	(pc) =	sbr.abs _section_cstart, $3  }
0xbf: {  	[dreg:$0x1] =	wrdreg $0xFFFFFFFF  }
0xc0: {  	_ =	task.clear_ibuf [dreg:s6], $0x2FFFF;
	_ =	strace $0x9FFFFFFF  }
0xc1: {  	(tm) =	ssettm $0x7FFFFFFF  }
tec
execute0_lowered:
.L_overlay_start_1:
0x0: {  	(tag) =	ssettag $0x1  }
0x1: {  	s4 =	rddreg [dreg:$0x0]  }
0x2: {  	s0 =	rddreg [dreg:$0x1];
	s3 =	srdreg.scid  }
0x3: {  	s2 =	simm.s32 $0x0;
	s1 =	stileid.u32;
	s10 =	simm.s32 $0x3000  }
0x4: {  	s11 =	simm.s32 $0x4000;
	s12 =	simm.s32 $0x5000;
	s13 =	simm.s32 $0x6000  }
0x5: {  	s14 =	simm.s32 $0x7000;
	s15 =	simm.s32 $0x8000;
	s16 =	simm.s32 $0x9000  }
0x6: {  	s17 =	simm.s32 $0x1;
	s18 =	simm.s32 $0x0;
	s5 =	sand.u32 $0x1, s3  }
0x7: {  	[smem:$0x7FF] =	sst s2;
	s6 =	sshll.u32 s1, $0xE;
	s3 =	sadd.s32 $0x43E00, s4  }
0x8: {  	s30 =	sshll.u32 s1, $0x10;
	s7 =	sshll.u32 s5, $0xD;
	_ =	strace $0x8000004A  }
0x9: {  	s8 =	ssub.s32 $0x2, s5;
	s5 =	sshll.u32 s5, $0xF;
	s6 =	sor.u32 s7, s6  }
0xa: {  	s7 =	sadd.s32 s30, s4;
	s9 =	sshrl.u32 s8, $0x1;
	s6 =	sshrl.u32 s6, $0x3  }
0xb: {  	s31 =	ssub.s32 s8, s9;
	s7 =	sadd.s32 s5, s7;
	s8 =	simm.s32 $0x80  }
0xc: {  	s9 =	simm.s32 $0x2000;
	s4 =	sadd.s32 s6, s4;
	s5 =	smax.u32 s31, $0x1  }
0xd: {  	s6 =	sadd.s32 $0x53E00, s7;
	s7 =	simm.s32 $0x2;
	s4 =	sadd.s32 $0x17BE00, s4  }
.LBB2_1:
0xe: {  	[tilespmem:s2], [sflag:$0x2] =	stream.linear.gather [hbm4b:s4+s2], $0x2000, $0x38;
	[tilespmem:$0xA000] =	vst v63  }
0xf: {  	_ =	swait.ge [sflag:s7], $0x2000  }
0x10: {  	[sflag:s7] =	ssyncset.done $0x0  }
0x11: {  	s19 =	simm.s32 $0x0;
	[sflag:s7] =	ssyncadd.s32 $0xFFFFE000  }
0x12: {  	[tilespmem:s9], [sflag:$0x1] =	stream.indirect.gather [hbm4b:s3+s8], $0x20, s19, s8, $0xb8;
	[tilespmem:$0xA000] =	vst v63  }
0x13: {  	s30 =	simm.s32 $0x80  }
0x14: {  	[tilespmem:s10], [sflag:$0x1] =	stream.indirect.gather [hbm4b:s3+s8], $0x20, s30, s8, $0xb8;
	[tilespmem:$0xA000] =	vst v63  }
0x15: {  	s31 =	simm.s32 $0x100  }
0x16: {  	[tilespmem:s11], [sflag:$0x1] =	stream.indirect.gather [hbm4b:s3+s8], $0x20, s31, s8, $0xb8;
	[tilespmem:$0xA000] =	vst v63  }
0x17: {  	s20 =	simm.s32 $0x180  }
0x18: {  	[tilespmem:s12], [sflag:$0x1] =	stream.indirect.gather [hbm4b:s3+s8], $0x20, s20, s8, $0xb8;
	[tilespmem:$0xA000] =	vst v63  }
0x19: {  	s21 =	simm.s32 $0x200  }
0x1a: {  	[tilespmem:s13], [sflag:$0x1] =	stream.indirect.gather [hbm4b:s3+s8], $0x20, s21, s8, $0xb8;
	[tilespmem:$0xA000] =	vst v63  }
0x1b: {  	s22 =	simm.s32 $0x280  }
0x1c: {  	[tilespmem:s14], [sflag:$0x1] =	stream.indirect.gather [hbm4b:s3+s8], $0x20, s22, s8, $0xb8;
	[tilespmem:$0xA000] =	vst v63  }
0x1d: {  	s23 =	simm.s32 $0x300  }
0x1e: {  	[tilespmem:s15], [sflag:$0x1] =	stream.indirect.gather [hbm4b:s3+s8], $0x20, s23, s8, $0xb8;
	[tilespmem:$0xA000] =	vst v63  }
0x1f: {  	s24 =	simm.s32 $0x380  }
0x20: {  	[tilespmem:s16], [sflag:$0x1] =	stream.indirect.gather [hbm4b:s3+s8], $0x20, s24, s8, $0xb8;
	[tilespmem:$0xA000] =	vst v63  }
0x21: {  	_ =	swait.ge [sflag:s17], $0x1000  }
0x22: {  	[sflag:s17] =	ssyncset.done $0x0  }
0x23: {  	[sflag:s17] =	ssyncadd.s32 $0xFFFFF000  }
0x24: {  	_ =	swait.ge [sflag:s17], $0x1000  }
0x25: {  	[sflag:s17] =	ssyncset.done $0x0  }
0x26: {  	[sflag:s17] =	ssyncadd.s32 $0xFFFFF000  }
0x27: {  	_ =	swait.ge [sflag:s17], $0x1000  }
0x28: {  	[sflag:s17] =	ssyncset.done $0x0  }
0x29: {  	[sflag:s17] =	ssyncadd.s32 $0xFFFFF000  }
0x2a: {  	_ =	swait.ge [sflag:s17], $0x1000  }
0x2b: {  	[sflag:s17] =	ssyncset.done $0x0  }
0x2c: {  	[sflag:s17] =	ssyncadd.s32 $0xFFFFF000  }
0x2d: {  	_ =	swait.ge [sflag:s17], $0x1000  }
0x2e: {  	[sflag:s17] =	ssyncset.done $0x0  }
0x2f: {  	[sflag:s17] =	ssyncadd.s32 $0xFFFFF000  }
0x30: {  	_ =	swait.ge [sflag:s17], $0x1000  }
0x31: {  	[sflag:s17] =	ssyncset.done $0x0  }
0x32: {  	[sflag:s17] =	ssyncadd.s32 $0xFFFFF000  }
0x33: {  	_ =	swait.ge [sflag:s17], $0x1000  }
0x34: {  	[sflag:s17] =	ssyncset.done $0x0  }
0x35: {  	[sflag:s17] =	ssyncadd.s32 $0xFFFFF000  }
0x36: {  	_ =	swait.ge [sflag:s17], $0x1000  }
0x37: {  	[sflag:s17] =	ssyncset.done $0x0  }
0x38: {  	s25 =	sadd.s32 $0x0, s6;
	[sflag:s17] =	ssyncadd.s32 $0xFFFFF000  }
0x39: {  	[hbm4b:s25+s2] =	stream.linear.scatter [tilespmem:s9], [sflag:$0x2], $0x1000, $0x38;
	[tilespmem:$0xA000] =	vst v63  }
0x3a: {  	_ =	swait.ge [sflag:s7], $0x1000  }
0x3b: {  	[sflag:s7] =	ssyncset.done $0x0  }
0x3c: {  	s20 =	sadd.s32 $0x200, s25;
	[sflag:s7] =	ssyncadd.s32 $0xFFFFF000  }
0x3d: {  	[hbm4b:s20+s2] =	stream.linear.scatter [tilespmem:s10], [sflag:$0x2], $0x1000, $0x38;
	[tilespmem:$0xA000] =	vst v63  }
0x3e: {  	_ =	swait.ge [sflag:s7], $0x1000  }
0x3f: {  	[sflag:s7] =	ssyncset.done $0x0  }
0x40: {  	s26 =	sadd.s32 $0x400, s25;
	[sflag:s7] =	ssyncadd.s32 $0xFFFFF000  }
0x41: {  	[hbm4b:s26+s2] =	stream.linear.scatter [tilespmem:s11], [sflag:$0x2], $0x1000, $0x38;
	[tilespmem:$0xA000] =	vst v63  }
0x42: {  	_ =	swait.ge [sflag:s7], $0x1000  }
0x43: {  	[sflag:s7] =	ssyncset.done $0x0  }
0x44: {  	s28 =	sadd.s32 $0x600, s25;
	[sflag:s7] =	ssyncadd.s32 $0xFFFFF000  }
0x45: {  	[hbm4b:s28+s2] =	stream.linear.scatter [tilespmem:s12], [sflag:$0x2], $0x1000, $0x38;
	[tilespmem:$0xA000] =	vst v63  }
0x46: {  	_ =	swait.ge [sflag:s7], $0x1000  }
0x47: {  	[sflag:s7] =	ssyncset.done $0x0  }
0x48: {  	s29 =	sadd.s32 $0x800, s25;
	[sflag:s7] =	ssyncadd.s32 $0xFFFFF000  }
0x49: {  	[hbm4b:s29+s2] =	stream.linear.scatter [tilespmem:s13], [sflag:$0x2], $0x1000, $0x38;
	[tilespmem:$0xA000] =	vst v63  }
0x4a: {  	_ =	swait.ge [sflag:s7], $0x1000  }
0x4b: {  	[sflag:s7] =	ssyncset.done $0x0  }
0x4c: {  	s30 =	sadd.s32 $0xA00, s25;
	[sflag:s7] =	ssyncadd.s32 $0xFFFFF000  }
0x4d: {  	[hbm4b:s30+s2] =	stream.linear.scatter [tilespmem:s14], [sflag:$0x2], $0x1000, $0x38;
	[tilespmem:$0xA000] =	vst v63  }
0x4e: {  	_ =	swait.ge [sflag:s7], $0x1000  }
0x4f: {  	[sflag:s7] =	ssyncset.done $0x0  }
0x50: {  	s31 =	sadd.s32 $0xC00, s25;
	[sflag:s7] =	ssyncadd.s32 $0xFFFFF000  }
0x51: {  	[hbm4b:s31+s2] =	stream.linear.scatter [tilespmem:s15], [sflag:$0x2], $0x1000, $0x38;
	[tilespmem:$0xA000] =	vst v63  }
0x52: {  	_ =	swait.ge [sflag:s7], $0x1000  }
0x53: {  	[sflag:s7] =	ssyncset.done $0x0  }
0x54: {  	s19 =	sadd.s32 $0xE00, s25;
	[sflag:s7] =	ssyncadd.s32 $0xFFFFF000  }
0x55: {  	[hbm4b:s19+s2] =	stream.linear.scatter [tilespmem:s16], [sflag:$0x2], $0x1000, $0x38;
	[tilespmem:$0xA000] =	vst v63  }
0x56: {  	_ =	swait.ge [sflag:s7], $0x1000  }
0x57: {  	s22 =	simm.s32 $0x2000;
	s19 =	simm.s32 $0x1000;
	[sflag:s7] =	ssyncset.done $0x0  }
.LBB2_2:
0x58: {  	s23 =	sshra.s32 s19, $0x2  }
0x59: {  	[sflag:s7] =	ssyncadd.s32 $0xFFFFF000;
	s21 =	smov.u32 s22;
	s20 =	sadd.s32 $0x1000, s22  }
0x5a: {  	[tilespmem:s9], [sflag:$0x1] =	stream.indirect.gather [hbm4b:s3+s8], $0x20, s23, s8, $0xb8;
	[tilespmem:$0xA000] =	vst v63  }
0x5b: {  	p0 =	sne.s32 s22, $0x7000;
	s22 =	sadd.s32 $0x80, s23  }
0x5c: {  	[tilespmem:s10], [sflag:$0x1] =	stream.indirect.gather [hbm4b:s3+s8], $0x20, s22, s8, $0xb8;
	[tilespmem:$0xA000] =	vst v63  }
0x5d: {  	s22 =	sadd.s32 $0x100, s23  }
0x5e: {  	[tilespmem:s11], [sflag:$0x1] =	stream.indirect.gather [hbm4b:s3+s8], $0x20, s22, s8, $0xb8;
	[tilespmem:$0xA000] =	vst v63  }
0x5f: {  	s22 =	sadd.s32 $0x180, s23  }
0x60: {  	[tilespmem:s12], [sflag:$0x1] =	stream.indirect.gather [hbm4b:s3+s8], $0x20, s22, s8, $0xb8;
	[tilespmem:$0xA000] =	vst v63  }
0x61: {  	s22 =	sadd.s32 $0x200, s23  }
0x62: {  	[tilespmem:s13], [sflag:$0x1] =	stream.indirect.gather [hbm4b:s3+s8], $0x20, s22, s8, $0xb8;
	[tilespmem:$0xA000] =	vst v63  }
0x63: {  	s22 =	sadd.s32 $0x280, s23  }
0x64: {  	[tilespmem:s14], [sflag:$0x1] =	stream.indirect.gather [hbm4b:s3+s8], $0x20, s22, s8, $0xb8;
	[tilespmem:$0xA000] =	vst v63  }
0x65: {  	s22 =	sadd.s32 $0x300, s23  }
0x66: {  	[tilespmem:s15], [sflag:$0x1] =	stream.indirect.gather [hbm4b:s3+s8], $0x20, s22, s8, $0xb8;
	[tilespmem:$0xA000] =	vst v63  }
0x67: {  	s22 =	sadd.s32 $0x380, s23  }
0x68: {  	[tilespmem:s16], [sflag:$0x1] =	stream.indirect.gather [hbm4b:s3+s8], $0x20, s22, s8, $0xb8;
	[tilespmem:$0xA000] =	vst v63  }
0x69: {  	_ =	swait.ge [sflag:s17], $0x1000  }
0x6a: {  	[sflag:s17] =	ssyncset.done $0x0  }
0x6b: {  	[sflag:s17] =	ssyncadd.s32 $0xFFFFF000  }
0x6c: {  	_ =	swait.ge [sflag:s17], $0x1000  }
0x6d: {  	[sflag:s17] =	ssyncset.done $0x0  }
0x6e: {  	[sflag:s17] =	ssyncadd.s32 $0xFFFFF000  }
0x6f: {  	_ =	swait.ge [sflag:s17], $0x1000  }
0x70: {  	[sflag:s17] =	ssyncset.done $0x0  }
0x71: {  	[sflag:s17] =	ssyncadd.s32 $0xFFFFF000  }
0x72: {  	_ =	swait.ge [sflag:s17], $0x1000  }
0x73: {  	[sflag:s17] =	ssyncset.done $0x0  }
0x74: {  	[sflag:s17] =	ssyncadd.s32 $0xFFFFF000  }
0x75: {  	_ =	swait.ge [sflag:s17], $0x1000  }
0x76: {  	[sflag:s17] =	ssyncset.done $0x0  }
0x77: {  	[sflag:s17] =	ssyncadd.s32 $0xFFFFF000  }
0x78: {  	_ =	swait.ge [sflag:s17], $0x1000  }
0x79: {  	[sflag:s17] =	ssyncset.done $0x0  }
0x7a: {  	[sflag:s17] =	ssyncadd.s32 $0xFFFFF000  }
0x7b: {  	_ =	swait.ge [sflag:s17], $0x1000  }
0x7c: {  	[sflag:s17] =	ssyncset.done $0x0  }
0x7d: {  	[sflag:s17] =	ssyncadd.s32 $0xFFFFF000  }
0x7e: {  	_ =	swait.ge [sflag:s17], $0x1000  }
0x7f: {  	[sflag:s17] =	ssyncset.done $0x0  }
0x80: {  	s22 =	sadd.s32 s19, s6;
	s19 =	smov.u32 s21;
	[sflag:s17] =	ssyncadd.s32 $0xFFFFF000  }
0x81: {  	[hbm4b:s22+s2] =	stream.linear.scatter [tilespmem:s9], [sflag:$0x2], $0x1000, $0x38;
	[tilespmem:$0xA000] =	vst v63  }
0x82: {  	_ =	swait.ge [sflag:s7], $0x1000  }
0x83: {  	[sflag:s7] =	ssyncset.done $0x0  }
0x84: {  	s21 =	sadd.s32 $0x200, s22;
	[sflag:s7] =	ssyncadd.s32 $0xFFFFF000  }
0x85: {  	[hbm4b:s21+s2] =	stream.linear.scatter [tilespmem:s10], [sflag:$0x2], $0x1000, $0x38;
	[tilespmem:$0xA000] =	vst v63  }
0x86: {  	_ =	swait.ge [sflag:s7], $0x1000  }
0x87: {  	[sflag:s7] =	ssyncset.done $0x0  }
0x88: {  	s21 =	sadd.s32 $0x400, s22;
	[sflag:s7] =	ssyncadd.s32 $0xFFFFF000  }
0x89: {  	[hbm4b:s21+s2] =	stream.linear.scatter [tilespmem:s11], [sflag:$0x2], $0x1000, $0x38;
	[tilespmem:$0xA000] =	vst v63  }
0x8a: {  	_ =	swait.ge [sflag:s7], $0x1000  }
0x8b: {  	[sflag:s7] =	ssyncset.done $0x0  }
0x8c: {  	s21 =	sadd.s32 $0x600, s22;
	[sflag:s7] =	ssyncadd.s32 $0xFFFFF000  }
0x8d: {  	[hbm4b:s21+s2] =	stream.linear.scatter [tilespmem:s12], [sflag:$0x2], $0x1000, $0x38;
	[tilespmem:$0xA000] =	vst v63  }
0x8e: {  	_ =	swait.ge [sflag:s7], $0x1000  }
0x8f: {  	[sflag:s7] =	ssyncset.done $0x0  }
0x90: {  	s21 =	sadd.s32 $0x800, s22;
	[sflag:s7] =	ssyncadd.s32 $0xFFFFF000  }
0x91: {  	[hbm4b:s21+s2] =	stream.linear.scatter [tilespmem:s13], [sflag:$0x2], $0x1000, $0x38;
	[tilespmem:$0xA000] =	vst v63  }
0x92: {  	_ =	swait.ge [sflag:s7], $0x1000  }
0x93: {  	[sflag:s7] =	ssyncset.done $0x0  }
0x94: {  	s21 =	sadd.s32 $0xA00, s22;
	[sflag:s7] =	ssyncadd.s32 $0xFFFFF000  }
0x95: {  	[hbm4b:s21+s2] =	stream.linear.scatter [tilespmem:s14], [sflag:$0x2], $0x1000, $0x38;
	[tilespmem:$0xA000] =	vst v63  }
0x96: {  	_ =	swait.ge [sflag:s7], $0x1000  }
0x97: {  	[sflag:s7] =	ssyncset.done $0x0  }
0x98: {  	s21 =	sadd.s32 $0xC00, s22;
	[sflag:s7] =	ssyncadd.s32 $0xFFFFF000  }
0x99: {  	[hbm4b:s21+s2] =	stream.linear.scatter [tilespmem:s15], [sflag:$0x2], $0x1000, $0x38;
	[tilespmem:$0xA000] =	vst v63  }
0x9a: {  	_ =	swait.ge [sflag:s7], $0x1000  }
.Ltmp0:
0x9b: {  	[sflag:s7] =	ssyncset.done $0x0;
	(pc) =	sbr.rel @p0 .LBB2_2-.Ltmp0, $4  }
0x9c: {  	s21 =	sadd.s32 $0xE00, s22;
	[sflag:s7] =	ssyncadd.s32 $0xFFFFF000  }
0x9d: {  	[hbm4b:s21+s2] =	stream.linear.scatter [tilespmem:s16], [sflag:$0x2], $0x1000, $0x38;
	[tilespmem:$0xA000] =	vst v63  }
0x9e: {  	_ =	swait.ge [sflag:s7], $0x1000  }
0x9f: {  	s22 =	smov.u32 s20;
	[sflag:s7] =	ssyncset.done $0x0  }
0xa0: {  	s20 =	sshra.s32 s19, $0x2;
	[sflag:s7] =	ssyncadd.s32 $0xFFFFF000  }
0xa1: {  	[tilespmem:s9], [sflag:$0x1] =	stream.indirect.gather [hbm4b:s3+s8], $0x20, s20, s8, $0xb8;
	[tilespmem:$0xA000] =	vst v63  }
0xa2: {  	s21 =	sadd.s32 $0x80, s20  }
0xa3: {  	[tilespmem:s10], [sflag:$0x1] =	stream.indirect.gather [hbm4b:s3+s8], $0x20, s21, s8, $0xb8;
	[tilespmem:$0xA000] =	vst v63  }
0xa4: {  	s29 =	sadd.s32 $0x100, s20  }
0xa5: {  	[tilespmem:s11], [sflag:$0x1] =	stream.indirect.gather [hbm4b:s3+s8], $0x20, s29, s8, $0xb8;
	[tilespmem:$0xA000] =	vst v63  }
0xa6: {  	s30 =	sadd.s32 $0x180, s20  }
0xa7: {  	[tilespmem:s12], [sflag:$0x1] =	stream.indirect.gather [hbm4b:s3+s8], $0x20, s30, s8, $0xb8;
	[tilespmem:$0xA000] =	vst v63  }
0xa8: {  	s31 =	sadd.s32 $0x200, s20  }
0xa9: {  	[tilespmem:s13], [sflag:$0x1] =	stream.indirect.gather [hbm4b:s3+s8], $0x20, s31, s8, $0xb8;
	[tilespmem:$0xA000] =	vst v63  }
0xaa: {  	s22 =	sadd.s32 $0x280, s20  }
0xab: {  	[tilespmem:s14], [sflag:$0x1] =	stream.indirect.gather [hbm4b:s3+s8], $0x20, s22, s8, $0xb8;
	[tilespmem:$0xA000] =	vst v63  }
0xac: {  	s23 =	sadd.s32 $0x300, s20  }
0xad: {  	[tilespmem:s15], [sflag:$0x1] =	stream.indirect.gather [hbm4b:s3+s8], $0x20, s23, s8, $0xb8;
	[tilespmem:$0xA000] =	vst v63  }
0xae: {  	s20 =	sadd.s32 $0x380, s20  }
0xaf: {  	[tilespmem:s16], [sflag:$0x1] =	stream.indirect.gather [hbm4b:s3+s8], $0x20, s20, s8, $0xb8;
	[tilespmem:$0xA000] =	vst v63  }
0xb0: {  	_ =	swait.ge [sflag:s17], $0x1000  }
0xb1: {  	[sflag:s17] =	ssyncset.done $0x0  }
0xb2: {  	[sflag:s17] =	ssyncadd.s32 $0xFFFFF000  }
0xb3: {  	_ =	swait.ge [sflag:s17], $0x1000  }
0xb4: {  	[sflag:s17] =	ssyncset.done $0x0  }
0xb5: {  	[sflag:s17] =	ssyncadd.s32 $0xFFFFF000  }
0xb6: {  	_ =	swait.ge [sflag:s17], $0x1000  }
0xb7: {  	[sflag:s17] =	ssyncset.done $0x0  }
0xb8: {  	[sflag:s17] =	ssyncadd.s32 $0xFFFFF000  }
0xb9: {  	_ =	swait.ge [sflag:s17], $0x1000  }
0xba: {  	[sflag:s17] =	ssyncset.done $0x0  }
0xbb: {  	[sflag:s17] =	ssyncadd.s32 $0xFFFFF000  }
0xbc: {  	_ =	swait.ge [sflag:s17], $0x1000  }
0xbd: {  	[sflag:s17] =	ssyncset.done $0x0  }
0xbe: {  	[sflag:s17] =	ssyncadd.s32 $0xFFFFF000  }
0xbf: {  	_ =	swait.ge [sflag:s17], $0x1000  }
0xc0: {  	[sflag:s17] =	ssyncset.done $0x0  }
0xc1: {  	[sflag:s17] =	ssyncadd.s32 $0xFFFFF000  }
0xc2: {  	_ =	swait.ge [sflag:s17], $0x1000  }
0xc3: {  	[sflag:s17] =	ssyncset.done $0x0  }
0xc4: {  	[sflag:s17] =	ssyncadd.s32 $0xFFFFF000  }
0xc5: {  	_ =	swait.ge [sflag:s17], $0x1000  }
0xc6: {  	[sflag:s17] =	ssyncset.done $0x0  }
0xc7: {  	s24 =	sadd.s32 s19, s6;
	[sflag:s17] =	ssyncadd.s32 $0xFFFFF000  }
0xc8: {  	[hbm4b:s24+s2] =	stream.linear.scatter [tilespmem:s9], [sflag:$0x2], $0x1000, $0x38;
	[tilespmem:$0xA000] =	vst v63  }
0xc9: {  	_ =	swait.ge [sflag:s7], $0x1000  }
0xca: {  	[sflag:s7] =	ssyncset.done $0x0  }
0xcb: {  	s25 =	sadd.s32 $0x200, s24;
	[sflag:s7] =	ssyncadd.s32 $0xFFFFF000  }
0xcc: {  	[hbm4b:s25+s2] =	stream.linear.scatter [tilespmem:s10], [sflag:$0x2], $0x1000, $0x38;
	[tilespmem:$0xA000] =	vst v63  }
0xcd: {  	_ =	swait.ge [sflag:s7], $0x1000  }
0xce: {  	[sflag:s7] =	ssyncset.done $0x0  }
0xcf: {  	s26 =	sadd.s32 $0x400, s24;
	[sflag:s7] =	ssyncadd.s32 $0xFFFFF000  }
0xd0: {  	[hbm4b:s26+s2] =	stream.linear.scatter [tilespmem:s11], [sflag:$0x2], $0x1000, $0x38;
	[tilespmem:$0xA000] =	vst v63  }
0xd1: {  	_ =	swait.ge [sflag:s7], $0x1000  }
0xd2: {  	[sflag:s7] =	ssyncset.done $0x0  }
0xd3: {  	s28 =	sadd.s32 $0x600, s24;
	[sflag:s7] =	ssyncadd.s32 $0xFFFFF000  }
0xd4: {  	[hbm4b:s28+s2] =	stream.linear.scatter [tilespmem:s12], [sflag:$0x2], $0x1000, $0x38;
	[tilespmem:$0xA000] =	vst v63  }
0xd5: {  	_ =	swait.ge [sflag:s7], $0x1000  }
0xd6: {  	[sflag:s7] =	ssyncset.done $0x0  }
0xd7: {  	s29 =	sadd.s32 $0x800, s24;
	[sflag:s7] =	ssyncadd.s32 $0xFFFFF000  }
0xd8: {  	[hbm4b:s29+s2] =	stream.linear.scatter [tilespmem:s13], [sflag:$0x2], $0x1000, $0x38;
	[tilespmem:$0xA000] =	vst v63  }
0xd9: {  	_ =	swait.ge [sflag:s7], $0x1000  }
0xda: {  	[sflag:s7] =	ssyncset.done $0x0  }
0xdb: {  	s30 =	sadd.s32 $0xA00, s24;
	[sflag:s7] =	ssyncadd.s32 $0xFFFFF000  }
0xdc: {  	[hbm4b:s30+s2] =	stream.linear.scatter [tilespmem:s14], [sflag:$0x2], $0x1000, $0x38;
	[tilespmem:$0xA000] =	vst v63  }
0xdd: {  	_ =	swait.ge [sflag:s7], $0x1000  }
0xde: {  	[sflag:s7] =	ssyncset.done $0x0  }
0xdf: {  	s31 =	sadd.s32 $0xC00, s24;
	[sflag:s7] =	ssyncadd.s32 $0xFFFFF000  }
0xe0: {  	[hbm4b:s31+s2] =	stream.linear.scatter [tilespmem:s15], [sflag:$0x2], $0x1000, $0x38;
	[tilespmem:$0xA000] =	vst v63  }
0xe1: {  	s18 =	sadd.s32 $0x1, s18;
	_ =	swait.ge [sflag:s7], $0x1000  }
0xe2: {  	p0 =	sne.s32 s18, s5;
	[sflag:s7] =	ssyncset.done $0x0  }
.Ltmp1:
0xe3: {  	s19 =	sadd.s32 $0xE00, s24;
	[sflag:s7] =	ssyncadd.s32 $0xFFFFF000;
	(pc) =	sbr.rel @p0 .LBB2_1-.Ltmp1, $4  }
0xe4: {  	[hbm4b:s19+s2] =	stream.linear.scatter [tilespmem:s16], [sflag:$0x2], $0x1000, $0x38;
	[tilespmem:$0xA000] =	vst v63  }
0xe5: {  	_ =	swait.ge [sflag:s7], $0x1000  }
0xe6: {  	[sflag:s7] =	ssyncset.done $0x0  }
0xe7: {  	[sflag:s7] =	ssyncadd.s32 $0xFFFFF000  }
0xe8: {  	_ =	sfence.sel $0x180000  }
0xe9: {  	[bflag:$0x0] =	sbarrier.arrive $0xFFFF  }
0xea: {  	p0 =	sne.s32 s1, $0x0;
	_ =	strace $0x9000004A  }
0xeb: {  	s0 =	sadd.s32 @!p0 $0x100000, s0;
	[bflag:$0x2] =	sbarrier.arrive $0xFFFF  }
0xec: {  	[sflag:s0] =	ssyncadd.tile.s32 @!p0 $0x1;
	_ =	shalt  }
.Lfunc_end2:
_tile_overlayer_lowered:
.L_overlay_start_2:
0xed: {  	(tag) =	ssettag $0x2  }
0xee: {  	s0 =	rddreg [dreg:$0x0];
	s2 =	stileid.u32  }
0xef: {  	s1 =	rddreg [dreg:$0x1];
	p0 =	sne.s32 s2, $0x0  }
0xf0: {  	s3 =	rddreg [dreg:$0x2];
	[bflag:$0x3] =	sbarrier.arrive $0xFFFF;
	s2 =	simm.s32 @!p0 $0x1C02  }
0xf1: {  	[timem:s3], [sflag:s2] =	dma.local @!p0 [hbm:s0], s1  }
0xf2: {  	s0 =	simm.s32 @!p0 $0x2  }
0xf3: {  	_ =	swait.ge @!p0 [sflag:s0], s1  }
0xf4: {  	s1 =	ssub.s32 @!p0 $0x0, s1;
	[sflag:s0] =	ssyncset.done @!p0 $0x0  }
0xf5: {  	[sflag:s0] =	ssyncadd.s32 @!p0 s1  }
0xf6: {  	[bflag:$0x3] =	sbarrier.arrive $0xFFFF  }
0xf7: {  	_ =	shalt  }

// kernel: kernel.22.cloned.1.call-start
scs
__scs_entry_jumppad:
0x0: {  	(pc) =	sbr.rel $0x88, $3  }
0x1: {  	(tag) =	ssettag $0x0;
	lr =	simm.s32 $0x1  }
0x2: {  	[smem:$0x3F84] =	sst lr;
	_ =	strace $0xD0000000  }
0x3: {  	_ = 	snop  }
0x4: {  	_ = 	snop  }
0x5: {  	_ = 	snop  }
0x6: {  	_ = 	snop  }
0x7: {  	_ = 	snop  }
__scs_overlays_trampoline_lowered:
0x8: {  	[smem:$0x3F93] =	sst s0  }
0x9: {  	[smem:$0x3F94] =	sst s1  }
0xa: {  	[smem:$0x3F95] =	sst s2  }
0xb: {  	[smem:$0x3F96] =	sst s3  }
0xc: {  	[smem:$0x3F97] =	sst s4  }
0xd: {  	[smem:$0x3F98] =	sst s5  }
0xe: {  	[smem:$0x3F99] =	sst s6  }
0xf: {  	[smem:$0x3F9A] =	sst s7  }
0x10: {  	[smem:$0x3F9B] =	sst s8  }
0x11: {  	[smem:$0x3F9C] =	sst s9;
	s0 =	simm.s32 @!p0 $0x0  }
0x12: {  	s1 =	sld [smem:$0x3F82];
	s0 =	simm.s32 @p0 $0x1  }
0x13: {  	[smem:$0x3F9D] =	sst s0;
	s0 =	simm.s32 @!p1 $0x0  }
0x14: {  	s2 =	sld [smem:$0x3F81];
	s0 =	simm.s32 @p1 $0x1  }
0x15: {  	[smem:$0x3F9E] =	sst s0;
	s0 =	simm.s32 @!p2 $0x0  }
0x16: {  	s3 =	sld [smem:$0x3FDB];
	s0 =	simm.s32 @p2 $0x1  }
0x17: {  	s4 =	simm.s32 $0x1BF5;
	[smem:$0x3FA0] =	sst s0  }
0x18: {  	s0 =	sld [smem:$0x3F83];
	_ =	swait.ge [sflag:s4], $0x0  }
0x19: {  	s7 =	sld [smem:$0x3F84]  }
0x1a: {  	s8 =	sadd.s32 $0xFFFFE003, lr  }
0x1b: {  	s9 =	sadd.s32 $0xFFFFFEF7, lr;
	s5 =	simm.s32 $0xFFFFFFFF;
	p2 =	slt.u32 s8, $0xFFFFF086  }
0x1c: {  	p1 =	slt.u32 s9, $0xF7A;
	s5 =	simm.s32 @!p2 $0x0  }
0x1d: {  	s5 =	simm.s32 @p1 $0x1;
	p0 =	seq.s32 s7, s2  }
0x1e: {  	s7 =	smul.u32 @!p0 $0xF7A, s2;
	p2 =	seq.s32 @!p0 s5, $0x0  }
0x1f: {  	s9 =	smul.u32 $0xF7A, s1;
	s8 =	simm.s32 @!p0 $0x1BF5;
	p2 =	por !p2, p0  }
0x20: {  	[sflag:s8] =	ssyncset.s32 @!p0 $0xFFFFF086;
	s6 =	sadd.s32 @!p0 s3, s7;
	s7 =	simm.s32 @!p0 $0x108  }
0x21: {  	s3 =	sadd.s32 s3, s9;
	s6 =	sadd.s32 @!p0 $0x88, s6;
	s7 =	simm.s32 @p2 $0x1082  }
0x22: {  	[simem:s7], [sflag:s8] =	dma.local @!p0 [hbm:s6], $0xF7A  }
0x23: {  	s9 =	sor.u32 $0xD0000000, s2;
	s6 =	simm.s32 $0x108;
	_ =	swait.ge @!p0 [sflag:s8], $0x0  }
0x24: {  	s3 =	sadd.s32 $0x88, s3;
	s6 =	simm.s32 @!p1 $0x1082;
	[sflag:s4] =	ssyncset.s32 $0xFFFFF086  }
0x25: {  	[simem:s6], [sflag:s4] =	dma.local [hbm:s3], $0xF7A  }
0x26: {  	[smem:$0x3F84] =	sst s1;
	(tag) =	ssettag s2;
	_ =	strace s9  }
0x27: {  	s1 =	sld [smem:$0x3F94]  }
0x28: {  	s2 =	sld [smem:$0x3F95]  }
0x29: {  	s4 =	sld [smem:$0x3F97]  }
0x2a: {  	p0 =	seq.s32 s5, $0x0;
	s5 =	sld [smem:$0x3F98]  }
0x2b: {  	s6 =	sld [smem:$0x3F99]  }
0x2c: {  	s7 =	sld [smem:$0x3F9A]  }
0x2d: {  	s3 =	simm.s32 $0x108;
	s8 =	sld [smem:$0x3F9B]  }
0x2e: {  	s3 =	simm.s32 @!p0 $0x1082;
	s9 =	sld [smem:$0x3F9C]  }
0x2f: {  	lr =	sadd.s32 s0, s3;
	s0 =	sld [smem:$0x3F93]  }
0x30: {  	s3 =	sld [smem:$0x3F96]  }
0x31: {  	[smem:$0x3F9F] =	sst s10  }
0x32: {  	s10 =	sld [smem:$0x3F9D];
	_ =	sdelay $0x3  }
0x33: {  	p0 =	seq.s32 s10, $0x1;
	s10 =	sld [smem:$0x3F9F];
	_ =	sdelay $0x3  }
0x34: {  	[smem:$0x3F9F] =	sst s10  }
0x35: {  	s10 =	sld [smem:$0x3F9E];
	_ =	sdelay $0x3  }
0x36: {  	p1 =	seq.s32 s10, $0x1;
	s10 =	sld [smem:$0x3F9F];
	_ =	sdelay $0x3  }
0x37: {  	[smem:$0x3F9F] =	sst s10  }
0x38: {  	s10 =	sld [smem:$0x3FA0]  }
0x39: {  	_ = 	snop;
	(pc) =	sbr.ind lr, $3  }
0x3a: {  	_ = 	snop  }
0x3b: {  	_ = 	snop  }
0x3c: {  	p2 =	seq.s32 s10, $0x1;
	s10 =	sld [smem:$0x3F9F]  }
0x3d: {  	_ =	shalt  }
0x3e: {  	_ =	shalt  }
0x3f: {  	_ =	shalt  }
0x40: {  	_ =	shalt  }
0x41: {  	_ =	shalt  }
0x42: {  	_ =	shalt  }
0x43: {  	_ =	shalt  }
0x44: {  	_ =	shalt  }
0x45: {  	_ =	shalt  }
0x46: {  	_ =	shalt  }
0x47: {  	_ =	shalt  }
0x48: {  	_ =	shalt  }
0x49: {  	_ =	shalt  }
0x4a: {  	_ =	shalt  }
0x4b: {  	_ =	shalt  }
0x4c: {  	_ =	shalt  }
0x4d: {  	_ =	shalt  }
0x4e: {  	_ =	shalt  }
0x4f: {  	_ =	shalt  }
0x50: {  	_ =	shalt  }
0x51: {  	_ =	shalt  }
0x52: {  	_ =	shalt  }
0x53: {  	_ =	shalt  }
0x54: {  	_ =	shalt  }
0x55: {  	_ =	shalt  }
0x56: {  	_ =	shalt  }
0x57: {  	_ =	shalt  }
0x58: {  	_ =	shalt  }
0x59: {  	_ =	shalt  }
0x5a: {  	_ =	shalt  }
0x5b: {  	_ =	shalt  }
0x5c: {  	_ =	shalt  }
0x5d: {  	_ =	shalt  }
0x5e: {  	_ =	shalt  }
0x5f: {  	_ =	shalt  }
0x60: {  	_ =	shalt  }
0x61: {  	_ =	shalt  }
0x62: {  	_ =	shalt  }
0x63: {  	_ =	shalt  }
0x64: {  	_ =	shalt  }
0x65: {  	_ =	shalt  }
0x66: {  	_ =	shalt  }
0x67: {  	_ =	shalt  }
0x68: {  	_ =	shalt  }
0x69: {  	_ =	shalt  }
0x6a: {  	_ =	shalt  }
0x6b: {  	_ =	shalt  }
0x6c: {  	_ =	shalt  }
0x6d: {  	_ =	shalt  }
0x6e: {  	_ =	shalt  }
0x6f: {  	_ =	shalt  }
0x70: {  	_ =	shalt  }
0x71: {  	_ =	shalt  }
0x72: {  	_ =	shalt  }
0x73: {  	_ =	shalt  }
0x74: {  	_ =	shalt  }
0x75: {  	_ =	shalt  }
0x76: {  	_ =	shalt  }
0x77: {  	_ =	shalt  }
0x78: {  	_ =	shalt  }
0x79: {  	_ =	shalt  }
0x7a: {  	_ =	shalt  }
0x7b: {  	_ =	shalt  }
0x7c: {  	_ =	shalt  }
0x7d: {  	_ =	shalt  }
0x7e: {  	_ =	shalt  }
0x7f: {  	_ =	shalt  }
0x80: {  	_ =	shalt  }
0x81: {  	_ =	shalt  }
0x82: {  	_ =	shalt  }
0x83: {  	_ =	shalt  }
0x84: {  	_ =	shalt  }
0x85: {  	_ =	shalt  }
0x86: {  	_ =	shalt  }
0x87: {  	_ =	shalt  }
.Lfunc_end0:
.L_simem_size_0:
called_computation.2_lowered:
.L_overlay_start_0:
0x88: {  	s2 =	sld [smem:$0x3FD9]  }
0x89: {  	s3 =	sld [smem:$0x3FFE];
	_ =	sdelay $0x1  }
0x8a: {  	s1 =	srdreg.scid  }
0x8b: {  	s0 =	sand.u32 $0x1, s1  }
0x8c: {  	s16 =	sshll.u32 s0, $0xA;
	s2 =	sadd.s32 s3, s2  }
0x8d: {  	s2 =	sadd.s32 s2, s16  }
0x8e: {  	[smem:$0x3FAB] =	sst s2  }
0x8f: {  	_ = 	snop  }
0x90: {  	(tm) =	ssettm $0x1  }
0x91: {  	s17 =	sld [smem:$0x3FFB];
	_ =	sdelay $0x3  }
0x92: {  	_ =	strace s17  }
0x93: {  	s2 =	sld [smem:$0x3FFC];
	_ =	sdelay $0x3  }
0x94: {  	_ =	strace s2  }
0x95: {  	s2 =	sld [smem:$0x3FFD];
	_ =	sdelay $0x3  }
0x96: {  	_ =	strace s2  }
0x97: {  	_ =	strace $0x8FFFFFFF  }
0x98: {  	s18 =	sld [smem:$0x3FDB];
	_ =	sdelay $0x1  }
0x99: {  	s19 =	simm.s32 $_scs_section_size  }
0x9a: {  	s4 =	simm.s32 $_size__tile_overlayer_lowered;
	s5 =	simm.s32 $_tile_overlayer_lowered  }
0x9b: {  	s22 =	simm.s32 $0x1BFF;
	s21 =	sshll.u32 s5, $0x1;
	s2 =	sadd.s32 s19, s18  }
0x9c: {  	s6 =	simm.s32 $0x0;
	s20 =	sshll.u32 s4, $0x1;
	s4 =	sadd.s32 s21, s2  }
0x9d: {  	[timem:s6], [sflag:s22] =	dma.local [hbm:s4], s20  }
0x9e: {  	_ =	swait.ge [sflag:s22], s20  }
0x9f: {  	s3 =	ssub.s32 $0x0, s20;
	[sflag:s22] =	ssyncset.done $0x0  }
0xa0: {  	[sflag:s22] =	ssyncadd.s32 s3;
	_ =	sdelay $0x1  }
0xa1: {  	s23 =	simm.s32 $0x1B8B  }
0xa2: {  	_ =	swait.ge [sflag:s23], $0x1  }
0xa3: {  	[sflag:s23] =	ssyncset.done $0x0  }
0xa4: {  	s25 =	simm.s32 $0x1B8E;
	s24 =	sld [smem:$0x3FFE];
	[sflag:s23] =	ssyncadd.s32 $0xFFFFFFFF  }
0xa5: {  	s26 =	simm.s32 $execute0_lowered;
	[smem:$0x3FD2] =	sst s25  }
0xa6: {  	s4 =	sshll.u32 s26, $0x1;
	_ =	strace $0x8000004C;
	[dreg:$0x1] =	wrdreg $0xFFFFFFFF  }
0xa7: {  	s28 =	simm.s32 $_size_execute0_lowered;
	s2 =	sadd.s32 s2, s4;
	[dreg:$0x0] =	wrdreg $0x0  }
0xa8: {  	s4 =	sshll.u32 s28, $0x1;
	[dreg:$0x2] =	wrdreg s2  }
0xa9: {  	[dreg:$0x3] =	wrdreg s4  }
0xaa: {  	[dreg:$0x4] =	wrdreg $0xC0  }
0xab: {  	_ =	task [dreg:s6], $0x5FFFF  }
0xac: {  	[dreg:$0x1] =	wrdreg $0xFFFFFFFF  }
0xad: {  	[dreg:$0x0] =	wrdreg $0x60  }
0xae: {  	[dreg:$0x2] =	wrdreg s24  }
0xaf: {  	[dreg:$0x3] =	wrdreg $0x9  }
0xb0: {  	_ =	task.clear_ibuf [dreg:s6], $0x4FFFF;
	_ =	strace $0x9000004C  }
0xb1: {  	s29 =	simm.s32 $0x9;
	_ =	strace $0x8000004E  }
0xb2: {  	_ =	swait.ge [sflag:s29], $0x1  }
0xb3: {  	[sflag:s29] =	ssyncadd.s32 $0xFFFFFFFF  }
0xb4: {  	_ =	strace $0x9000004E  }
0xb5: {  	_ =	sfence  }
0xb6: {  	s30 =	sld [smem:$0x0];
	_ =	sdelay $0x2  }
0xb7: {  	s31 =	sshll.u32 s1, $0xD;
	s1 =	sshrl.u32 s1, $0x2  }
0xb8: {  	s3 =	sand.u32 $0x4000, s31;
	s1 =	sadd.s32 s1, s30  }
0xb9: {  	s0 =	sor.u32 s3, s0;
	s1 =	sshll.u32 s1, $0x11  }
0xba: {  	s0 =	sor.u32 s1, s0  }
0xbb: {  	s0 =	sadd.s32 $0x8F2B, s0  }
0xbc: {  	[sflag:s0] =	ssyncadd.remote.s32 $0x1  }
0xbd: {  	_ =	sfence.sel $0xFFFF  }
0xbe: {  	[dreg:$0x0] =	wrdreg $0xFFFFFFFF;
	(pc) =	sbr.abs _section_cstart, $3  }
0xbf: {  	[dreg:$0x1] =	wrdreg $0xFFFFFFFF  }
0xc0: {  	_ =	task.clear_ibuf [dreg:s6], $0x2FFFF;
	_ =	strace $0x9FFFFFFF  }
0xc1: {  	(tm) =	ssettm $0x7FFFFFFF  }
tec
execute0_lowered:
.L_overlay_start_1:
0x0: {  	(tag) =	ssettag $0x1  }
0x1: {  	s4 =	rddreg [dreg:$0x0]  }
0x2: {  	s0 =	rddreg [dreg:$0x1];
	s3 =	srdreg.scid  }
0x3: {  	s2 =	simm.s32 $0x0;
	s1 =	stileid.u32;
	s10 =	simm.s32 $0x3000  }
0x4: {  	s11 =	simm.s32 $0x4000;
	s12 =	simm.s32 $0x5000;
	s13 =	simm.s32 $0x6000  }
0x5: {  	s14 =	simm.s32 $0x7000;
	s15 =	simm.s32 $0x8000;
	s16 =	simm.s32 $0x9000  }
0x6: {  	s17 =	simm.s32 $0x1;
	s18 =	simm.s32 $0x0;
	s5 =	sand.u32 $0x1, s3  }
0x7: {  	[smem:$0x7FF] =	sst s2;
	s6 =	sshll.u32 s1, $0xE;
	s3 =	sadd.s32 $0x83E00, s4  }
0x8: {  	s30 =	sshll.u32 s1, $0x10;
	s7 =	sshll.u32 s5, $0xD;
	_ =	strace $0x8000004D  }
0x9: {  	s8 =	ssub.s32 $0x2, s5;
	s5 =	sshll.u32 s5, $0xF;
	s6 =	sor.u32 s7, s6  }
0xa: {  	s7 =	sadd.s32 s30, s4;
	s9 =	sshrl.u32 s8, $0x1;
	s6 =	sshrl.u32 s6, $0x3  }
0xb: {  	s31 =	ssub.s32 s8, s9;
	s7 =	sadd.s32 s5, s7;
	s8 =	simm.s32 $0x80  }
0xc: {  	s9 =	simm.s32 $0x2000;
	s4 =	sadd.s32 s6, s4;
	s5 =	smax.u32 s31, $0x1  }
0xd: {  	s6 =	sadd.s32 $0x17BE00, s7;
	s7 =	simm.s32 $0x2;
	s4 =	sadd.s32 $0x173E00, s4  }
.LBB2_1:
0xe: {  	[tilespmem:s2], [sflag:$0x2] =	stream.linear.gather [hbm4b:s4+s2], $0x2000, $0x38;
	[tilespmem:$0xA000] =	vst v63  }
0xf: {  	_ =	swait.ge [sflag:s7], $0x2000  }
0x10: {  	[sflag:s7] =	ssyncset.done $0x0  }
0x11: {  	s19 =	simm.s32 $0x0;
	[sflag:s7] =	ssyncadd.s32 $0xFFFFE000  }
0x12: {  	[tilespmem:s9], [sflag:$0x1] =	stream.indirect.gather [hbm4b:s3+s8], $0x20, s19, s8, $0xb8;
	[tilespmem:$0xA000] =	vst v63  }
0x13: {  	s30 =	simm.s32 $0x80  }
0x14: {  	[tilespmem:s10], [sflag:$0x1] =	stream.indirect.gather [hbm4b:s3+s8], $0x20, s30, s8, $0xb8;
	[tilespmem:$0xA000] =	vst v63  }
0x15: {  	s31 =	simm.s32 $0x100  }
0x16: {  	[tilespmem:s11], [sflag:$0x1] =	stream.indirect.gather [hbm4b:s3+s8], $0x20, s31, s8, $0xb8;
	[tilespmem:$0xA000] =	vst v63  }
0x17: {  	s20 =	simm.s32 $0x180  }
0x18: {  	[tilespmem:s12], [sflag:$0x1] =	stream.indirect.gather [hbm4b:s3+s8], $0x20, s20, s8, $0xb8;
	[tilespmem:$0xA000] =	vst v63  }
0x19: {  	s21 =	simm.s32 $0x200  }
0x1a: {  	[tilespmem:s13], [sflag:$0x1] =	stream.indirect.gather [hbm4b:s3+s8], $0x20, s21, s8, $0xb8;
	[tilespmem:$0xA000] =	vst v63  }
0x1b: {  	s22 =	simm.s32 $0x280  }
0x1c: {  	[tilespmem:s14], [sflag:$0x1] =	stream.indirect.gather [hbm4b:s3+s8], $0x20, s22, s8, $0xb8;
	[tilespmem:$0xA000] =	vst v63  }
0x1d: {  	s23 =	simm.s32 $0x300  }
0x1e: {  	[tilespmem:s15], [sflag:$0x1] =	stream.indirect.gather [hbm4b:s3+s8], $0x20, s23, s8, $0xb8;
	[tilespmem:$0xA000] =	vst v63  }
0x1f: {  	s24 =	simm.s32 $0x380  }
0x20: {  	[tilespmem:s16], [sflag:$0x1] =	stream.indirect.gather [hbm4b:s3+s8], $0x20, s24, s8, $0xb8;
	[tilespmem:$0xA000] =	vst v63  }
0x21: {  	_ =	swait.ge [sflag:s17], $0x1000  }
0x22: {  	[sflag:s17] =	ssyncset.done $0x0  }
0x23: {  	[sflag:s17] =	ssyncadd.s32 $0xFFFFF000  }
0x24: {  	_ =	swait.ge [sflag:s17], $0x1000  }
0x25: {  	[sflag:s17] =	ssyncset.done $0x0  }
0x26: {  	[sflag:s17] =	ssyncadd.s32 $0xFFFFF000  }
0x27: {  	_ =	swait.ge [sflag:s17], $0x1000  }
0x28: {  	[sflag:s17] =	ssyncset.done $0x0  }
0x29: {  	[sflag:s17] =	ssyncadd.s32 $0xFFFFF000  }
0x2a: {  	_ =	swait.ge [sflag:s17], $0x1000  }
0x2b: {  	[sflag:s17] =	ssyncset.done $0x0  }
0x2c: {  	[sflag:s17] =	ssyncadd.s32 $0xFFFFF000  }
0x2d: {  	_ =	swait.ge [sflag:s17], $0x1000  }
0x2e: {  	[sflag:s17] =	ssyncset.done $0x0  }
0x2f: {  	[sflag:s17] =	ssyncadd.s32 $0xFFFFF000  }
0x30: {  	_ =	swait.ge [sflag:s17], $0x1000  }
0x31: {  	[sflag:s17] =	ssyncset.done $0x0  }
0x32: {  	[sflag:s17] =	ssyncadd.s32 $0xFFFFF000  }
0x33: {  	_ =	swait.ge [sflag:s17], $0x1000  }
0x34: {  	[sflag:s17] =	ssyncset.done $0x0  }
0x35: {  	[sflag:s17] =	ssyncadd.s32 $0xFFFFF000  }
0x36: {  	_ =	swait.ge [sflag:s17], $0x1000  }
0x37: {  	[sflag:s17] =	ssyncset.done $0x0  }
0x38: {  	s25 =	sadd.s32 $0x0, s6;
	[sflag:s17] =	ssyncadd.s32 $0xFFFFF000  }
0x39: {  	[hbm4b:s25+s2] =	stream.linear.scatter [tilespmem:s9], [sflag:$0x2], $0x1000, $0x38;
	[tilespmem:$0xA000] =	vst v63  }
0x3a: {  	_ =	swait.ge [sflag:s7], $0x1000  }
0x3b: {  	[sflag:s7] =	ssyncset.done $0x0  }
0x3c: {  	s20 =	sadd.s32 $0x200, s25;
	[sflag:s7] =	ssyncadd.s32 $0xFFFFF000  }
0x3d: {  	[hbm4b:s20+s2] =	stream.linear.scatter [tilespmem:s10], [sflag:$0x2], $0x1000, $0x38;
	[tilespmem:$0xA000] =	vst v63  }
0x3e: {  	_ =	swait.ge [sflag:s7], $0x1000  }
0x3f: {  	[sflag:s7] =	ssyncset.done $0x0  }
0x40: {  	s26 =	sadd.s32 $0x400, s25;
	[sflag:s7] =	ssyncadd.s32 $0xFFFFF000  }
0x41: {  	[hbm4b:s26+s2] =	stream.linear.scatter [tilespmem:s11], [sflag:$0x2], $0x1000, $0x38;
	[tilespmem:$0xA000] =	vst v63  }
0x42: {  	_ =	swait.ge [sflag:s7], $0x1000  }
0x43: {  	[sflag:s7] =	ssyncset.done $0x0  }
0x44: {  	s28 =	sadd.s32 $0x600, s25;
	[sflag:s7] =	ssyncadd.s32 $0xFFFFF000  }
0x45: {  	[hbm4b:s28+s2] =	stream.linear.scatter [tilespmem:s12], [sflag:$0x2], $0x1000, $0x38;
	[tilespmem:$0xA000] =	vst v63  }
0x46: {  	_ =	swait.ge [sflag:s7], $0x1000  }
0x47: {  	[sflag:s7] =	ssyncset.done $0x0  }
0x48: {  	s29 =	sadd.s32 $0x800, s25;
	[sflag:s7] =	ssyncadd.s32 $0xFFFFF000  }
0x49: {  	[hbm4b:s29+s2] =	stream.linear.scatter [tilespmem:s13], [sflag:$0x2], $0x1000, $0x38;
	[tilespmem:$0xA000] =	vst v63  }
0x4a: {  	_ =	swait.ge [sflag:s7], $0x1000  }
0x4b: {  	[sflag:s7] =	ssyncset.done $0x0  }
0x4c: {  	s30 =	sadd.s32 $0xA00, s25;
	[sflag:s7] =	ssyncadd.s32 $0xFFFFF000  }
0x4d: {  	[hbm4b:s30+s2] =	stream.linear.scatter [tilespmem:s14], [sflag:$0x2], $0x1000, $0x38;
	[tilespmem:$0xA000] =	vst v63  }
0x4e: {  	_ =	swait.ge [sflag:s7], $0x1000  }
0x4f: {  	[sflag:s7] =	ssyncset.done $0x0  }
0x50: {  	s31 =	sadd.s32 $0xC00, s25;
	[sflag:s7] =	ssyncadd.s32 $0xFFFFF000  }
0x51: {  	[hbm4b:s31+s2] =	stream.linear.scatter [tilespmem:s15], [sflag:$0x2], $0x1000, $0x38;
	[tilespmem:$0xA000] =	vst v63  }
0x52: {  	_ =	swait.ge [sflag:s7], $0x1000  }
0x53: {  	[sflag:s7] =	ssyncset.done $0x0  }
0x54: {  	s19 =	sadd.s32 $0xE00, s25;
	[sflag:s7] =	ssyncadd.s32 $0xFFFFF000  }
0x55: {  	[hbm4b:s19+s2] =	stream.linear.scatter [tilespmem:s16], [sflag:$0x2], $0x1000, $0x38;
	[tilespmem:$0xA000] =	vst v63  }
0x56: {  	_ =	swait.ge [sflag:s7], $0x1000  }
0x57: {  	s22 =	simm.s32 $0x2000;
	s19 =	simm.s32 $0x1000;
	[sflag:s7] =	ssyncset.done $0x0  }
.LBB2_2:
0x58: {  	s23 =	sshra.s32 s19, $0x2  }
0x59: {  	[sflag:s7] =	ssyncadd.s32 $0xFFFFF000;
	s21 =	smov.u32 s22;
	s20 =	sadd.s32 $0x1000, s22  }
0x5a: {  	[tilespmem:s9], [sflag:$0x1] =	stream.indirect.gather [hbm4b:s3+s8], $0x20, s23, s8, $0xb8;
	[tilespmem:$0xA000] =	vst v63  }
0x5b: {  	p0 =	sne.s32 s22, $0x7000;
	s22 =	sadd.s32 $0x80, s23  }
0x5c: {  	[tilespmem:s10], [sflag:$0x1] =	stream.indirect.gather [hbm4b:s3+s8], $0x20, s22, s8, $0xb8;
	[tilespmem:$0xA000] =	vst v63  }
0x5d: {  	s22 =	sadd.s32 $0x100, s23  }
0x5e: {  	[tilespmem:s11], [sflag:$0x1] =	stream.indirect.gather [hbm4b:s3+s8], $0x20, s22, s8, $0xb8;
	[tilespmem:$0xA000] =	vst v63  }
0x5f: {  	s22 =	sadd.s32 $0x180, s23  }
0x60: {  	[tilespmem:s12], [sflag:$0x1] =	stream.indirect.gather [hbm4b:s3+s8], $0x20, s22, s8, $0xb8;
	[tilespmem:$0xA000] =	vst v63  }
0x61: {  	s22 =	sadd.s32 $0x200, s23  }
0x62: {  	[tilespmem:s13], [sflag:$0x1] =	stream.indirect.gather [hbm4b:s3+s8], $0x20, s22, s8, $0xb8;
	[tilespmem:$0xA000] =	vst v63  }
0x63: {  	s22 =	sadd.s32 $0x280, s23  }
0x64: {  	[tilespmem:s14], [sflag:$0x1] =	stream.indirect.gather [hbm4b:s3+s8], $0x20, s22, s8, $0xb8;
	[tilespmem:$0xA000] =	vst v63  }
0x65: {  	s22 =	sadd.s32 $0x300, s23  }
0x66: {  	[tilespmem:s15], [sflag:$0x1] =	stream.indirect.gather [hbm4b:s3+s8], $0x20, s22, s8, $0xb8;
	[tilespmem:$0xA000] =	vst v63  }
0x67: {  	s22 =	sadd.s32 $0x380, s23  }
0x68: {  	[tilespmem:s16], [sflag:$0x1] =	stream.indirect.gather [hbm4b:s3+s8], $0x20, s22, s8, $0xb8;
	[tilespmem:$0xA000] =	vst v63  }
0x69: {  	_ =	swait.ge [sflag:s17], $0x1000  }
0x6a: {  	[sflag:s17] =	ssyncset.done $0x0  }
0x6b: {  	[sflag:s17] =	ssyncadd.s32 $0xFFFFF000  }
0x6c: {  	_ =	swait.ge [sflag:s17], $0x1000  }
0x6d: {  	[sflag:s17] =	ssyncset.done $0x0  }
0x6e: {  	[sflag:s17] =	ssyncadd.s32 $0xFFFFF000  }
0x6f: {  	_ =	swait.ge [sflag:s17], $0x1000  }
0x70: {  	[sflag:s17] =	ssyncset.done $0x0  }
0x71: {  	[sflag:s17] =	ssyncadd.s32 $0xFFFFF000  }
0x72: {  	_ =	swait.ge [sflag:s17], $0x1000  }
0x73: {  	[sflag:s17] =	ssyncset.done $0x0  }
0x74: {  	[sflag:s17] =	ssyncadd.s32 $0xFFFFF000  }
0x75: {  	_ =	swait.ge [sflag:s17], $0x1000  }
0x76: {  	[sflag:s17] =	ssyncset.done $0x0  }
0x77: {  	[sflag:s17] =	ssyncadd.s32 $0xFFFFF000  }
0x78: {  	_ =	swait.ge [sflag:s17], $0x1000  }
0x79: {  	[sflag:s17] =	ssyncset.done $0x0  }
0x7a: {  	[sflag:s17] =	ssyncadd.s32 $0xFFFFF000  }
0x7b: {  	_ =	swait.ge [sflag:s17], $0x1000  }
0x7c: {  	[sflag:s17] =	ssyncset.done $0x0  }
0x7d: {  	[sflag:s17] =	ssyncadd.s32 $0xFFFFF000  }
0x7e: {  	_ =	swait.ge [sflag:s17], $0x1000  }
0x7f: {  	[sflag:s17] =	ssyncset.done $0x0  }
0x80: {  	s22 =	sadd.s32 s19, s6;
	s19 =	smov.u32 s21;
	[sflag:s17] =	ssyncadd.s32 $0xFFFFF000  }
0x81: {  	[hbm4b:s22+s2] =	stream.linear.scatter [tilespmem:s9], [sflag:$0x2], $0x1000, $0x38;
	[tilespmem:$0xA000] =	vst v63  }
0x82: {  	_ =	swait.ge [sflag:s7], $0x1000  }
0x83: {  	[sflag:s7] =	ssyncset.done $0x0  }
0x84: {  	s21 =	sadd.s32 $0x200, s22;
	[sflag:s7] =	ssyncadd.s32 $0xFFFFF000  }
0x85: {  	[hbm4b:s21+s2] =	stream.linear.scatter [tilespmem:s10], [sflag:$0x2], $0x1000, $0x38;
	[tilespmem:$0xA000] =	vst v63  }
0x86: {  	_ =	swait.ge [sflag:s7], $0x1000  }
0x87: {  	[sflag:s7] =	ssyncset.done $0x0  }
0x88: {  	s21 =	sadd.s32 $0x400, s22;
	[sflag:s7] =	ssyncadd.s32 $0xFFFFF000  }
0x89: {  	[hbm4b:s21+s2] =	stream.linear.scatter [tilespmem:s11], [sflag:$0x2], $0x1000, $0x38;
	[tilespmem:$0xA000] =	vst v63  }
0x8a: {  	_ =	swait.ge [sflag:s7], $0x1000  }
0x8b: {  	[sflag:s7] =	ssyncset.done $0x0  }
0x8c: {  	s21 =	sadd.s32 $0x600, s22;
	[sflag:s7] =	ssyncadd.s32 $0xFFFFF000  }
0x8d: {  	[hbm4b:s21+s2] =	stream.linear.scatter [tilespmem:s12], [sflag:$0x2], $0x1000, $0x38;
	[tilespmem:$0xA000] =	vst v63  }
0x8e: {  	_ =	swait.ge [sflag:s7], $0x1000  }
0x8f: {  	[sflag:s7] =	ssyncset.done $0x0  }
0x90: {  	s21 =	sadd.s32 $0x800, s22;
	[sflag:s7] =	ssyncadd.s32 $0xFFFFF000  }
0x91: {  	[hbm4b:s21+s2] =	stream.linear.scatter [tilespmem:s13], [sflag:$0x2], $0x1000, $0x38;
	[tilespmem:$0xA000] =	vst v63  }
0x92: {  	_ =	swait.ge [sflag:s7], $0x1000  }
0x93: {  	[sflag:s7] =	ssyncset.done $0x0  }
0x94: {  	s21 =	sadd.s32 $0xA00, s22;
	[sflag:s7] =	ssyncadd.s32 $0xFFFFF000  }
0x95: {  	[hbm4b:s21+s2] =	stream.linear.scatter [tilespmem:s14], [sflag:$0x2], $0x1000, $0x38;
	[tilespmem:$0xA000] =	vst v63  }
0x96: {  	_ =	swait.ge [sflag:s7], $0x1000  }
0x97: {  	[sflag:s7] =	ssyncset.done $0x0  }
0x98: {  	s21 =	sadd.s32 $0xC00, s22;
	[sflag:s7] =	ssyncadd.s32 $0xFFFFF000  }
0x99: {  	[hbm4b:s21+s2] =	stream.linear.scatter [tilespmem:s15], [sflag:$0x2], $0x1000, $0x38;
	[tilespmem:$0xA000] =	vst v63  }
0x9a: {  	_ =	swait.ge [sflag:s7], $0x1000  }
.Ltmp0:
0x9b: {  	[sflag:s7] =	ssyncset.done $0x0;
	(pc) =	sbr.rel @p0 .LBB2_2-.Ltmp0, $4  }
0x9c: {  	s21 =	sadd.s32 $0xE00, s22;
	[sflag:s7] =	ssyncadd.s32 $0xFFFFF000  }
0x9d: {  	[hbm4b:s21+s2] =	stream.linear.scatter [tilespmem:s16], [sflag:$0x2], $0x1000, $0x38;
	[tilespmem:$0xA000] =	vst v63  }
0x9e: {  	_ =	swait.ge [sflag:s7], $0x1000  }
0x9f: {  	s22 =	smov.u32 s20;
	[sflag:s7] =	ssyncset.done $0x0  }
0xa0: {  	s20 =	sshra.s32 s19, $0x2;
	[sflag:s7] =	ssyncadd.s32 $0xFFFFF000  }
0xa1: {  	[tilespmem:s9], [sflag:$0x1] =	stream.indirect.gather [hbm4b:s3+s8], $0x20, s20, s8, $0xb8;
	[tilespmem:$0xA000] =	vst v63  }
0xa2: {  	s21 =	sadd.s32 $0x80, s20  }
0xa3: {  	[tilespmem:s10], [sflag:$0x1] =	stream.indirect.gather [hbm4b:s3+s8], $0x20, s21, s8, $0xb8;
	[tilespmem:$0xA000] =	vst v63  }
0xa4: {  	s29 =	sadd.s32 $0x100, s20  }
0xa5: {  	[tilespmem:s11], [sflag:$0x1] =	stream.indirect.gather [hbm4b:s3+s8], $0x20, s29, s8, $0xb8;
	[tilespmem:$0xA000] =	vst v63  }
0xa6: {  	s30 =	sadd.s32 $0x180, s20  }
0xa7: {  	[tilespmem:s12], [sflag:$0x1] =	stream.indirect.gather [hbm4b:s3+s8], $0x20, s30, s8, $0xb8;
	[tilespmem:$0xA000] =	vst v63  }
0xa8: {  	s31 =	sadd.s32 $0x200, s20  }
0xa9: {  	[tilespmem:s13], [sflag:$0x1] =	stream.indirect.gather [hbm4b:s3+s8], $0x20, s31, s8, $0xb8;
	[tilespmem:$0xA000] =	vst v63  }
0xaa: {  	s22 =	sadd.s32 $0x280, s20  }
0xab: {  	[tilespmem:s14], [sflag:$0x1] =	stream.indirect.gather [hbm4b:s3+s8], $0x20, s22, s8, $0xb8;
	[tilespmem:$0xA000] =	vst v63  }
0xac: {  	s23 =	sadd.s32 $0x300, s20  }
0xad: {  	[tilespmem:s15], [sflag:$0x1] =	stream.indirect.gather [hbm4b:s3+s8], $0x20, s23, s8, $0xb8;
	[tilespmem:$0xA000] =	vst v63  }
0xae: {  	s20 =	sadd.s32 $0x380, s20  }
0xaf: {  	[tilespmem:s16], [sflag:$0x1] =	stream.indirect.gather [hbm4b:s3+s8], $0x20, s20, s8, $0xb8;
	[tilespmem:$0xA000] =	vst v63  }
0xb0: {  	_ =	swait.ge [sflag:s17], $0x1000  }
0xb1: {  	[sflag:s17] =	ssyncset.done $0x0  }
0xb2: {  	[sflag:s17] =	ssyncadd.s32 $0xFFFFF000  }
0xb3: {  	_ =	swait.ge [sflag:s17], $0x1000  }
0xb4: {  	[sflag:s17] =	ssyncset.done $0x0  }
0xb5: {  	[sflag:s17] =	ssyncadd.s32 $0xFFFFF000  }
0xb6: {  	_ =	swait.ge [sflag:s17], $0x1000  }
0xb7: {  	[sflag:s17] =	ssyncset.done $0x0  }
0xb8: {  	[sflag:s17] =	ssyncadd.s32 $0xFFFFF000  }
0xb9: {  	_ =	swait.ge [sflag:s17], $0x1000  }
0xba: {  	[sflag:s17] =	ssyncset.done $0x0  }
0xbb: {  	[sflag:s17] =	ssyncadd.s32 $0xFFFFF000  }
0xbc: {  	_ =	swait.ge [sflag:s17], $0x1000  }
0xbd: {  	[sflag:s17] =	ssyncset.done $0x0  }
0xbe: {  	[sflag:s17] =	ssyncadd.s32 $0xFFFFF000  }
0xbf: {  	_ =	swait.ge [sflag:s17], $0x1000  }
0xc0: {  	[sflag:s17] =	ssyncset.done $0x0  }
0xc1: {  	[sflag:s17] =	ssyncadd.s32 $0xFFFFF000  }
0xc2: {  	_ =	swait.ge [sflag:s17], $0x1000  }
0xc3: {  	[sflag:s17] =	ssyncset.done $0x0  }
0xc4: {  	[sflag:s17] =	ssyncadd.s32 $0xFFFFF000  }
0xc5: {  	_ =	swait.ge [sflag:s17], $0x1000  }
0xc6: {  	[sflag:s17] =	ssyncset.done $0x0  }
0xc7: {  	s24 =	sadd.s32 s19, s6;
	[sflag:s17] =	ssyncadd.s32 $0xFFFFF000  }
0xc8: {  	[hbm4b:s24+s2] =	stream.linear.scatter [tilespmem:s9], [sflag:$0x2], $0x1000, $0x38;
	[tilespmem:$0xA000] =	vst v63  }
0xc9: {  	_ =	swait.ge [sflag:s7], $0x1000  }
0xca: {  	[sflag:s7] =	ssyncset.done $0x0  }
0xcb: {  	s25 =	sadd.s32 $0x200, s24;
	[sflag:s7] =	ssyncadd.s32 $0xFFFFF000  }
0xcc: {  	[hbm4b:s25+s2] =	stream.linear.scatter [tilespmem:s10], [sflag:$0x2], $0x1000, $0x38;
	[tilespmem:$0xA000] =	vst v63  }
0xcd: {  	_ =	swait.ge [sflag:s7], $0x1000  }
0xce: {  	[sflag:s7] =	ssyncset.done $0x0  }
0xcf: {  	s26 =	sadd.s32 $0x400, s24;
	[sflag:s7] =	ssyncadd.s32 $0xFFFFF000  }
0xd0: {  	[hbm4b:s26+s2] =	stream.linear.scatter [tilespmem:s11], [sflag:$0x2], $0x1000, $0x38;
	[tilespmem:$0xA000] =	vst v63  }
0xd1: {  	_ =	swait.ge [sflag:s7], $0x1000  }
0xd2: {  	[sflag:s7] =	ssyncset.done $0x0  }
0xd3: {  	s28 =	sadd.s32 $0x600, s24;
	[sflag:s7] =	ssyncadd.s32 $0xFFFFF000  }
0xd4: {  	[hbm4b:s28+s2] =	stream.linear.scatter [tilespmem:s12], [sflag:$0x2], $0x1000, $0x38;
	[tilespmem:$0xA000] =	vst v63  }
0xd5: {  	_ =	swait.ge [sflag:s7], $0x1000  }
0xd6: {  	[sflag:s7] =	ssyncset.done $0x0  }
0xd7: {  	s29 =	sadd.s32 $0x800, s24;
	[sflag:s7] =	ssyncadd.s32 $0xFFFFF000  }
0xd8: {  	[hbm4b:s29+s2] =	stream.linear.scatter [tilespmem:s13], [sflag:$0x2], $0x1000, $0x38;
	[tilespmem:$0xA000] =	vst v63  }
0xd9: {  	_ =	swait.ge [sflag:s7], $0x1000  }
0xda: {  	[sflag:s7] =	ssyncset.done $0x0  }
0xdb: {  	s30 =	sadd.s32 $0xA00, s24;
	[sflag:s7] =	ssyncadd.s32 $0xFFFFF000  }
0xdc: {  	[hbm4b:s30+s2] =	stream.linear.scatter [tilespmem:s14], [sflag:$0x2], $0x1000, $0x38;
	[tilespmem:$0xA000] =	vst v63  }
0xdd: {  	_ =	swait.ge [sflag:s7], $0x1000  }
0xde: {  	[sflag:s7] =	ssyncset.done $0x0  }
0xdf: {  	s31 =	sadd.s32 $0xC00, s24;
	[sflag:s7] =	ssyncadd.s32 $0xFFFFF000  }
0xe0: {  	[hbm4b:s31+s2] =	stream.linear.scatter [tilespmem:s15], [sflag:$0x2], $0x1000, $0x38;
	[tilespmem:$0xA000] =	vst v63  }
0xe1: {  	s18 =	sadd.s32 $0x1, s18;
	_ =	swait.ge [sflag:s7], $0x1000  }
0xe2: {  	p0 =	sne.s32 s18, s5;
	[sflag:s7] =	ssyncset.done $0x0  }
.Ltmp1:
0xe3: {  	s19 =	sadd.s32 $0xE00, s24;
	[sflag:s7] =	ssyncadd.s32 $0xFFFFF000;
	(pc) =	sbr.rel @p0 .LBB2_1-.Ltmp1, $4  }
0xe4: {  	[hbm4b:s19+s2] =	stream.linear.scatter [tilespmem:s16], [sflag:$0x2], $0x1000, $0x38;
	[tilespmem:$0xA000] =	vst v63  }
0xe5: {  	_ =	swait.ge [sflag:s7], $0x1000  }
0xe6: {  	[sflag:s7] =	ssyncset.done $0x0  }
0xe7: {  	[sflag:s7] =	ssyncadd.s32 $0xFFFFF000  }
0xe8: {  	_ =	sfence.sel $0x180000  }
0xe9: {  	[bflag:$0x0] =	sbarrier.arrive $0xFFFF  }
0xea: {  	p0 =	sne.s32 s1, $0x0;
	_ =	strace $0x9000004D  }
0xeb: {  	s0 =	sadd.s32 @!p0 $0x100000, s0;
	[bflag:$0x2] =	sbarrier.arrive $0xFFFF  }
0xec: {  	[sflag:s0] =	ssyncadd.tile.s32 @!p0 $0x1;
	_ =	shalt  }
.Lfunc_end2:
_tile_overlayer_lowered:
.L_overlay_start_2:
0xed: {  	(tag) =	ssettag $0x2  }
0xee: {  	s0 =	rddreg [dreg:$0x0];
	s2 =	stileid.u32  }
0xef: {  	s1 =	rddreg [dreg:$0x1];
	p0 =	sne.s32 s2, $0x0  }
0xf0: {  	s3 =	rddreg [dreg:$0x2];
	[bflag:$0x3] =	sbarrier.arrive $0xFFFF;
	s2 =	simm.s32 @!p0 $0x1C02  }
0xf1: {  	[timem:s3], [sflag:s2] =	dma.local @!p0 [hbm:s0], s1  }
0xf2: {  	s0 =	simm.s32 @!p0 $0x2  }
0xf3: {  	_ =	swait.ge @!p0 [sflag:s0], s1  }
0xf4: {  	s1 =	ssub.s32 @!p0 $0x0, s1;
	[sflag:s0] =	ssyncset.done @!p0 $0x0  }
0xf5: {  	[sflag:s0] =	ssyncadd.s32 @!p0 s1  }
0xf6: {  	[bflag:$0x3] =	sbarrier.arrive $0xFFFF  }
0xf7: {  	_ =	shalt  }

// kernel: kernel.25.cloned.1.call-start
scs
__scs_entry_jumppad:
0x0: {  	(pc) =	sbr.rel $0x88, $3  }
0x1: {  	(tag) =	ssettag $0x0;
	lr =	simm.s32 $0x1  }
0x2: {  	[smem:$0x3F84] =	sst lr;
	_ =	strace $0xD0000000  }
0x3: {  	_ = 	snop  }
0x4: {  	_ = 	snop  }
0x5: {  	_ = 	snop  }
0x6: {  	_ = 	snop  }
0x7: {  	_ = 	snop  }
__scs_overlays_trampoline_lowered:
0x8: {  	[smem:$0x3F93] =	sst s0  }
0x9: {  	[smem:$0x3F94] =	sst s1  }
0xa: {  	[smem:$0x3F95] =	sst s2  }
0xb: {  	[smem:$0x3F96] =	sst s3  }
0xc: {  	[smem:$0x3F97] =	sst s4  }
0xd: {  	[smem:$0x3F98] =	sst s5  }
0xe: {  	[smem:$0x3F99] =	sst s6  }
0xf: {  	[smem:$0x3F9A] =	sst s7  }
0x10: {  	[smem:$0x3F9B] =	sst s8  }
0x11: {  	[smem:$0x3F9C] =	sst s9;
	s0 =	simm.s32 @!p0 $0x0  }
0x12: {  	s1 =	sld [smem:$0x3F82];
	s0 =	simm.s32 @p0 $0x1  }
0x13: {  	[smem:$0x3F9D] =	sst s0;
	s0 =	simm.s32 @!p1 $0x0  }
0x14: {  	s2 =	sld [smem:$0x3F81];
	s0 =	simm.s32 @p1 $0x1  }
0x15: {  	[smem:$0x3F9E] =	sst s0;
	s0 =	simm.s32 @!p2 $0x0  }
0x16: {  	s3 =	sld [smem:$0x3FDB];
	s0 =	simm.s32 @p2 $0x1  }
0x17: {  	s4 =	simm.s32 $0x1BF5;
	[smem:$0x3FA0] =	sst s0  }
0x18: {  	s0 =	sld [smem:$0x3F83];
	_ =	swait.ge [sflag:s4], $0x0  }
0x19: {  	s7 =	sld [smem:$0x3F84]  }
0x1a: {  	s8 =	sadd.s32 $0xFFFFE003, lr  }
0x1b: {  	s9 =	sadd.s32 $0xFFFFFEF7, lr;
	s5 =	simm.s32 $0xFFFFFFFF;
	p2 =	slt.u32 s8, $0xFFFFF086  }
0x1c: {  	p1 =	slt.u32 s9, $0xF7A;
	s5 =	simm.s32 @!p2 $0x0  }
0x1d: {  	s5 =	simm.s32 @p1 $0x1;
	p0 =	seq.s32 s7, s2  }
0x1e: {  	s7 =	smul.u32 @!p0 $0xF7A, s2;
	p2 =	seq.s32 @!p0 s5, $0x0  }
0x1f: {  	s9 =	smul.u32 $0xF7A, s1;
	s8 =	simm.s32 @!p0 $0x1BF5;
	p2 =	por !p2, p0  }
0x20: {  	[sflag:s8] =	ssyncset.s32 @!p0 $0xFFFFF086;
	s6 =	sadd.s32 @!p0 s3, s7;
	s7 =	simm.s32 @!p0 $0x108  }
0x21: {  	s3 =	sadd.s32 s3, s9;
	s6 =	sadd.s32 @!p0 $0x88, s6;
	s7 =	simm.s32 @p2 $0x1082  }
0x22: {  	[simem:s7], [sflag:s8] =	dma.local @!p0 [hbm:s6], $0xF7A  }
0x23: {  	s9 =	sor.u32 $0xD0000000, s2;
	s6 =	simm.s32 $0x108;
	_ =	swait.ge @!p0 [sflag:s8], $0x0  }
0x24: {  	s3 =	sadd.s32 $0x88, s3;
	s6 =	simm.s32 @!p1 $0x1082;
	[sflag:s4] =	ssyncset.s32 $0xFFFFF086  }
0x25: {  	[simem:s6], [sflag:s4] =	dma.local [hbm:s3], $0xF7A  }
0x26: {  	[smem:$0x3F84] =	sst s1;
	(tag) =	ssettag s2;
	_ =	strace s9  }
0x27: {  	s1 =	sld [smem:$0x3F94]  }
0x28: {  	s2 =	sld [smem:$0x3F95]  }
0x29: {  	s4 =	sld [smem:$0x3F97]  }
0x2a: {  	p0 =	seq.s32 s5, $0x0;
	s5 =	sld [smem:$0x3F98]  }
0x2b: {  	s6 =	sld [smem:$0x3F99]  }
0x2c: {  	s7 =	sld [smem:$0x3F9A]  }
0x2d: {  	s3 =	simm.s32 $0x108;
	s8 =	sld [smem:$0x3F9B]  }
0x2e: {  	s3 =	simm.s32 @!p0 $0x1082;
	s9 =	sld [smem:$0x3F9C]  }
0x2f: {  	lr =	sadd.s32 s0, s3;
	s0 =	sld [smem:$0x3F93]  }
0x30: {  	s3 =	sld [smem:$0x3F96]  }
0x31: {  	[smem:$0x3F9F] =	sst s10  }
0x32: {  	s10 =	sld [smem:$0x3F9D];
	_ =	sdelay $0x3  }
0x33: {  	p0 =	seq.s32 s10, $0x1;
	s10 =	sld [smem:$0x3F9F];
	_ =	sdelay $0x3  }
0x34: {  	[smem:$0x3F9F] =	sst s10  }
0x35: {  	s10 =	sld [smem:$0x3F9E];
	_ =	sdelay $0x3  }
0x36: {  	p1 =	seq.s32 s10, $0x1;
	s10 =	sld [smem:$0x3F9F];
	_ =	sdelay $0x3  }
0x37: {  	[smem:$0x3F9F] =	sst s10  }
0x38: {  	s10 =	sld [smem:$0x3FA0]  }
0x39: {  	_ = 	snop;
	(pc) =	sbr.ind lr, $3  }
0x3a: {  	_ = 	snop  }
0x3b: {  	_ = 	snop  }
0x3c: {  	p2 =	seq.s32 s10, $0x1;
	s10 =	sld [smem:$0x3F9F]  }
0x3d: {  	_ =	shalt  }
0x3e: {  	_ =	shalt  }
0x3f: {  	_ =	shalt  }
0x40: {  	_ =	shalt  }
0x41: {  	_ =	shalt  }
0x42: {  	_ =	shalt  }
0x43: {  	_ =	shalt  }
0x44: {  	_ =	shalt  }
0x45: {  	_ =	shalt  }
0x46: {  	_ =	shalt  }
0x47: {  	_ =	shalt  }
0x48: {  	_ =	shalt  }
0x49: {  	_ =	shalt  }
0x4a: {  	_ =	shalt  }
0x4b: {  	_ =	shalt  }
0x4c: {  	_ =	shalt  }
0x4d: {  	_ =	shalt  }
0x4e: {  	_ =	shalt  }
0x4f: {  	_ =	shalt  }
0x50: {  	_ =	shalt  }
0x51: {  	_ =	shalt  }
0x52: {  	_ =	shalt  }
0x53: {  	_ =	shalt  }
0x54: {  	_ =	shalt  }
0x55: {  	_ =	shalt  }
0x56: {  	_ =	shalt  }
0x57: {  	_ =	shalt  }
0x58: {  	_ =	shalt  }
0x59: {  	_ =	shalt  }
0x5a: {  	_ =	shalt  }
0x5b: {  	_ =	shalt  }
0x5c: {  	_ =	shalt  }
0x5d: {  	_ =	shalt  }
0x5e: {  	_ =	shalt  }
0x5f: {  	_ =	shalt  }
0x60: {  	_ =	shalt  }
0x61: {  	_ =	shalt  }
0x62: {  	_ =	shalt  }
0x63: {  	_ =	shalt  }
0x64: {  	_ =	shalt  }
0x65: {  	_ =	shalt  }
0x66: {  	_ =	shalt  }
0x67: {  	_ =	shalt  }
0x68: {  	_ =	shalt  }
0x69: {  	_ =	shalt  }
0x6a: {  	_ =	shalt  }
0x6b: {  	_ =	shalt  }
0x6c: {  	_ =	shalt  }
0x6d: {  	_ =	shalt  }
0x6e: {  	_ =	shalt  }
0x6f: {  	_ =	shalt  }
0x70: {  	_ =	shalt  }
0x71: {  	_ =	shalt  }
0x72: {  	_ =	shalt  }
0x73: {  	_ =	shalt  }
0x74: {  	_ =	shalt  }
0x75: {  	_ =	shalt  }
0x76: {  	_ =	shalt  }
0x77: {  	_ =	shalt  }
0x78: {  	_ =	shalt  }
0x79: {  	_ =	shalt  }
0x7a: {  	_ =	shalt  }
0x7b: {  	_ =	shalt  }
0x7c: {  	_ =	shalt  }
0x7d: {  	_ =	shalt  }
0x7e: {  	_ =	shalt  }
0x7f: {  	_ =	shalt  }
0x80: {  	_ =	shalt  }
0x81: {  	_ =	shalt  }
0x82: {  	_ =	shalt  }
0x83: {  	_ =	shalt  }
0x84: {  	_ =	shalt  }
0x85: {  	_ =	shalt  }
0x86: {  	_ =	shalt  }
0x87: {  	_ =	shalt  }
.Lfunc_end0:
.L_simem_size_0:
called_computation.3_lowered:
.L_overlay_start_0:
0x88: {  	s2 =	sld [smem:$0x3FD9]  }
0x89: {  	s3 =	sld [smem:$0x3FFE];
	_ =	sdelay $0x1  }
0x8a: {  	s1 =	srdreg.scid  }
0x8b: {  	s0 =	sand.u32 $0x1, s1  }
0x8c: {  	s16 =	sshll.u32 s0, $0xA;
	s2 =	sadd.s32 s3, s2  }
0x8d: {  	s2 =	sadd.s32 s2, s16  }
0x8e: {  	[smem:$0x3FAB] =	sst s2  }
0x8f: {  	_ = 	snop  }
0x90: {  	(tm) =	ssettm $0x1  }
0x91: {  	s17 =	sld [smem:$0x3FFB];
	_ =	sdelay $0x3  }
0x92: {  	_ =	strace s17  }
0x93: {  	s2 =	sld [smem:$0x3FFC];
	_ =	sdelay $0x3  }
0x94: {  	_ =	strace s2  }
0x95: {  	s2 =	sld [smem:$0x3FFD];
	_ =	sdelay $0x3  }
0x96: {  	_ =	strace s2  }
0x97: {  	_ =	strace $0x8FFFFFFF  }
0x98: {  	s18 =	sld [smem:$0x3FDB];
	_ =	sdelay $0x1  }
0x99: {  	s19 =	simm.s32 $_scs_section_size  }
0x9a: {  	s4 =	simm.s32 $_size__tile_overlayer_lowered;
	s5 =	simm.s32 $_tile_overlayer_lowered  }
0x9b: {  	s22 =	simm.s32 $0x1BFF;
	s21 =	sshll.u32 s5, $0x1;
	s2 =	sadd.s32 s19, s18  }
0x9c: {  	s6 =	simm.s32 $0x0;
	s20 =	sshll.u32 s4, $0x1;
	s4 =	sadd.s32 s21, s2  }
0x9d: {  	[timem:s6], [sflag:s22] =	dma.local [hbm:s4], s20  }
0x9e: {  	_ =	swait.ge [sflag:s22], s20  }
0x9f: {  	s3 =	ssub.s32 $0x0, s20;
	[sflag:s22] =	ssyncset.done $0x0  }
0xa0: {  	[sflag:s22] =	ssyncadd.s32 s3;
	_ =	sdelay $0x1  }
0xa1: {  	s23 =	simm.s32 $0x1B8B  }
0xa2: {  	_ =	swait.ge [sflag:s23], $0x1  }
0xa3: {  	[sflag:s23] =	ssyncset.done $0x0  }
0xa4: {  	s25 =	simm.s32 $0x1B8E;
	s24 =	sld [smem:$0x3FFE];
	[sflag:s23] =	ssyncadd.s32 $0xFFFFFFFF  }
0xa5: {  	s26 =	simm.s32 $execute0_lowered;
	[smem:$0x3FD2] =	sst s25  }
0xa6: {  	s4 =	sshll.u32 s26, $0x1;
	_ =	strace $0x8000004F;
	[dreg:$0x1] =	wrdreg $0xFFFFFFFF  }
0xa7: {  	s28 =	simm.s32 $_size_execute0_lowered;
	s2 =	sadd.s32 s2, s4;
	[dreg:$0x0] =	wrdreg $0x0  }
0xa8: {  	s4 =	sshll.u32 s28, $0x1;
	[dreg:$0x2] =	wrdreg s2  }
0xa9: {  	[dreg:$0x3] =	wrdreg s4  }
0xaa: {  	[dreg:$0x4] =	wrdreg $0xC0  }
0xab: {  	_ =	task [dreg:s6], $0x5FFFF  }
0xac: {  	[dreg:$0x1] =	wrdreg $0xFFFFFFFF  }
0xad: {  	[dreg:$0x0] =	wrdreg $0x60  }
0xae: {  	[dreg:$0x2] =	wrdreg s24  }
0xaf: {  	[dreg:$0x3] =	wrdreg $0x9  }
0xb0: {  	_ =	task.clear_ibuf [dreg:s6], $0x4FFFF;
	_ =	strace $0x9000004F  }
0xb1: {  	s29 =	simm.s32 $0x9;
	_ =	strace $0x80000051  }
0xb2: {  	_ =	swait.ge [sflag:s29], $0x1  }
0xb3: {  	[sflag:s29] =	ssyncadd.s32 $0xFFFFFFFF  }
0xb4: {  	_ =	strace $0x90000051  }
0xb5: {  	_ =	sfence  }
0xb6: {  	s30 =	sld [smem:$0x0];
	_ =	sdelay $0x2  }
0xb7: {  	s31 =	sshll.u32 s1, $0xD;
	s1 =	sshrl.u32 s1, $0x2  }
0xb8: {  	s3 =	sand.u32 $0x4000, s31;
	s1 =	sadd.s32 s1, s30  }
0xb9: {  	s0 =	sor.u32 s3, s0;
	s1 =	sshll.u32 s1, $0x11  }
0xba: {  	s0 =	sor.u32 s1, s0  }
0xbb: {  	s0 =	sadd.s32 $0x8F2B, s0  }
0xbc: {  	[sflag:s0] =	ssyncadd.remote.s32 $0x1  }
0xbd: {  	_ =	sfence.sel $0xFFFF  }
0xbe: {  	[dreg:$0x0] =	wrdreg $0xFFFFFFFF;
	(pc) =	sbr.abs _section_cstart, $3  }
0xbf: {  	[dreg:$0x1] =	wrdreg $0xFFFFFFFF  }
0xc0: {  	_ =	task.clear_ibuf [dreg:s6], $0x2FFFF;
	_ =	strace $0x9FFFFFFF  }
0xc1: {  	(tm) =	ssettm $0x7FFFFFFF  }
tec
execute0_lowered:
.L_overlay_start_1:
0x0: {  	(tag) =	ssettag $0x1  }
0x1: {  	s4 =	rddreg [dreg:$0x0]  }
0x2: {  	s0 =	rddreg [dreg:$0x1];
	s3 =	srdreg.scid  }
0x3: {  	s2 =	simm.s32 $0x0;
	s1 =	stileid.u32;
	s10 =	simm.s32 $0x3000  }
0x4: {  	s11 =	simm.s32 $0x4000;
	s12 =	simm.s32 $0x5000;
	s13 =	simm.s32 $0x6000  }
0x5: {  	s14 =	simm.s32 $0x7000;
	s15 =	simm.s32 $0x8000;
	s16 =	simm.s32 $0x9000  }
0x6: {  	s17 =	simm.s32 $0x1;
	s18 =	simm.s32 $0x0;
	s5 =	sand.u32 $0x1, s3  }
0x7: {  	[smem:$0x7FF] =	sst s2;
	s6 =	sshll.u32 s1, $0xE;
	s3 =	sadd.s32 $0x83E00, s4  }
0x8: {  	s30 =	sshll.u32 s1, $0x10;
	s7 =	sshll.u32 s5, $0xD;
	_ =	strace $0x80000050  }
0x9: {  	s8 =	ssub.s32 $0x2, s5;
	s5 =	sshll.u32 s5, $0xF;
	s6 =	sor.u32 s7, s6  }
0xa: {  	s7 =	sadd.s32 s30, s4;
	s9 =	sshrl.u32 s8, $0x1;
	s6 =	sshrl.u32 s6, $0x3  }
0xb: {  	s31 =	ssub.s32 s8, s9;
	s7 =	sadd.s32 s5, s7;
	s8 =	simm.s32 $0x80  }
0xc: {  	s9 =	simm.s32 $0x2000;
	s4 =	sadd.s32 s6, s4;
	s5 =	smax.u32 s31, $0x1  }
0xd: {  	s6 =	sadd.s32 $0xDBE00, s7;
	s7 =	simm.s32 $0x2;
	s4 =	sadd.s32 $0x93E00, s4  }
.LBB2_1:
0xe: {  	[tilespmem:s2], [sflag:$0x2] =	stream.linear.gather [hbm4b:s4+s2], $0x2000, $0x38;
	[tilespmem:$0xA000] =	vst v63  }
0xf: {  	_ =	swait.ge [sflag:s7], $0x2000  }
0x10: {  	[sflag:s7] =	ssyncset.done $0x0  }
0x11: {  	s19 =	simm.s32 $0x0;
	[sflag:s7] =	ssyncadd.s32 $0xFFFFE000  }
0x12: {  	[tilespmem:s9], [sflag:$0x1] =	stream.indirect.gather [hbm4b:s3+s8], $0x20, s19, s8, $0xb8;
	[tilespmem:$0xA000] =	vst v63  }
0x13: {  	s30 =	simm.s32 $0x80  }
0x14: {  	[tilespmem:s10], [sflag:$0x1] =	stream.indirect.gather [hbm4b:s3+s8], $0x20, s30, s8, $0xb8;
	[tilespmem:$0xA000] =	vst v63  }
0x15: {  	s31 =	simm.s32 $0x100  }
0x16: {  	[tilespmem:s11], [sflag:$0x1] =	stream.indirect.gather [hbm4b:s3+s8], $0x20, s31, s8, $0xb8;
	[tilespmem:$0xA000] =	vst v63  }
0x17: {  	s20 =	simm.s32 $0x180  }
0x18: {  	[tilespmem:s12], [sflag:$0x1] =	stream.indirect.gather [hbm4b:s3+s8], $0x20, s20, s8, $0xb8;
	[tilespmem:$0xA000] =	vst v63  }
0x19: {  	s21 =	simm.s32 $0x200  }
0x1a: {  	[tilespmem:s13], [sflag:$0x1] =	stream.indirect.gather [hbm4b:s3+s8], $0x20, s21, s8, $0xb8;
	[tilespmem:$0xA000] =	vst v63  }
0x1b: {  	s22 =	simm.s32 $0x280  }
0x1c: {  	[tilespmem:s14], [sflag:$0x1] =	stream.indirect.gather [hbm4b:s3+s8], $0x20, s22, s8, $0xb8;
	[tilespmem:$0xA000] =	vst v63  }
0x1d: {  	s23 =	simm.s32 $0x300  }
0x1e: {  	[tilespmem:s15], [sflag:$0x1] =	stream.indirect.gather [hbm4b:s3+s8], $0x20, s23, s8, $0xb8;
	[tilespmem:$0xA000] =	vst v63  }
0x1f: {  	s24 =	simm.s32 $0x380  }
0x20: {  	[tilespmem:s16], [sflag:$0x1] =	stream.indirect.gather [hbm4b:s3+s8], $0x20, s24, s8, $0xb8;
	[tilespmem:$0xA000] =	vst v63  }
0x21: {  	_ =	swait.ge [sflag:s17], $0x1000  }
0x22: {  	[sflag:s17] =	ssyncset.done $0x0  }
0x23: {  	[sflag:s17] =	ssyncadd.s32 $0xFFFFF000  }
0x24: {  	_ =	swait.ge [sflag:s17], $0x1000  }
0x25: {  	[sflag:s17] =	ssyncset.done $0x0  }
0x26: {  	[sflag:s17] =	ssyncadd.s32 $0xFFFFF000  }
0x27: {  	_ =	swait.ge [sflag:s17], $0x1000  }
0x28: {  	[sflag:s17] =	ssyncset.done $0x0  }
0x29: {  	[sflag:s17] =	ssyncadd.s32 $0xFFFFF000  }
0x2a: {  	_ =	swait.ge [sflag:s17], $0x1000  }
0x2b: {  	[sflag:s17] =	ssyncset.done $0x0  }
0x2c: {  	[sflag:s17] =	ssyncadd.s32 $0xFFFFF000  }
0x2d: {  	_ =	swait.ge [sflag:s17], $0x1000  }
0x2e: {  	[sflag:s17] =	ssyncset.done $0x0  }
0x2f: {  	[sflag:s17] =	ssyncadd.s32 $0xFFFFF000  }
0x30: {  	_ =	swait.ge [sflag:s17], $0x1000  }
0x31: {  	[sflag:s17] =	ssyncset.done $0x0  }
0x32: {  	[sflag:s17] =	ssyncadd.s32 $0xFFFFF000  }
0x33: {  	_ =	swait.ge [sflag:s17], $0x1000  }
0x34: {  	[sflag:s17] =	ssyncset.done $0x0  }
0x35: {  	[sflag:s17] =	ssyncadd.s32 $0xFFFFF000  }
0x36: {  	_ =	swait.ge [sflag:s17], $0x1000  }
0x37: {  	[sflag:s17] =	ssyncset.done $0x0  }
0x38: {  	s25 =	sadd.s32 $0x0, s6;
	[sflag:s17] =	ssyncadd.s32 $0xFFFFF000  }
0x39: {  	[hbm4b:s25+s2] =	stream.linear.scatter [tilespmem:s9], [sflag:$0x2], $0x1000, $0x38;
	[tilespmem:$0xA000] =	vst v63  }
0x3a: {  	_ =	swait.ge [sflag:s7], $0x1000  }
0x3b: {  	[sflag:s7] =	ssyncset.done $0x0  }
0x3c: {  	s20 =	sadd.s32 $0x200, s25;
	[sflag:s7] =	ssyncadd.s32 $0xFFFFF000  }
0x3d: {  	[hbm4b:s20+s2] =	stream.linear.scatter [tilespmem:s10], [sflag:$0x2], $0x1000, $0x38;
	[tilespmem:$0xA000] =	vst v63  }
0x3e: {  	_ =	swait.ge [sflag:s7], $0x1000  }
0x3f: {  	[sflag:s7] =	ssyncset.done $0x0  }
0x40: {  	s26 =	sadd.s32 $0x400, s25;
	[sflag:s7] =	ssyncadd.s32 $0xFFFFF000  }
0x41: {  	[hbm4b:s26+s2] =	stream.linear.scatter [tilespmem:s11], [sflag:$0x2], $0x1000, $0x38;
	[tilespmem:$0xA000] =	vst v63  }
0x42: {  	_ =	swait.ge [sflag:s7], $0x1000  }
0x43: {  	[sflag:s7] =	ssyncset.done $0x0  }
0x44: {  	s28 =	sadd.s32 $0x600, s25;
	[sflag:s7] =	ssyncadd.s32 $0xFFFFF000  }
0x45: {  	[hbm4b:s28+s2] =	stream.linear.scatter [tilespmem:s12], [sflag:$0x2], $0x1000, $0x38;
	[tilespmem:$0xA000] =	vst v63  }
0x46: {  	_ =	swait.ge [sflag:s7], $0x1000  }
0x47: {  	[sflag:s7] =	ssyncset.done $0x0  }
0x48: {  	s29 =	sadd.s32 $0x800, s25;
	[sflag:s7] =	ssyncadd.s32 $0xFFFFF000  }
0x49: {  	[hbm4b:s29+s2] =	stream.linear.scatter [tilespmem:s13], [sflag:$0x2], $0x1000, $0x38;
	[tilespmem:$0xA000] =	vst v63  }
0x4a: {  	_ =	swait.ge [sflag:s7], $0x1000  }
0x4b: {  	[sflag:s7] =	ssyncset.done $0x0  }
0x4c: {  	s30 =	sadd.s32 $0xA00, s25;
	[sflag:s7] =	ssyncadd.s32 $0xFFFFF000  }
0x4d: {  	[hbm4b:s30+s2] =	stream.linear.scatter [tilespmem:s14], [sflag:$0x2], $0x1000, $0x38;
	[tilespmem:$0xA000] =	vst v63  }
0x4e: {  	_ =	swait.ge [sflag:s7], $0x1000  }
0x4f: {  	[sflag:s7] =	ssyncset.done $0x0  }
0x50: {  	s31 =	sadd.s32 $0xC00, s25;
	[sflag:s7] =	ssyncadd.s32 $0xFFFFF000  }
0x51: {  	[hbm4b:s31+s2] =	stream.linear.scatter [tilespmem:s15], [sflag:$0x2], $0x1000, $0x38;
	[tilespmem:$0xA000] =	vst v63  }
0x52: {  	_ =	swait.ge [sflag:s7], $0x1000  }
0x53: {  	[sflag:s7] =	ssyncset.done $0x0  }
0x54: {  	s19 =	sadd.s32 $0xE00, s25;
	[sflag:s7] =	ssyncadd.s32 $0xFFFFF000  }
0x55: {  	[hbm4b:s19+s2] =	stream.linear.scatter [tilespmem:s16], [sflag:$0x2], $0x1000, $0x38;
	[tilespmem:$0xA000] =	vst v63  }
0x56: {  	_ =	swait.ge [sflag:s7], $0x1000  }
0x57: {  	s22 =	simm.s32 $0x2000;
	s19 =	simm.s32 $0x1000;
	[sflag:s7] =	ssyncset.done $0x0  }
.LBB2_2:
0x58: {  	s23 =	sshra.s32 s19, $0x2  }
0x59: {  	[sflag:s7] =	ssyncadd.s32 $0xFFFFF000;
	s21 =	smov.u32 s22;
	s20 =	sadd.s32 $0x1000, s22  }
0x5a: {  	[tilespmem:s9], [sflag:$0x1] =	stream.indirect.gather [hbm4b:s3+s8], $0x20, s23, s8, $0xb8;
	[tilespmem:$0xA000] =	vst v63  }
0x5b: {  	p0 =	sne.s32 s22, $0x7000;
	s22 =	sadd.s32 $0x80, s23  }
0x5c: {  	[tilespmem:s10], [sflag:$0x1] =	stream.indirect.gather [hbm4b:s3+s8], $0x20, s22, s8, $0xb8;
	[tilespmem:$0xA000] =	vst v63  }
0x5d: {  	s22 =	sadd.s32 $0x100, s23  }
0x5e: {  	[tilespmem:s11], [sflag:$0x1] =	stream.indirect.gather [hbm4b:s3+s8], $0x20, s22, s8, $0xb8;
	[tilespmem:$0xA000] =	vst v63  }
0x5f: {  	s22 =	sadd.s32 $0x180, s23  }
0x60: {  	[tilespmem:s12], [sflag:$0x1] =	stream.indirect.gather [hbm4b:s3+s8], $0x20, s22, s8, $0xb8;
	[tilespmem:$0xA000] =	vst v63  }
0x61: {  	s22 =	sadd.s32 $0x200, s23  }
0x62: {  	[tilespmem:s13], [sflag:$0x1] =	stream.indirect.gather [hbm4b:s3+s8], $0x20, s22, s8, $0xb8;
	[tilespmem:$0xA000] =	vst v63  }
0x63: {  	s22 =	sadd.s32 $0x280, s23  }
0x64: {  	[tilespmem:s14], [sflag:$0x1] =	stream.indirect.gather [hbm4b:s3+s8], $0x20, s22, s8, $0xb8;
	[tilespmem:$0xA000] =	vst v63  }
0x65: {  	s22 =	sadd.s32 $0x300, s23  }
0x66: {  	[tilespmem:s15], [sflag:$0x1] =	stream.indirect.gather [hbm4b:s3+s8], $0x20, s22, s8, $0xb8;
	[tilespmem:$0xA000] =	vst v63  }
0x67: {  	s22 =	sadd.s32 $0x380, s23  }
0x68: {  	[tilespmem:s16], [sflag:$0x1] =	stream.indirect.gather [hbm4b:s3+s8], $0x20, s22, s8, $0xb8;
	[tilespmem:$0xA000] =	vst v63  }
0x69: {  	_ =	swait.ge [sflag:s17], $0x1000  }
0x6a: {  	[sflag:s17] =	ssyncset.done $0x0  }
0x6b: {  	[sflag:s17] =	ssyncadd.s32 $0xFFFFF000  }
0x6c: {  	_ =	swait.ge [sflag:s17], $0x1000  }
0x6d: {  	[sflag:s17] =	ssyncset.done $0x0  }
0x6e: {  	[sflag:s17] =	ssyncadd.s32 $0xFFFFF000  }
0x6f: {  	_ =	swait.ge [sflag:s17], $0x1000  }
0x70: {  	[sflag:s17] =	ssyncset.done $0x0  }
0x71: {  	[sflag:s17] =	ssyncadd.s32 $0xFFFFF000  }
0x72: {  	_ =	swait.ge [sflag:s17], $0x1000  }
0x73: {  	[sflag:s17] =	ssyncset.done $0x0  }
0x74: {  	[sflag:s17] =	ssyncadd.s32 $0xFFFFF000  }
0x75: {  	_ =	swait.ge [sflag:s17], $0x1000  }
0x76: {  	[sflag:s17] =	ssyncset.done $0x0  }
0x77: {  	[sflag:s17] =	ssyncadd.s32 $0xFFFFF000  }
0x78: {  	_ =	swait.ge [sflag:s17], $0x1000  }
0x79: {  	[sflag:s17] =	ssyncset.done $0x0  }
0x7a: {  	[sflag:s17] =	ssyncadd.s32 $0xFFFFF000  }
0x7b: {  	_ =	swait.ge [sflag:s17], $0x1000  }
0x7c: {  	[sflag:s17] =	ssyncset.done $0x0  }
0x7d: {  	[sflag:s17] =	ssyncadd.s32 $0xFFFFF000  }
0x7e: {  	_ =	swait.ge [sflag:s17], $0x1000  }
0x7f: {  	[sflag:s17] =	ssyncset.done $0x0  }
0x80: {  	s22 =	sadd.s32 s19, s6;
	s19 =	smov.u32 s21;
	[sflag:s17] =	ssyncadd.s32 $0xFFFFF000  }
0x81: {  	[hbm4b:s22+s2] =	stream.linear.scatter [tilespmem:s9], [sflag:$0x2], $0x1000, $0x38;
	[tilespmem:$0xA000] =	vst v63  }
0x82: {  	_ =	swait.ge [sflag:s7], $0x1000  }
0x83: {  	[sflag:s7] =	ssyncset.done $0x0  }
0x84: {  	s21 =	sadd.s32 $0x200, s22;
	[sflag:s7] =	ssyncadd.s32 $0xFFFFF000  }
0x85: {  	[hbm4b:s21+s2] =	stream.linear.scatter [tilespmem:s10], [sflag:$0x2], $0x1000, $0x38;
	[tilespmem:$0xA000] =	vst v63  }
0x86: {  	_ =	swait.ge [sflag:s7], $0x1000  }
0x87: {  	[sflag:s7] =	ssyncset.done $0x0  }
0x88: {  	s21 =	sadd.s32 $0x400, s22;
	[sflag:s7] =	ssyncadd.s32 $0xFFFFF000  }
0x89: {  	[hbm4b:s21+s2] =	stream.linear.scatter [tilespmem:s11], [sflag:$0x2], $0x1000, $0x38;
	[tilespmem:$0xA000] =	vst v63  }
0x8a: {  	_ =	swait.ge [sflag:s7], $0x1000  }
0x8b: {  	[sflag:s7] =	ssyncset.done $0x0  }
0x8c: {  	s21 =	sadd.s32 $0x600, s22;
	[sflag:s7] =	ssyncadd.s32 $0xFFFFF000  }
0x8d: {  	[hbm4b:s21+s2] =	stream.linear.scatter [tilespmem:s12], [sflag:$0x2], $0x1000, $0x38;
	[tilespmem:$0xA000] =	vst v63  }
0x8e: {  	_ =	swait.ge [sflag:s7], $0x1000  }
0x8f: {  	[sflag:s7] =	ssyncset.done $0x0  }
0x90: {  	s21 =	sadd.s32 $0x800, s22;
	[sflag:s7] =	ssyncadd.s32 $0xFFFFF000  }
0x91: {  	[hbm4b:s21+s2] =	stream.linear.scatter [tilespmem:s13], [sflag:$0x2], $0x1000, $0x38;
	[tilespmem:$0xA000] =	vst v63  }
0x92: {  	_ =	swait.ge [sflag:s7], $0x1000  }
0x93: {  	[sflag:s7] =	ssyncset.done $0x0  }
0x94: {  	s21 =	sadd.s32 $0xA00, s22;
	[sflag:s7] =	ssyncadd.s32 $0xFFFFF000  }
0x95: {  	[hbm4b:s21+s2] =	stream.linear.scatter [tilespmem:s14], [sflag:$0x2], $0x1000, $0x38;
	[tilespmem:$0xA000] =	vst v63  }
0x96: {  	_ =	swait.ge [sflag:s7], $0x1000  }
0x97: {  	[sflag:s7] =	ssyncset.done $0x0  }
0x98: {  	s21 =	sadd.s32 $0xC00, s22;
	[sflag:s7] =	ssyncadd.s32 $0xFFFFF000  }
0x99: {  	[hbm4b:s21+s2] =	stream.linear.scatter [tilespmem:s15], [sflag:$0x2], $0x1000, $0x38;
	[tilespmem:$0xA000] =	vst v63  }
0x9a: {  	_ =	swait.ge [sflag:s7], $0x1000  }
.Ltmp0:
0x9b: {  	[sflag:s7] =	ssyncset.done $0x0;
	(pc) =	sbr.rel @p0 .LBB2_2-.Ltmp0, $4  }
0x9c: {  	s21 =	sadd.s32 $0xE00, s22;
	[sflag:s7] =	ssyncadd.s32 $0xFFFFF000  }
0x9d: {  	[hbm4b:s21+s2] =	stream.linear.scatter [tilespmem:s16], [sflag:$0x2], $0x1000, $0x38;
	[tilespmem:$0xA000] =	vst v63  }
0x9e: {  	_ =	swait.ge [sflag:s7], $0x1000  }
0x9f: {  	s22 =	smov.u32 s20;
	[sflag:s7] =	ssyncset.done $0x0  }
0xa0: {  	s20 =	sshra.s32 s19, $0x2;
	[sflag:s7] =	ssyncadd.s32 $0xFFFFF000  }
0xa1: {  	[tilespmem:s9], [sflag:$0x1] =	stream.indirect.gather [hbm4b:s3+s8], $0x20, s20, s8, $0xb8;
	[tilespmem:$0xA000] =	vst v63  }
0xa2: {  	s21 =	sadd.s32 $0x80, s20  }
0xa3: {  	[tilespmem:s10], [sflag:$0x1] =	stream.indirect.gather [hbm4b:s3+s8], $0x20, s21, s8, $0xb8;
	[tilespmem:$0xA000] =	vst v63  }
0xa4: {  	s29 =	sadd.s32 $0x100, s20  }
0xa5: {  	[tilespmem:s11], [sflag:$0x1] =	stream.indirect.gather [hbm4b:s3+s8], $0x20, s29, s8, $0xb8;
	[tilespmem:$0xA000] =	vst v63  }
0xa6: {  	s30 =	sadd.s32 $0x180, s20  }
0xa7: {  	[tilespmem:s12], [sflag:$0x1] =	stream.indirect.gather [hbm4b:s3+s8], $0x20, s30, s8, $0xb8;
	[tilespmem:$0xA000] =	vst v63  }
0xa8: {  	s31 =	sadd.s32 $0x200, s20  }
0xa9: {  	[tilespmem:s13], [sflag:$0x1] =	stream.indirect.gather [hbm4b:s3+s8], $0x20, s31, s8, $0xb8;
	[tilespmem:$0xA000] =	vst v63  }
0xaa: {  	s22 =	sadd.s32 $0x280, s20  }
0xab: {  	[tilespmem:s14], [sflag:$0x1] =	stream.indirect.gather [hbm4b:s3+s8], $0x20, s22, s8, $0xb8;
	[tilespmem:$0xA000] =	vst v63  }
0xac: {  	s23 =	sadd.s32 $0x300, s20  }
0xad: {  	[tilespmem:s15], [sflag:$0x1] =	stream.indirect.gather [hbm4b:s3+s8], $0x20, s23, s8, $0xb8;
	[tilespmem:$0xA000] =	vst v63  }
0xae: {  	s20 =	sadd.s32 $0x380, s20  }
0xaf: {  	[tilespmem:s16], [sflag:$0x1] =	stream.indirect.gather [hbm4b:s3+s8], $0x20, s20, s8, $0xb8;
	[tilespmem:$0xA000] =	vst v63  }
0xb0: {  	_ =	swait.ge [sflag:s17], $0x1000  }
0xb1: {  	[sflag:s17] =	ssyncset.done $0x0  }
0xb2: {  	[sflag:s17] =	ssyncadd.s32 $0xFFFFF000  }
0xb3: {  	_ =	swait.ge [sflag:s17], $0x1000  }
0xb4: {  	[sflag:s17] =	ssyncset.done $0x0  }
0xb5: {  	[sflag:s17] =	ssyncadd.s32 $0xFFFFF000  }
0xb6: {  	_ =	swait.ge [sflag:s17], $0x1000  }
0xb7: {  	[sflag:s17] =	ssyncset.done $0x0  }
0xb8: {  	[sflag:s17] =	ssyncadd.s32 $0xFFFFF000  }
0xb9: {  	_ =	swait.ge [sflag:s17], $0x1000  }
0xba: {  	[sflag:s17] =	ssyncset.done $0x0  }
0xbb: {  	[sflag:s17] =	ssyncadd.s32 $0xFFFFF000  }
0xbc: {  	_ =	swait.ge [sflag:s17], $0x1000  }
0xbd: {  	[sflag:s17] =	ssyncset.done $0x0  }
0xbe: {  	[sflag:s17] =	ssyncadd.s32 $0xFFFFF000  }
0xbf: {  	_ =	swait.ge [sflag:s17], $0x1000  }
0xc0: {  	[sflag:s17] =	ssyncset.done $0x0  }
0xc1: {  	[sflag:s17] =	ssyncadd.s32 $0xFFFFF000  }
0xc2: {  	_ =	swait.ge [sflag:s17], $0x1000  }
0xc3: {  	[sflag:s17] =	ssyncset.done $0x0  }
0xc4: {  	[sflag:s17] =	ssyncadd.s32 $0xFFFFF000  }
0xc5: {  	_ =	swait.ge [sflag:s17], $0x1000  }
0xc6: {  	[sflag:s17] =	ssyncset.done $0x0  }
0xc7: {  	s24 =	sadd.s32 s19, s6;
	[sflag:s17] =	ssyncadd.s32 $0xFFFFF000  }
0xc8: {  	[hbm4b:s24+s2] =	stream.linear.scatter [tilespmem:s9], [sflag:$0x2], $0x1000, $0x38;
	[tilespmem:$0xA000] =	vst v63  }
0xc9: {  	_ =	swait.ge [sflag:s7], $0x1000  }
0xca: {  	[sflag:s7] =	ssyncset.done $0x0  }
0xcb: {  	s25 =	sadd.s32 $0x200, s24;
	[sflag:s7] =	ssyncadd.s32 $0xFFFFF000  }
0xcc: {  	[hbm4b:s25+s2] =	stream.linear.scatter [tilespmem:s10], [sflag:$0x2], $0x1000, $0x38;
	[tilespmem:$0xA000] =	vst v63  }
0xcd: {  	_ =	swait.ge [sflag:s7], $0x1000  }
0xce: {  	[sflag:s7] =	ssyncset.done $0x0  }
0xcf: {  	s26 =	sadd.s32 $0x400, s24;
	[sflag:s7] =	ssyncadd.s32 $0xFFFFF000  }
0xd0: {  	[hbm4b:s26+s2] =	stream.linear.scatter [tilespmem:s11], [sflag:$0x2], $0x1000, $0x38;
	[tilespmem:$0xA000] =	vst v63  }
0xd1: {  	_ =	swait.ge [sflag:s7], $0x1000  }
0xd2: {  	[sflag:s7] =	ssyncset.done $0x0  }
0xd3: {  	s28 =	sadd.s32 $0x600, s24;
	[sflag:s7] =	ssyncadd.s32 $0xFFFFF000  }
0xd4: {  	[hbm4b:s28+s2] =	stream.linear.scatter [tilespmem:s12], [sflag:$0x2], $0x1000, $0x38;
	[tilespmem:$0xA000] =	vst v63  }
0xd5: {  	_ =	swait.ge [sflag:s7], $0x1000  }
0xd6: {  	[sflag:s7] =	ssyncset.done $0x0  }
0xd7: {  	s29 =	sadd.s32 $0x800, s24;
	[sflag:s7] =	ssyncadd.s32 $0xFFFFF000  }
0xd8: {  	[hbm4b:s29+s2] =	stream.linear.scatter [tilespmem:s13], [sflag:$0x2], $0x1000, $0x38;
	[tilespmem:$0xA000] =	vst v63  }
0xd9: {  	_ =	swait.ge [sflag:s7], $0x1000  }
0xda: {  	[sflag:s7] =	ssyncset.done $0x0  }
0xdb: {  	s30 =	sadd.s32 $0xA00, s24;
	[sflag:s7] =	ssyncadd.s32 $0xFFFFF000  }
0xdc: {  	[hbm4b:s30+s2] =	stream.linear.scatter [tilespmem:s14], [sflag:$0x2], $0x1000, $0x38;
	[tilespmem:$0xA000] =	vst v63  }
0xdd: {  	_ =	swait.ge [sflag:s7], $0x1000  }
0xde: {  	[sflag:s7] =	ssyncset.done $0x0  }
0xdf: {  	s31 =	sadd.s32 $0xC00, s24;
	[sflag:s7] =	ssyncadd.s32 $0xFFFFF000  }
0xe0: {  	[hbm4b:s31+s2] =	stream.linear.scatter [tilespmem:s15], [sflag:$0x2], $0x1000, $0x38;
	[tilespmem:$0xA000] =	vst v63  }
0xe1: {  	s18 =	sadd.s32 $0x1, s18;
	_ =	swait.ge [sflag:s7], $0x1000  }
0xe2: {  	p0 =	sne.s32 s18, s5;
	[sflag:s7] =	ssyncset.done $0x0  }
.Ltmp1:
0xe3: {  	s19 =	sadd.s32 $0xE00, s24;
	[sflag:s7] =	ssyncadd.s32 $0xFFFFF000;
	(pc) =	sbr.rel @p0 .LBB2_1-.Ltmp1, $4  }
0xe4: {  	[hbm4b:s19+s2] =	stream.linear.scatter [tilespmem:s16], [sflag:$0x2], $0x1000, $0x38;
	[tilespmem:$0xA000] =	vst v63  }
0xe5: {  	_ =	swait.ge [sflag:s7], $0x1000  }
0xe6: {  	[sflag:s7] =	ssyncset.done $0x0  }
0xe7: {  	[sflag:s7] =	ssyncadd.s32 $0xFFFFF000  }
0xe8: {  	_ =	sfence.sel $0x180000  }
0xe9: {  	[bflag:$0x0] =	sbarrier.arrive $0xFFFF  }
0xea: {  	p0 =	sne.s32 s1, $0x0;
	_ =	strace $0x90000050  }
0xeb: {  	s0 =	sadd.s32 @!p0 $0x100000, s0;
	[bflag:$0x2] =	sbarrier.arrive $0xFFFF  }
0xec: {  	[sflag:s0] =	ssyncadd.tile.s32 @!p0 $0x1;
	_ =	shalt  }
.Lfunc_end2:
_tile_overlayer_lowered:
.L_overlay_start_2:
0xed: {  	(tag) =	ssettag $0x2  }
0xee: {  	s0 =	rddreg [dreg:$0x0];
	s2 =	stileid.u32  }
0xef: {  	s1 =	rddreg [dreg:$0x1];
	p0 =	sne.s32 s2, $0x0  }
0xf0: {  	s3 =	rddreg [dreg:$0x2];
	[bflag:$0x3] =	sbarrier.arrive $0xFFFF;
	s2 =	simm.s32 @!p0 $0x1C02  }
0xf1: {  	[timem:s3], [sflag:s2] =	dma.local @!p0 [hbm:s0], s1  }
0xf2: {  	s0 =	simm.s32 @!p0 $0x2  }
0xf3: {  	_ =	swait.ge @!p0 [sflag:s0], s1  }
0xf4: {  	s1 =	ssub.s32 @!p0 $0x0, s1;
	[sflag:s0] =	ssyncset.done @!p0 $0x0  }
0xf5: {  	[sflag:s0] =	ssyncadd.s32 @!p0 s1  }
0xf6: {  	[bflag:$0x3] =	sbarrier.arrive $0xFFFF  }
0xf7: {  	_ =	shalt  }

</sc_bundles>
